<compile_context>
chip_gen: v7x
topology: tpu7x:2x2x1
jax: 0.10.2.dev20260603
libtpu: 0.0.44.dev20260713+nightly
codegen_flags: <defaults>
</compile_context>

<pallas_src>
import functools
import jax
import jax.numpy as jnp
from jax import lax
from jax.experimental import pallas as pl
from jax.experimental.pallas import tpu as pltpu
from jax.experimental.pallas import tpu_sc as plsc

_NC, _NS, _L = 2, 16, 16
_NW = _NC * _NS
_CB = 4
_NBUF = 4


def _make(B, T, D):
    rows_w = B // _NW
    nchunk = rows_w // _CB
    assert nchunk % _NBUF == 0
    mesh = plsc.VectorSubcoreMesh(core_axis_name="c", subcore_axis_name="s")

    @functools.partial(
        pl.kernel,
        out_type=jax.ShapeDtypeStruct((B, T, D), jnp.float32),
        mesh=mesh,
        scratch_types=(
            [pltpu.VMEM((_CB, T, D), jnp.float32)] * (2 * _NBUF)
            + [pltpu.VMEM((T, D), jnp.float32)]
            + [pltpu.SemaphoreType.DMA] * (2 * _NBUF)
        ),
    )
    def k(x_hbm, w_hbm, o_hbm, *rest):
        ibufs = rest[:_NBUF]
        obufs = rest[_NBUF:2 * _NBUF]
        w_v = rest[2 * _NBUF]
        isems = rest[2 * _NBUF + 1:2 * _NBUF + 1 + _NBUF]
        osems = rest[2 * _NBUF + 1 + _NBUF:]
        wid = lax.axis_index("s") * _NC + lax.axis_index("c")
        base = wid * rows_w

        pltpu.sync_copy(w_hbm, w_v)

        def in_copy(g, s):
            return pltpu.make_async_copy(
                x_hbm.at[pl.ds(base + g * _CB, _CB)], ibufs[s], isems[s])

        def out_copy(g, s):
            return pltpu.make_async_copy(
                obufs[s], o_hbm.at[pl.ds(base + g * _CB, _CB)], osems[s])

        for s in range(_NBUF):
            in_copy(s, s).start()

        def add_chunk(src, dst):
            def t_body(t, c):
                for j in range(D // _L):
                    sl = pl.ds(j * _L, _L)
                    wv = w_v[t, sl]
                    for i in range(_CB):
                        dst[i, t, sl] = src[i, t, sl] + wv
                return c
            lax.fori_loop(0, T, t_body, 0)

        def pair(gg, carry):
            for s in range(_NBUF):
                g = gg * _NBUF + s
                in_copy(g, s).wait()

                @pl.when(g >= _NBUF)
                def _():
                    out_copy(g - _NBUF, s).wait()

                add_chunk(ibufs[s], obufs[s])
                out_copy(g, s).start()

                @pl.when(g + _NBUF < nchunk)
                def _():
                    in_copy(g + _NBUF, s).start()
            return carry

        lax.fori_loop(0, nchunk // _NBUF, pair, 0)

        for s in range(_NBUF):
            out_copy(nchunk - _NBUF + s, s).wait()

    return k


def kernel(x, encoding_weight):
    B, T, D = x.shape
    return _make(B, T, D)(x, encoding_weight)

# --- scband reference (transcript-rebuilt; emitter-appended) ---
"""Pipeline reference for scband-role-encoding-26156350833183 (READ-ONLY COPY).

The authoritative reference and input builder live on the scoring server;
editing this copy changes nothing except your own understanding.
"""

import jax, jax.numpy as jnp
import numpy as np

N_MON_TOKENS = 12
N_MOVE_TOKENS = 8
N_TOKENS = N_MON_TOKENS + N_MOVE_TOKENS

BATCH = 16384
D_MODEL = 128
N_TOKENS_TABLE = 20


def setup_inputs(seed: int = 0) -> dict:
    key = jax.random.key(seed)
    kx, kw = jax.random.split(key)
    x = jax.random.normal(kx, (BATCH, N_TOKENS, D_MODEL), dtype=jnp.float32)
    # nn.Embedding weight: N(0, 1) init, shape [n_tokens, d_model]
    encoding_weight = jax.random.normal(kw, (N_TOKENS_TABLE, D_MODEL), dtype=jnp.float32)
    return {"x": x, "encoding_weight": encoding_weight}


def reference(x, encoding_weight):
    batch_size = x.shape[0]
    positions = jnp.arange(N_TOKENS, dtype=jnp.int32)[None, :]
    positions = jnp.broadcast_to(positions, (batch_size, N_TOKENS))
    # embedding lookup -> gather rows of the table
    pos_emb = jnp.take(encoding_weight, positions, axis=0)  # [B, N_TOKENS, D_MODEL]
    return x + pos_emb

if __name__ == "__main__":
    import jax
    _d = setup_inputs()
    print(jax.jit(kernel)(*tuple(_d.values())))

</pallas_src>

<mosaic_0001>
#map = affine_map<(d0, d1) -> (0, 0, 0)>
#map1 = affine_map<(d0, d1) -> (0, 0)>
module attributes {stable_mosaic.version = 14 : i64} {
  func.func @k(%arg0: i32, %arg1: i32, %arg2: memref<16384x20x128xf32, #tpu.memory_space<hbm>>, %arg3: memref<20x128xf32, #tpu.memory_space<hbm>>, %arg4: memref<16384x20x128xf32, #tpu.memory_space<hbm>>, %arg5: memref<4x20x128xf32, #tpu.memory_space<vmem>>, %arg6: memref<4x20x128xf32, #tpu.memory_space<vmem>>, %arg7: memref<4x20x128xf32, #tpu.memory_space<vmem>>, %arg8: memref<4x20x128xf32, #tpu.memory_space<vmem>>, %arg9: memref<4x20x128xf32, #tpu.memory_space<vmem>>, %arg10: memref<4x20x128xf32, #tpu.memory_space<vmem>>, %arg11: memref<4x20x128xf32, #tpu.memory_space<vmem>>, %arg12: memref<4x20x128xf32, #tpu.memory_space<vmem>>, %arg13: memref<20x128xf32, #tpu.memory_space<vmem>>, %arg14: memref<!tpu.dma_semaphore, #tpu.memory_space<semaphore_mem>>, %arg15: memref<!tpu.dma_semaphore, #tpu.memory_space<semaphore_mem>>, %arg16: memref<!tpu.dma_semaphore, #tpu.memory_space<semaphore_mem>>, %arg17: memref<!tpu.dma_semaphore, #tpu.memory_space<semaphore_mem>>, %arg18: memref<!tpu.dma_semaphore, #tpu.memory_space<semaphore_mem>>, %arg19: memref<!tpu.dma_semaphore, #tpu.memory_space<semaphore_mem>>, %arg20: memref<!tpu.dma_semaphore, #tpu.memory_space<semaphore_mem>>, %arg21: memref<!tpu.dma_semaphore, #tpu.memory_space<semaphore_mem>>) attributes {dimension_semantics = [#tpu.dimension_semantics<core_parallel>, #tpu.dimension_semantics<subcore_parallel>], iteration_bounds = array<i64: 2, 16>, scalar_prefetch = 0 : i64, scratch_operands = 17 : i64, tpu.core_type = #tpu.core_type<sc_vector_subcore>, window_params = [{transform_indices = #map}, {transform_indices = #map1}, {transform_indices = #map}]} {
    %mul3A = arith.constant 2 : i32
    %mul3A_0 = arith.muli %arg1, %mul3A : i32
    %add3A = arith.addi %mul3A_0, %arg0 : i32
    %mul3A_1 = arith.constant 512 : i32
    %mul3A_2 = arith.muli %add3A, %mul3A_1 : i32
    "tpu.region"() ({
      %run_scoped3A = tpu.sem_alloc : memref<!tpu.dma_semaphore, #tpu.memory_space<semaphore_mem>>
      tpu.enqueue_dma source(%arg3 : memref<20x128xf32, #tpu.memory_space<hbm>>) target(%arg13 : memref<20x128xf32, #tpu.memory_space<vmem>>) target_semaphore(%run_scoped3A : memref<!tpu.dma_semaphore, #tpu.memory_space<semaphore_mem>>)
      tpu.wait_dma2 semaphore(%run_scoped3A : memref<!tpu.dma_semaphore, #tpu.memory_space<semaphore_mem>>) src(%arg3 : memref<20x128xf32, #tpu.memory_space<hbm>>) dst(%arg13 : memref<20x128xf32, #tpu.memory_space<vmem>>)
      tpu.yield
    }) : () -> ()
    %add3A_3 = arith.constant 0 : i32
    %add3A_4 = arith.addi %mul3A_2, %add3A_3 : i32
    %dma_start3A = arith.constant 0 : i32
    %dma_start3A_5 = arith.constant 0 : i32
    %dma_start3A_6 = tpu.memref_slice %arg2[%add3A_4, %dma_start3A, %dma_start3A_5] : memref<16384x20x128xf32, #tpu.memory_space<hbm>> -> memref<4x20x128xf32, #tpu.memory_space<hbm>>
    %dma_start3A_7 = arith.constant 0 : i32
    %dma_start3A_8 = arith.constant 0 : i32
    %dma_start3A_9 = tpu.memref_slice %arg2[%add3A_4, %dma_start3A_7, %dma_start3A_8] : memref<16384x20x128xf32, #tpu.memory_space<hbm>> -> memref<4x20x128xf32, #tpu.memory_space<hbm>>
    tpu.enqueue_dma source(%dma_start3A_9 : memref<4x20x128xf32, #tpu.memory_space<hbm>>) target(%arg5 : memref<4x20x128xf32, #tpu.memory_space<vmem>>) target_semaphore(%arg14 : memref<!tpu.dma_semaphore, #tpu.memory_space<semaphore_mem>>)
    %add3A_10 = arith.constant 4 : i32
    %add3A_11 = arith.addi %mul3A_2, %add3A_10 : i32
    %dma_start3A_12 = arith.constant 0 : i32
    %dma_start3A_13 = arith.constant 0 : i32
    %dma_start3A_14 = tpu.memref_slice %arg2[%add3A_11, %dma_start3A_12, %dma_start3A_13] : memref<16384x20x128xf32, #tpu.memory_space<hbm>> -> memref<4x20x128xf32, #tpu.memory_space<hbm>>
    %dma_start3A_15 = arith.constant 0 : i32
    %dma_start3A_16 = arith.constant 0 : i32
    %dma_start3A_17 = tpu.memref_slice %arg2[%add3A_11, %dma_start3A_15, %dma_start3A_16] : memref<16384x20x128xf32, #tpu.memory_space<hbm>> -> memref<4x20x128xf32, #tpu.memory_space<hbm>>
    tpu.enqueue_dma source(%dma_start3A_17 : memref<4x20x128xf32, #tpu.memory_space<hbm>>) target(%arg6 : memref<4x20x128xf32, #tpu.memory_space<vmem>>) target_semaphore(%arg15 : memref<!tpu.dma_semaphore, #tpu.memory_space<semaphore_mem>>)
    %add3A_18 = arith.constant 8 : i32
    %add3A_19 = arith.addi %mul3A_2, %add3A_18 : i32
    %dma_start3A_20 = arith.constant 0 : i32
    %dma_start3A_21 = arith.constant 0 : i32
    %dma_start3A_22 = tpu.memref_slice %arg2[%add3A_19, %dma_start3A_20, %dma_start3A_21] : memref<16384x20x128xf32, #tpu.memory_space<hbm>> -> memref<4x20x128xf32, #tpu.memory_space<hbm>>
    %dma_start3A_23 = arith.constant 0 : i32
    %dma_start3A_24 = arith.constant 0 : i32
    %dma_start3A_25 = tpu.memref_slice %arg2[%add3A_19, %dma_start3A_23, %dma_start3A_24] : memref<16384x20x128xf32, #tpu.memory_space<hbm>> -> memref<4x20x128xf32, #tpu.memory_space<hbm>>
    tpu.enqueue_dma source(%dma_start3A_25 : memref<4x20x128xf32, #tpu.memory_space<hbm>>) target(%arg7 : memref<4x20x128xf32, #tpu.memory_space<vmem>>) target_semaphore(%arg16 : memref<!tpu.dma_semaphore, #tpu.memory_space<semaphore_mem>>)
    %add3A_26 = arith.constant 12 : i32
    %add3A_27 = arith.addi %mul3A_2, %add3A_26 : i32
    %dma_start3A_28 = arith.constant 0 : i32
    %dma_start3A_29 = arith.constant 0 : i32
    %dma_start3A_30 = tpu.memref_slice %arg2[%add3A_27, %dma_start3A_28, %dma_start3A_29] : memref<16384x20x128xf32, #tpu.memory_space<hbm>> -> memref<4x20x128xf32, #tpu.memory_space<hbm>>
    %dma_start3A_31 = arith.constant 0 : i32
    %dma_start3A_32 = arith.constant 0 : i32
    %dma_start3A_33 = tpu.memref_slice %arg2[%add3A_27, %dma_start3A_31, %dma_start3A_32] : memref<16384x20x128xf32, #tpu.memory_space<hbm>> -> memref<4x20x128xf32, #tpu.memory_space<hbm>>
    tpu.enqueue_dma source(%dma_start3A_33 : memref<4x20x128xf32, #tpu.memory_space<hbm>>) target(%arg8 : memref<4x20x128xf32, #tpu.memory_space<vmem>>) target_semaphore(%arg17 : memref<!tpu.dma_semaphore, #tpu.memory_space<semaphore_mem>>)
    %scan3A = arith.constant 0 : i32
    %scan3A_34 = arith.constant 0 : i32
    %scan3A_35 = arith.constant 32 : i32
    %scan3A_36 = arith.addi %scan3A_34, %scan3A_35 : i32
    %scan3A_37 = arith.constant 1 : i32
    scf.for %scan3A_70 = %scan3A_34 to %scan3A_36 step %scan3A_37  : i32 {
      %mul3A_71 = arith.constant 4 : i32
      %mul3A_72 = arith.muli %scan3A_70, %mul3A_71 : i32
      %add3A_73 = arith.constant 0 : i32
      %add3A_74 = arith.addi %mul3A_72, %add3A_73 : i32
      %mul3A_75 = arith.constant 4 : i32
      %mul3A_76 = arith.muli %add3A_74, %mul3A_75 : i32
      %add3A_77 = arith.addi %mul3A_2, %mul3A_76 : i32
      %dma_wait3A_78 = arith.constant 0 : i32
      %dma_wait3A_79 = arith.constant 0 : i32
      %dma_wait3A_80 = tpu.memref_slice %arg2[%add3A_77, %dma_wait3A_78, %dma_wait3A_79] : memref<16384x20x128xf32, #tpu.memory_space<hbm>> -> memref<4x20x128xf32, #tpu.memory_space<hbm>>
      %dma_wait3A_81 = arith.constant 0 : i32
      %dma_wait3A_82 = arith.constant 0 : i32
      %dma_wait3A_83 = tpu.memref_slice %arg2[%add3A_77, %dma_wait3A_81, %dma_wait3A_82] : memref<16384x20x128xf32, #tpu.memory_space<hbm>> -> memref<4x20x128xf32, #tpu.memory_space<hbm>>
      tpu.wait_dma2 semaphore(%arg14 : memref<!tpu.dma_semaphore, #tpu.memory_space<semaphore_mem>>) src(%dma_wait3A_83 : memref<4x20x128xf32, #tpu.memory_space<hbm>>) dst(%arg5 : memref<4x20x128xf32, #tpu.memory_space<vmem>>)
      %ge3A = arith.constant 4 : i32
      %ge3A_84 = arith.cmpi sge, %add3A_74, %ge3A : i32
      %convert_element_type3A = arith.extui %ge3A_84 : i1 to i32
      %cond3A = arith.constant 0 : i32
      %cond3A_85 = arith.cmpi ne, %convert_element_type3A, %cond3A : i32
      scf.if %cond3A_85 {
        %sub3A = arith.constant 4 : i32
        %sub3A_227 = arith.subi %add3A_74, %sub3A : i32
        %mul3A_228 = arith.constant 4 : i32
        %mul3A_229 = arith.muli %sub3A_227, %mul3A_228 : i32
        %add3A_230 = arith.addi %mul3A_2, %mul3A_229 : i32
        %dma_wait3A_231 = arith.constant 0 : i32
        %dma_wait3A_232 = arith.constant 0 : i32
        %dma_wait3A_233 = tpu.memref_slice %arg4[%add3A_230, %dma_wait3A_231, %dma_wait3A_232] : memref<16384x20x128xf32, #tpu.memory_space<hbm>> -> memref<4x20x128xf32, #tpu.memory_space<hbm>>
        %dma_wait3A_234 = arith.constant 0 : i32
        %dma_wait3A_235 = arith.constant 0 : i32
        %dma_wait3A_236 = tpu.memref_slice %arg4[%add3A_230, %dma_wait3A_234, %dma_wait3A_235] : memref<16384x20x128xf32, #tpu.memory_space<hbm>> -> memref<4x20x128xf32, #tpu.memory_space<hbm>>
        tpu.wait_dma2 semaphore(%arg18 : memref<!tpu.dma_semaphore, #tpu.memory_space<semaphore_mem>>) src(%arg9 : memref<4x20x128xf32, #tpu.memory_space<vmem>>) dst(%dma_wait3A_236 : memref<4x20x128xf32, #tpu.memory_space<hbm>>)
      } else {
      }
      %scan3A_86 = arith.constant 0 : i32
      %scan3A_87 = arith.constant 0 : i32
      %scan3A_88 = arith.constant 20 : i32
      %scan3A_89 = arith.addi %scan3A_87, %scan3A_88 : i32
      %scan3A_90 = arith.constant 1 : i32
      scf.for %scan3A_227 = %scan3A_87 to %scan3A_89 step %scan3A_90  : i32 {
        %get3A = arith.index_cast %scan3A_227 : i32 to index
        %get3A_228 = arith.constant 0 : index
        %get3A_229 = tpu.vector_load %arg13[%get3A, %get3A_228] {strides = array<i32>} : memref<20x128xf32, #tpu.memory_space<vmem>>, vector<1x16xf32>,
        %get3A_230 = vector.shape_cast %get3A_229 : vector<1x16xf32> to vector<16xf32>
        %get3A_231 = arith.constant 0 : i32
        %get3A_232 = arith.index_cast %get3A_231 : i32 to index
        %get3A_233 = arith.index_cast %scan3A_227 : i32 to index
        %get3A_234 = arith.constant 0 : index
        %get3A_235 = tpu.vector_load %arg5[%get3A_232, %get3A_233, %get3A_234] {strides = array<i32>} : memref<4x20x128xf32, #tpu.memory_space<vmem>>, vector<1x1x16xf32>,
        %get3A_236 = vector.shape_cast %get3A_235 : vector<1x1x16xf32> to vector<16xf32>
        %add3A_237 = arith.addf %get3A_236, %get3A_230 : vector<16xf32>
        %swap3A = arith.constant 0 : i32
        %swap3A_238 = arith.index_cast %swap3A : i32 to index
        %swap3A_239 = arith.index_cast %scan3A_227 : i32 to index
        %swap3A_240 = arith.constant 0 : index
        %swap3A_241 = tpu.vector_load %arg9[%swap3A_238, %swap3A_239, %swap3A_240] {strides = array<i32>} : memref<4x20x128xf32, #tpu.memory_space<vmem>>, vector<1x1x16xf32>,
        %swap3A_242 = vector.shape_cast %swap3A_241 : vector<1x1x16xf32> to vector<16xf32>
        %swap3A_243 = vector.shape_cast %add3A_237 : vector<16xf32> to vector<1x1x16xf32>
        tpu.vector_store %arg9[%swap3A_238, %swap3A_239, %swap3A_240], %swap3A_243 {strides = array<i32>} : memref<4x20x128xf32, #tpu.memory_space<vmem>>, vector<1x1x16xf32>,
        %get3A_244 = arith.constant 1 : i32
        %get3A_245 = arith.index_cast %get3A_244 : i32 to index
        %get3A_246 = arith.index_cast %scan3A_227 : i32 to index
        %get3A_247 = arith.constant 0 : index
        %get3A_248 = tpu.vector_load %arg5[%get3A_245, %get3A_246, %get3A_247] {strides = array<i32>} : memref<4x20x128xf32, #tpu.memory_space<vmem>>, vector<1x1x16xf32>,
        %get3A_249 = vector.shape_cast %get3A_248 : vector<1x1x16xf32> to vector<16xf32>
        %add3A_250 = arith.addf %get3A_249, %get3A_230 : vector<16xf32>
        %swap3A_251 = arith.constant 1 : i32
        %swap3A_252 = arith.index_cast %swap3A_251 : i32 to index
        %swap3A_253 = arith.index_cast %scan3A_227 : i32 to index
        %swap3A_254 = arith.constant 0 : index
        %swap3A_255 = tpu.vector_load %arg9[%swap3A_252, %swap3A_253, %swap3A_254] {strides = array<i32>} : memref<4x20x128xf32, #tpu.memory_space<vmem>>, vector<1x1x16xf32>,
        %swap3A_256 = vector.shape_cast %swap3A_255 : vector<1x1x16xf32> to vector<16xf32>
        %swap3A_257 = vector.shape_cast %add3A_250 : vector<16xf32> to vector<1x1x16xf32>
        tpu.vector_store %arg9[%swap3A_252, %swap3A_253, %swap3A_254], %swap3A_257 {strides = array<i32>} : memref<4x20x128xf32, #tpu.memory_space<vmem>>, vector<1x1x16xf32>,
        %get3A_258 = arith.constant 2 : i32
        %get3A_259 = arith.index_cast %get3A_258 : i32 to index
        %get3A_260 = arith.index_cast %scan3A_227 : i32 to index
        %get3A_261 = arith.constant 0 : index
        %get3A_262 = tpu.vector_load %arg5[%get3A_259, %get3A_260, %get3A_261] {strides = array<i32>} : memref<4x20x128xf32, #tpu.memory_space<vmem>>, vector<1x1x16xf32>,
        %get3A_263 = vector.shape_cast %get3A_262 : vector<1x1x16xf32> to vector<16xf32>
        %add3A_264 = arith.addf %get3A_263, %get3A_230 : vector<16xf32>
        %swap3A_265 = arith.constant 2 : i32
        %swap3A_266 = arith.index_cast %swap3A_265 : i32 to index
        %swap3A_267 = arith.index_cast %scan3A_227 : i32 to index
        %swap3A_268 = arith.constant 0 : index
        %swap3A_269 = tpu.vector_load %arg9[%swap3A_266, %swap3A_267, %swap3A_268] {strides = array<i32>} : memref<4x20x128xf32, #tpu.memory_space<vmem>>, vector<1x1x16xf32>,
        %swap3A_270 = vector.shape_cast %swap3A_269 : vector<1x1x16xf32> to vector<16xf32>
        %swap3A_271 = vector.shape_cast %add3A_264 : vector<16xf32> to vector<1x1x16xf32>
        tpu.vector_store %arg9[%swap3A_266, %swap3A_267, %swap3A_268], %swap3A_271 {strides = array<i32>} : memref<4x20x128xf32, #tpu.memory_space<vmem>>, vector<1x1x16xf32>,
        %get3A_272 = arith.constant 3 : i32
        %get3A_273 = arith.index_cast %get3A_272 : i32 to index
        %get3A_274 = arith.index_cast %scan3A_227 : i32 to index
        %get3A_275 = arith.constant 0 : index
        %get3A_276 = tpu.vector_load %arg5[%get3A_273, %get3A_274, %get3A_275] {strides = array<i32>} : memref<4x20x128xf32, #tpu.memory_space<vmem>>, vector<1x1x16xf32>,
        %get3A_277 = vector.shape_cast %get3A_276 : vector<1x1x16xf32> to vector<16xf32>
        %add3A_278 = arith.addf %get3A_277, %get3A_230 : vector<16xf32>
        %swap3A_279 = arith.constant 3 : i32
        %swap3A_280 = arith.index_cast %swap3A_279 : i32 to index
        %swap3A_281 = arith.index_cast %scan3A_227 : i32 to index
        %swap3A_282 = arith.constant 0 : index
        %swap3A_283 = tpu.vector_load %arg9[%swap3A_280, %swap3A_281, %swap3A_282] {strides = array<i32>} : memref<4x20x128xf32, #tpu.memory_space<vmem>>, vector<1x1x16xf32>,
        %swap3A_284 = vector.shape_cast %swap3A_283 : vector<1x1x16xf32> to vector<16xf32>
        %swap3A_285 = vector.shape_cast %add3A_278 : vector<16xf32> to vector<1x1x16xf32>
        tpu.vector_store %arg9[%swap3A_280, %swap3A_281, %swap3A_282], %swap3A_285 {strides = array<i32>} : memref<4x20x128xf32, #tpu.memory_space<vmem>>, vector<1x1x16xf32>,
        %get3A_286 = arith.index_cast %scan3A_227 : i32 to index
        %get3A_287 = arith.constant 16 : index
        %get3A_288 = tpu.vector_load %arg13[%get3A_286, %get3A_287] {strides = array<i32>} : memref<20x128xf32, #tpu.memory_space<vmem>>, vector<1x16xf32>,
        %get3A_289 = vector.shape_cast %get3A_288 : vector<1x16xf32> to vector<16xf32>
        %get3A_290 = arith.constant 0 : i32
        %get3A_291 = arith.index_cast %get3A_290 : i32 to index
        %get3A_292 = arith.index_cast %scan3A_227 : i32 to index
        %get3A_293 = arith.constant 16 : index
        %get3A_294 = tpu.vector_load %arg5[%get3A_291, %get3A_292, %get3A_293] {strides = array<i32>} : memref<4x20x128xf32, #tpu.memory_space<vmem>>, vector<1x1x16xf32>,
        %get3A_295 = vector.shape_cast %get3A_294 : vector<1x1x16xf32> to vector<16xf32>
        %add3A_296 = arith.addf %get3A_295, %get3A_289 : vector<16xf32>
        %swap3A_297 = arith.constant 0 : i32
        %swap3A_298 = arith.index_cast %swap3A_297 : i32 to index
        %swap3A_299 = arith.index_cast %scan3A_227 : i32 to index
        %swap3A_300 = arith.constant 16 : index
        %swap3A_301 = tpu.vector_load %arg9[%swap3A_298, %swap3A_299, %swap3A_300] {strides = array<i32>} : memref<4x20x128xf32, #tpu.memory_space<vmem>>, vector<1x1x16xf32>,
        %swap3A_302 = vector.shape_cast %swap3A_301 : vector<1x1x16xf32> to vector<16xf32>
        %swap3A_303 = vector.shape_cast %add3A_296 : vector<16xf32> to vector<1x1x16xf32>
        tpu.vector_store %arg9[%swap3A_298, %swap3A_299, %swap3A_300], %swap3A_303 {strides = array<i32>} : memref<4x20x128xf32, #tpu.memory_space<vmem>>, vector<1x1x16xf32>,
        %get3A_304 = arith.constant 1 : i32
        %get3A_305 = arith.index_cast %get3A_304 : i32 to index
        %get3A_306 = arith.index_cast %scan3A_227 : i32 to index
        %get3A_307 = arith.constant 16 : index
        %get3A_308 = tpu.vector_load %arg5[%get3A_305, %get3A_306, %get3A_307] {strides = array<i32>} : memref<4x20x128xf32, #tpu.memory_space<vmem>>, vector<1x1x16xf32>,
        %get3A_309 = vector.shape_cast %get3A_308 : vector<1x1x16xf32> to vector<16xf32>
        %add3A_310 = arith.addf %get3A_309, %get3A_289 : vector<16xf32>
        %swap3A_311 = arith.constant 1 : i32
        %swap3A_312 = arith.index_cast %swap3A_311 : i32 to index
        %swap3A_313 = arith.index_cast %scan3A_227 : i32 to index
        %swap3A_314 = arith.constant 16 : index
        %swap3A_315 = tpu.vector_load %arg9[%swap3A_312, %swap3A_313, %swap3A_314] {strides = array<i32>} : memref<4x20x128xf32, #tpu.memory_space<vmem>>, vector<1x1x16xf32>,
        %swap3A_316 = vector.shape_cast %swap3A_315 : vector<1x1x16xf32> to vector<16xf32>
        %swap3A_317 = vector.shape_cast %add3A_310 : vector<16xf32> to vector<1x1x16xf32>
        tpu.vector_store %arg9[%swap3A_312, %swap3A_313, %swap3A_314], %swap3A_317 {strides = array<i32>} : memref<4x20x128xf32, #tpu.memory_space<vmem>>, vector<1x1x16xf32>,
        %get3A_318 = arith.constant 2 : i32
        %get3A_319 = arith.index_cast %get3A_318 : i32 to index
        %get3A_320 = arith.index_cast %scan3A_227 : i32 to index
        %get3A_321 = arith.constant 16 : index
        %get3A_322 = tpu.vector_load %arg5[%get3A_319, %get3A_320, %get3A_321] {strides = array<i32>} : memref<4x20x128xf32, #tpu.memory_space<vmem>>, vector<1x1x16xf32>,
        %get3A_323 = vector.shape_cast %get3A_322 : vector<1x1x16xf32> to vector<16xf32>
        %add3A_324 = arith.addf %get3A_323, %get3A_289 : vector<16xf32>
        %swap3A_325 = arith.constant 2 : i32
        %swap3A_326 = arith.index_cast %swap3A_325 : i32 to index
        %swap3A_327 = arith.index_cast %scan3A_227 : i32 to index
        %swap3A_328 = arith.constant 16 : index
        %swap3A_329 = tpu.vector_load %arg9[%swap3A_326, %swap3A_327, %swap3A_328] {strides = array<i32>} : memref<4x20x128xf32, #tpu.memory_space<vmem>>, vector<1x1x16xf32>,
        %swap3A_330 = vector.shape_cast %swap3A_329 : vector<1x1x16xf32> to vector<16xf32>
        %swap3A_331 = vector.shape_cast %add3A_324 : vector<16xf32> to vector<1x1x16xf32>
        tpu.vector_store %arg9[%swap3A_326, %swap3A_327, %swap3A_328], %swap3A_331 {strides = array<i32>} : memref<4x20x128xf32, #tpu.memory_space<vmem>>, vector<1x1x16xf32>,
        %get3A_332 = arith.constant 3 : i32
        %get3A_333 = arith.index_cast %get3A_332 : i32 to index
        %get3A_334 = arith.index_cast %scan3A_227 : i32 to index
        %get3A_335 = arith.constant 16 : index
        %get3A_336 = tpu.vector_load %arg5[%get3A_333, %get3A_334, %get3A_335] {strides = array<i32>} : memref<4x20x128xf32, #tpu.memory_space<vmem>>, vector<1x1x16xf32>,
        %get3A_337 = vector.shape_cast %get3A_336 : vector<1x1x16xf32> to vector<16xf32>
        %add3A_338 = arith.addf %get3A_337, %get3A_289 : vector<16xf32>
        %swap3A_339 = arith.constant 3 : i32
        %swap3A_340 = arith.index_cast %swap3A_339 : i32 to index
        %swap3A_341 = arith.index_cast %scan3A_227 : i32 to index
        %swap3A_342 = arith.constant 16 : index
        %swap3A_343 = tpu.vector_load %arg9[%swap3A_340, %swap3A_341, %swap3A_342] {strides = array<i32>} : memref<4x20x128xf32, #tpu.memory_space<vmem>>, vector<1x1x16xf32>,
        %swap3A_344 = vector.shape_cast %swap3A_343 : vector<1x1x16xf32> to vector<16xf32>
        %swap3A_345 = vector.shape_cast %add3A_338 : vector<16xf32> to vector<1x1x16xf32>
        tpu.vector_store %arg9[%swap3A_340, %swap3A_341, %swap3A_342], %swap3A_345 {strides = array<i32>} : memref<4x20x128xf32, #tpu.memory_space<vmem>>, vector<1x1x16xf32>,
        %get3A_346 = arith.index_cast %scan3A_227 : i32 to index
        %get3A_347 = arith.constant 32 : index
        %get3A_348 = tpu.vector_load %arg13[%get3A_346, %get3A_347] {strides = array<i32>} : memref<20x128xf32, #tpu.memory_space<vmem>>, vector<1x16xf32>,
        %get3A_349 = vector.shape_cast %get3A_348 : vector<1x16xf32> to vector<16xf32>
        %get3A_350 = arith.constant 0 : i32
        %get3A_351 = arith.index_cast %get3A_350 : i32 to index
        %get3A_352 = arith.index_cast %scan3A_227 : i32 to index
        %get3A_353 = arith.constant 32 : index
        %get3A_354 = tpu.vector_load %arg5[%get3A_351, %get3A_352, %get3A_353] {strides = array<i32>} : memref<4x20x128xf32, #tpu.memory_space<vmem>>, vector<1x1x16xf32>,
        %get3A_355 = vector.shape_cast %get3A_354 : vector<1x1x16xf32> to vector<16xf32>
        %add3A_356 = arith.addf %get3A_355, %get3A_349 : vector<16xf32>
        %swap3A_357 = arith.constant 0 : i32
        %swap3A_358 = arith.index_cast %swap3A_357 : i32 to index
        %swap3A_359 = arith.index_cast %scan3A_227 : i32 to index
        %swap3A_360 = arith.constant 32 : index
        %swap3A_361 = tpu.vector_load %arg9[%swap3A_358, %swap3A_359, %swap3A_360] {strides = array<i32>} : memref<4x20x128xf32, #tpu.memory_space<vmem>>, vector<1x1x16xf32>,
        %swap3A_362 = vector.shape_cast %swap3A_361 : vector<1x1x16xf32> to vector<16xf32>
        %swap3A_363 = vector.shape_cast %add3A_356 : vector<16xf32> to vector<1x1x16xf32>
        tpu.vector_store %arg9[%swap3A_358, %swap3A_359, %swap3A_360], %swap3A_363 {strides = array<i32>} : memref<4x20x128xf32, #tpu.memory_space<vmem>>, vector<1x1x16xf32>,
        %get3A_364 = arith.constant 1 : i32
        %get3A_365 = arith.index_cast %get3A_364 : i32 to index
        %get3A_366 = arith.index_cast %scan3A_227 : i32 to index
        %get3A_367 = arith.constant 32 : index
        %get3A_368 = tpu.vector_load %arg5[%get3A_365, %get3A_366, %get3A_367] {strides = array<i32>} : memref<4x20x128xf32, #tpu.memory_space<vmem>>, vector<1x1x16xf32>,
        %get3A_369 = vector.shape_cast %get3A_368 : vector<1x1x16xf32> to vector<16xf32>
        %add3A_370 = arith.addf %get3A_369, %get3A_349 : vector<16xf32>
        %swap3A_371 = arith.constant 1 : i32
        %swap3A_372 = arith.index_cast %swap3A_371 : i32 to index
        %swap3A_373 = arith.index_cast %scan3A_227 : i32 to index
        %swap3A_374 = arith.constant 32 : index
        %swap3A_375 = tpu.vector_load %arg9[%swap3A_372, %swap3A_373, %swap3A_374] {strides = array<i32>} : memref<4x20x128xf32, #tpu.memory_space<vmem>>, vector<1x1x16xf32>,
        %swap3A_376 = vector.shape_cast %swap3A_375 : vector<1x1x16xf32> to vector<16xf32>
        %swap3A_377 = vector.shape_cast %add3A_370 : vector<16xf32> to vector<1x1x16xf32>
        tpu.vector_store %arg9[%swap3A_372, %swap3A_373, %swap3A_374], %swap3A_377 {strides = array<i32>} : memref<4x20x128xf32, #tpu.memory_space<vmem>>, vector<1x1x16xf32>,
        %get3A_378 = arith.constant 2 : i32
        %get3A_379 = arith.index_cast %get3A_378 : i32 to index
        %get3A_380 = arith.index_cast %scan3A_227 : i32 to index
        %get3A_381 = arith.constant 32 : index
        %get3A_382 = tpu.vector_load %arg5[%get3A_379, %get3A_380, %get3A_381] {strides = array<i32>} : memref<4x20x128xf32, #tpu.memory_space<vmem>>, vector<1x1x16xf32>,
        %get3A_383 = vector.shape_cast %get3A_382 : vector<1x1x16xf32> to vector<16xf32>
        %add3A_384 = arith.addf %get3A_383, %get3A_349 : vector<16xf32>
        %swap3A_385 = arith.constant 2 : i32
        %swap3A_386 = arith.index_cast %swap3A_385 : i32 to index
        %swap3A_387 = arith.index_cast %scan3A_227 : i32 to index
        %swap3A_388 = arith.constant 32 : index
        %swap3A_389 = tpu.vector_load %arg9[%swap3A_386, %swap3A_387, %swap3A_388] {strides = array<i32>} : memref<4x20x128xf32, #tpu.memory_space<vmem>>, vector<1x1x16xf32>,
        %swap3A_390 = vector.shape_cast %swap3A_389 : vector<1x1x16xf32> to vector<16xf32>
        %swap3A_391 = vector.shape_cast %add3A_384 : vector<16xf32> to vector<1x1x16xf32>
        tpu.vector_store %arg9[%swap3A_386, %swap3A_387, %swap3A_388], %swap3A_391 {strides = array<i32>} : memref<4x20x128xf32, #tpu.memory_space<vmem>>, vector<1x1x16xf32>,
        %get3A_392 = arith.constant 3 : i32
        %get3A_393 = arith.index_cast %get3A_392 : i32 to index
        %get3A_394 = arith.index_cast %scan3A_227 : i32 to index
        %get3A_395 = arith.constant 32 : index
        %get3A_396 = tpu.vector_load %arg5[%get3A_393, %get3A_394, %get3A_395] {strides = array<i32>} : memref<4x20x128xf32, #tpu.memory_space<vmem>>, vector<1x1x16xf32>,
        %get3A_397 = vector.shape_cast %get3A_396 : vector<1x1x16xf32> to vector<16xf32>
        %add3A_398 = arith.addf %get3A_397, %get3A_349 : vector<16xf32>
        %swap3A_399 = arith.constant 3 : i32
        %swap3A_400 = arith.index_cast %swap3A_399 : i32 to index
        %swap3A_401 = arith.index_cast %scan3A_227 : i32 to index
        %swap3A_402 = arith.constant 32 : index
        %swap3A_403 = tpu.vector_load %arg9[%swap3A_400, %swap3A_401, %swap3A_402] {strides = array<i32>} : memref<4x20x128xf32, #tpu.memory_space<vmem>>, vector<1x1x16xf32>,
        %swap3A_404 = vector.shape_cast %swap3A_403 : vector<1x1x16xf32> to vector<16xf32>
        %swap3A_405 = vector.shape_cast %add3A_398 : vector<16xf32> to vector<1x1x16xf32>
        tpu.vector_store %arg9[%swap3A_400, %swap3A_401, %swap3A_402], %swap3A_405 {strides = array<i32>} : memref<4x20x128xf32, #tpu.memory_space<vmem>>, vector<1x1x16xf32>,
        %get3A_406 = arith.index_cast %scan3A_227 : i32 to index
        %get3A_407 = arith.constant 48 : index
        %get3A_408 = tpu.vector_load %arg13[%get3A_406, %get3A_407] {strides = array<i32>} : memref<20x128xf32, #tpu.memory_space<vmem>>, vector<1x16xf32>,
        %get3A_409 = vector.shape_cast %get3A_408 : vector<1x16xf32> to vector<16xf32>
        %get3A_410 = arith.constant 0 : i32
        %get3A_411 = arith.index_cast %get3A_410 : i32 to index
        %get3A_412 = arith.index_cast %scan3A_227 : i32 to index
        %get3A_413 = arith.constant 48 : index
        %get3A_414 = tpu.vector_load %arg5[%get3A_411, %get3A_412, %get3A_413] {strides = array<i32>} : memref<4x20x128xf32, #tpu.memory_space<vmem>>, vector<1x1x16xf32>,
        %get3A_415 = vector.shape_cast %get3A_414 : vector<1x1x16xf32> to vector<16xf32>
        %add3A_416 = arith.addf %get3A_415, %get3A_409 : vector<16xf32>
        %swap3A_417 = arith.constant 0 : i32
        %swap3A_418 = arith.index_cast %swap3A_417 : i32 to index
        %swap3A_419 = arith.index_cast %scan3A_227 : i32 to index
        %swap3A_420 = arith.constant 48 : index
        %swap3A_421 = tpu.vector_load %arg9[%swap3A_418, %swap3A_419, %swap3A_420] {strides = array<i32>} : memref<4x20x128xf32, #tpu.memory_space<vmem>>, vector<1x1x16xf32>,
        %swap3A_422 = vector.shape_cast %swap3A_421 : vector<1x1x16xf32> to vector<16xf32>
        %swap3A_423 = vector.shape_cast %add3A_416 : vector<16xf32> to vector<1x1x16xf32>
        tpu.vector_store %arg9[%swap3A_418, %swap3A_419, %swap3A_420], %swap3A_423 {strides = array<i32>} : memref<4x20x128xf32, #tpu.memory_space<vmem>>, vector<1x1x16xf32>,
        %get3A_424 = arith.constant 1 : i32
        %get3A_425 = arith.index_cast %get3A_424 : i32 to index
        %get3A_426 = arith.index_cast %scan3A_227 : i32 to index
        %get3A_427 = arith.constant 48 : index
        %get3A_428 = tpu.vector_load %arg5[%get3A_425, %get3A_426, %get3A_427] {strides = array<i32>} : memref<4x20x128xf32, #tpu.memory_space<vmem>>, vector<1x1x16xf32>,
        %get3A_429 = vector.shape_cast %get3A_428 : vector<1x1x16xf32> to vector<16xf32>
        %add3A_430 = arith.addf %get3A_429, %get3A_409 : vector<16xf32>
        %swap3A_431 = arith.constant 1 : i32
        %swap3A_432 = arith.index_cast %swap3A_431 : i32 to index
        %swap3A_433 = arith.index_cast %scan3A_227 : i32 to index
        %swap3A_434 = arith.constant 48 : index
        %swap3A_435 = tpu.vector_load %arg9[%swap3A_432, %swap3A_433, %swap3A_434] {strides = array<i32>} : memref<4x20x128xf32, #tpu.memory_space<vmem>>, vector<1x1x16xf32>,
        %swap3A_436 = vector.shape_cast %swap3A_435 : vector<1x1x16xf32> to vector<16xf32>
        %swap3A_437 = vector.shape_cast %add3A_430 : vector<16xf32> to vector<1x1x16xf32>
        tpu.vector_store %arg9[%swap3A_432, %swap3A_433, %swap3A_434], %swap3A_437 {strides = array<i32>} : memref<4x20x128xf32, #tpu.memory_space<vmem>>, vector<1x1x16xf32>,
        %get3A_438 = arith.constant 2 : i32
        %get3A_439 = arith.index_cast %get3A_438 : i32 to index
        %get3A_440 = arith.index_cast %scan3A_227 : i32 to index
        %get3A_441 = arith.constant 48 : index
        %get3A_442 = tpu.vector_load %arg5[%get3A_439, %get3A_440, %get3A_441] {strides = array<i32>} : memref<4x20x128xf32, #tpu.memory_space<vmem>>, vector<1x1x16xf32>,
        %get3A_443 = vector.shape_cast %get3A_442 : vector<1x1x16xf32> to vector<16xf32>
        %add3A_444 = arith.addf %get3A_443, %get3A_409 : vector<16xf32>
        %swap3A_445 = arith.constant 2 : i32
        %swap3A_446 = arith.index_cast %swap3A_445 : i32 to index
        %swap3A_447 = arith.index_cast %scan3A_227 : i32 to index
        %swap3A_448 = arith.constant 48 : index
        %swap3A_449 = tpu.vector_load %arg9[%swap3A_446, %swap3A_447, %swap3A_448] {strides = array<i32>} : memref<4x20x128xf32, #tpu.memory_space<vmem>>, vector<1x1x16xf32>,
        %swap3A_450 = vector.shape_cast %swap3A_449 : vector<1x1x16xf32> to vector<16xf32>
        %swap3A_451 = vector.shape_cast %add3A_444 : vector<16xf32> to vector<1x1x16xf32>
        tpu.vector_store %arg9[%swap3A_446, %swap3A_447, %swap3A_448], %swap3A_451 {strides = array<i32>} : memref<4x20x128xf32, #tpu.memory_space<vmem>>, vector<1x1x16xf32>,
        %get3A_452 = arith.constant 3 : i32
        %get3A_453 = arith.index_cast %get3A_452 : i32 to index
        %get3A_454 = arith.index_cast %scan3A_227 : i32 to index
        %get3A_455 = arith.constant 48 : index
        %get3A_456 = tpu.vector_load %arg5[%get3A_453, %get3A_454, %get3A_455] {strides = array<i32>} : memref<4x20x128xf32, #tpu.memory_space<vmem>>, vector<1x1x16xf32>,
        %get3A_457 = vector.shape_cast %get3A_456 : vector<1x1x16xf32> to vector<16xf32>
        %add3A_458 = arith.addf %get3A_457, %get3A_409 : vector<16xf32>
        %swap3A_459 = arith.constant 3 : i32
        %swap3A_460 = arith.index_cast %swap3A_459 : i32 to index
        %swap3A_461 = arith.index_cast %scan3A_227 : i32 to index
        %swap3A_462 = arith.constant 48 : index
        %swap3A_463 = tpu.vector_load %arg9[%swap3A_460, %swap3A_461, %swap3A_462] {strides = array<i32>} : memref<4x20x128xf32, #tpu.memory_space<vmem>>, vector<1x1x16xf32>,
        %swap3A_464 = vector.shape_cast %swap3A_463 : vector<1x1x16xf32> to vector<16xf32>
        %swap3A_465 = vector.shape_cast %add3A_458 : vector<16xf32> to vector<1x1x16xf32>
        tpu.vector_store %arg9[%swap3A_460, %swap3A_461, %swap3A_462], %swap3A_465 {strides = array<i32>} : memref<4x20x128xf32, #tpu.memory_space<vmem>>, vector<1x1x16xf32>,
        %get3A_466 = arith.index_cast %scan3A_227 : i32 to index
        %get3A_467 = arith.constant 64 : index
        %get3A_468 = tpu.vector_load %arg13[%get3A_466, %get3A_467] {strides = array<i32>} : memref<20x128xf32, #tpu.memory_space<vmem>>, vector<1x16xf32>,
        %get3A_469 = vector.shape_cast %get3A_468 : vector<1x16xf32> to vector<16xf32>
        %get3A_470 = arith.constant 0 : i32
        %get3A_471 = arith.index_cast %get3A_470 : i32 to index
        %get3A_472 = arith.index_cast %scan3A_227 : i32 to index
        %get3A_473 = arith.constant 64 : index
        %get3A_474 = tpu.vector_load %arg5[%get3A_471, %get3A_472, %get3A_473] {strides = array<i32>} : memref<4x20x128xf32, #tpu.memory_space<vmem>>, vector<1x1x16xf32>,
        %get3A_475 = vector.shape_cast %get3A_474 : vector<1x1x16xf32> to vector<16xf32>
        %add3A_476 = arith.addf %get3A_475, %get3A_469 : vector<16xf32>
        %swap3A_477 = arith.constant 0 : i32
        %swap3A_478 = arith.index_cast %swap3A_477 : i32 to index
        %swap3A_479 = arith.index_cast %scan3A_227 : i32 to index
        %swap3A_480 = arith.constant 64 : index
        %swap3A_481 = tpu.vector_load %arg9[%swap3A_478, %swap3A_479, %swap3A_480] {strides = array<i32>} : memref<4x20x128xf32, #tpu.memory_space<vmem>>, vector<1x1x16xf32>,
        %swap3A_482 = vector.shape_cast %swap3A_481 : vector<1x1x16xf32> to vector<16xf32>
        %swap3A_483 = vector.shape_cast %add3A_476 : vector<16xf32> to vector<1x1x16xf32>
        tpu.vector_store %arg9[%swap3A_478, %swap3A_479, %swap3A_480], %swap3A_483 {strides = array<i32>} : memref<4x20x128xf32, #tpu.memory_space<vmem>>, vector<1x1x16xf32>,
        %get3A_484 = arith.constant 1 : i32
        %get3A_485 = arith.index_cast %get3A_484 : i32 to index
        %get3A_486 = arith.index_cast %scan3A_227 : i32 to index
        %get3A_487 = arith.constant 64 : index
        %get3A_488 = tpu.vector_load %arg5[%get3A_485, %get3A_486, %get3A_487] {strides = array<i32>} : memref<4x20x128xf32, #tpu.memory_space<vmem>>, vector<1x1x16xf32>,
        %get3A_489 = vector.shape_cast %get3A_488 : vector<1x1x16xf32> to vector<16xf32>
        %add3A_490 = arith.addf %get3A_489, %get3A_469 : vector<16xf32>
        %swap3A_491 = arith.constant 1 : i32
        %swap3A_492 = arith.index_cast %swap3A_491 : i32 to index
        %swap3A_493 = arith.index_cast %scan3A_227 : i32 to index
        %swap3A_494 = arith.constant 64 : index
        %swap3A_495 = tpu.vector_load %arg9[%swap3A_492, %swap3A_493, %swap3A_494] {strides = array<i32>} : memref<4x20x128xf32, #tpu.memory_space<vmem>>, vector<1x1x16xf32>,
        %swap3A_496 = vector.shape_cast %swap3A_495 : vector<1x1x16xf32> to vector<16xf32>
        %swap3A_497 = vector.shape_cast %add3A_490 : vector<16xf32> to vector<1x1x16xf32>
        tpu.vector_store %arg9[%swap3A_492, %swap3A_493, %swap3A_494], %swap3A_497 {strides = array<i32>} : memref<4x20x128xf32, #tpu.memory_space<vmem>>, vector<1x1x16xf32>,
        %get3A_498 = arith.constant 2 : i32
        %get3A_499 = arith.index_cast %get3A_498 : i32 to index
        %get3A_500 = arith.index_cast %scan3A_227 : i32 to index
        %get3A_501 = arith.constant 64 : index
        %get3A_502 = tpu.vector_load %arg5[%get3A_499, %get3A_500, %get3A_501] {strides = array<i32>} : memref<4x20x128xf32, #tpu.memory_space<vmem>>, vector<1x1x16xf32>,
        %get3A_503 = vector.shape_cast %get3A_502 : vector<1x1x16xf32> to vector<16xf32>
        %add3A_504 = arith.addf %get3A_503, %get3A_469 : vector<16xf32>
        %swap3A_505 = arith.constant 2 : i32
        %swap3A_506 = arith.index_cast %swap3A_505 : i32 to index
        %swap3A_507 = arith.index_cast %scan3A_227 : i32 to index
        %swap3A_508 = arith.constant 64 : index
        %swap3A_509 = tpu.vector_load %arg9[%swap3A_506, %swap3A_507, %swap3A_508] {strides = array<i32>} : memref<4x20x128xf32, #tpu.memory_space<vmem>>, vector<1x1x16xf32>,
        %swap3A_510 = vector.shape_cast %swap3A_509 : vector<1x1x16xf32> to vector<16xf32>
        %swap3A_511 = vector.shape_cast %add3A_504 : vector<16xf32> to vector<1x1x16xf32>
        tpu.vector_store %arg9[%swap3A_506, %swap3A_507, %swap3A_508], %swap3A_511 {strides = array<i32>} : memref<4x20x128xf32, #tpu.memory_space<vmem>>, vector<1x1x16xf32>,
        %get3A_512 = arith.constant 3 : i32
        %get3A_513 = arith.index_cast %get3A_512 : i32 to index
        %get3A_514 = arith.index_cast %scan3A_227 : i32 to index
        %get3A_515 = arith.constant 64 : index
        %get3A_516 = tpu.vector_load %arg5[%get3A_513, %get3A_514, %get3A_515] {strides = array<i32>} : memref<4x20x128xf32, #tpu.memory_space<vmem>>, vector<1x1x16xf32>,
        %get3A_517 = vector.shape_cast %get3A_516 : vector<1x1x16xf32> to vector<16xf32>
        %add3A_518 = arith.addf %get3A_517, %get3A_469 : vector<16xf32>
        %swap3A_519 = arith.constant 3 : i32
        %swap3A_520 = arith.index_cast %swap3A_519 : i32 to index
        %swap3A_521 = arith.index_cast %scan3A_227 : i32 to index
        %swap3A_522 = arith.constant 64 : index
        %swap3A_523 = tpu.vector_load %arg9[%swap3A_520, %swap3A_521, %swap3A_522] {strides = array<i32>} : memref<4x20x128xf32, #tpu.memory_space<vmem>>, vector<1x1x16xf32>,
        %swap3A_524 = vector.shape_cast %swap3A_523 : vector<1x1x16xf32> to vector<16xf32>
        %swap3A_525 = vector.shape_cast %add3A_518 : vector<16xf32> to vector<1x1x16xf32>
        tpu.vector_store %arg9[%swap3A_520, %swap3A_521, %swap3A_522], %swap3A_525 {strides = array<i32>} : memref<4x20x128xf32, #tpu.memory_space<vmem>>, vector<1x1x16xf32>,
        %get3A_526 = arith.index_cast %scan3A_227 : i32 to index
        %get3A_527 = arith.constant 80 : index
        %get3A_528 = tpu.vector_load %arg13[%get3A_526, %get3A_527] {strides = array<i32>} : memref<20x128xf32, #tpu.memory_space<vmem>>, vector<1x16xf32>,
        %get3A_529 = vector.shape_cast %get3A_528 : vector<1x16xf32> to vector<16xf32>
        %get3A_530 = arith.constant 0 : i32
        %get3A_531 = arith.index_cast %get3A_530 : i32 to index
        %get3A_532 = arith.index_cast %scan3A_227 : i32 to index
        %get3A_533 = arith.constant 80 : index
        %get3A_534 = tpu.vector_load %arg5[%get3A_531, %get3A_532, %get3A_533] {strides = array<i32>} : memref<4x20x128xf32, #tpu.memory_space<vmem>>, vector<1x1x16xf32>,
        %get3A_535 = vector.shape_cast %get3A_534 : vector<1x1x16xf32> to vector<16xf32>
        %add3A_536 = arith.addf %get3A_535, %get3A_529 : vector<16xf32>
        %swap3A_537 = arith.constant 0 : i32
        %swap3A_538 = arith.index_cast %swap3A_537 : i32 to index
        %swap3A_539 = arith.index_cast %scan3A_227 : i32 to index
        %swap3A_540 = arith.constant 80 : index
        %swap3A_541 = tpu.vector_load %arg9[%swap3A_538, %swap3A_539, %swap3A_540] {strides = array<i32>} : memref<4x20x128xf32, #tpu.memory_space<vmem>>, vector<1x1x16xf32>,
        %swap3A_542 = vector.shape_cast %swap3A_541 : vector<1x1x16xf32> to vector<16xf32>
        %swap3A_543 = vector.shape_cast %add3A_536 : vector<16xf32> to vector<1x1x16xf32>
        tpu.vector_store %arg9[%swap3A_538, %swap3A_539, %swap3A_540], %swap3A_543 {strides = array<i32>} : memref<4x20x128xf32, #tpu.memory_space<vmem>>, vector<1x1x16xf32>,
        %get3A_544 = arith.constant 1 : i32
        %get3A_545 = arith.index_cast %get3A_544 : i32 to index
        %get3A_546 = arith.index_cast %scan3A_227 : i32 to index
        %get3A_547 = arith.constant 80 : index
        %get3A_548 = tpu.vector_load %arg5[%get3A_545, %get3A_546, %get3A_547] {strides = array<i32>} : memref<4x20x128xf32, #tpu.memory_space<vmem>>, vector<1x1x16xf32>,
        %get3A_549 = vector.shape_cast %get3A_548 : vector<1x1x16xf32> to vector<16xf32>
        %add3A_550 = arith.addf %get3A_549, %get3A_529 : vector<16xf32>
        %swap3A_551 = arith.constant 1 : i32
        %swap3A_552 = arith.index_cast %swap3A_551 : i32 to index
        %swap3A_553 = arith.index_cast %scan3A_227 : i32 to index
        %swap3A_554 = arith.constant 80 : index
        %swap3A_555 = tpu.vector_load %arg9[%swap3A_552, %swap3A_553, %swap3A_554] {strides = array<i32>} : memref<4x20x128xf32, #tpu.memory_space<vmem>>, vector<1x1x16xf32>,
        %swap3A_556 = vector.shape_cast %swap3A_555 : vector<1x1x16xf32> to vector<16xf32>
        %swap3A_557 = vector.shape_cast %add3A_550 : vector<16xf32> to vector<1x1x16xf32>
        tpu.vector_store %arg9[%swap3A_552, %swap3A_553, %swap3A_554], %swap3A_557 {strides = array<i32>} : memref<4x20x128xf32, #tpu.memory_space<vmem>>, vector<1x1x16xf32>,
        %get3A_558 = arith.constant 2 : i32
        %get3A_559 = arith.index_cast %get3A_558 : i32 to index
        %get3A_560 = arith.index_cast %scan3A_227 : i32 to index
        %get3A_561 = arith.constant 80 : index
        %get3A_562 = tpu.vector_load %arg5[%get3A_559, %get3A_560, %get3A_561] {strides = array<i32>} : memref<4x20x128xf32, #tpu.memory_space<vmem>>, vector<1x1x16xf32>,
        %get3A_563 = vector.shape_cast %get3A_562 : vector<1x1x16xf32> to vector<16xf32>
        %add3A_564 = arith.addf %get3A_563, %get3A_529 : vector<16xf32>
        %swap3A_565 = arith.constant 2 : i32
        %swap3A_566 = arith.index_cast %swap3A_565 : i32 to index
        %swap3A_567 = arith.index_cast %scan3A_227 : i32 to index
        %swap3A_568 = arith.constant 80 : index
        %swap3A_569 = tpu.vector_load %arg9[%swap3A_566, %swap3A_567, %swap3A_568] {strides = array<i32>} : memref<4x20x128xf32, #tpu.memory_space<vmem>>, vector<1x1x16xf32>,
        %swap3A_570 = vector.shape_cast %swap3A_569 : vector<1x1x16xf32> to vector<16xf32>
        %swap3A_571 = vector.shape_cast %add3A_564 : vector<16xf32> to vector<1x1x16xf32>
        tpu.vector_store %arg9[%swap3A_566, %swap3A_567, %swap3A_568], %swap3A_571 {strides = array<i32>} : memref<4x20x128xf32, #tpu.memory_space<vmem>>, vector<1x1x16xf32>,
        %get3A_572 = arith.constant 3 : i32
        %get3A_573 = arith.index_cast %get3A_572 : i32 to index
        %get3A_574 = arith.index_cast %scan3A_227 : i32 to index
        %get3A_575 = arith.constant 80 : index
        %get3A_576 = tpu.vector_load %arg5[%get3A_573, %get3A_574, %get3A_575] {strides = array<i32>} : memref<4x20x128xf32, #tpu.memory_space<vmem>>, vector<1x1x16xf32>,
        %get3A_577 = vector.shape_cast %get3A_576 : vector<1x1x16xf32> to vector<16xf32>
        %add3A_578 = arith.addf %get3A_577, %get3A_529 : vector<16xf32>
        %swap3A_579 = arith.constant 3 : i32
        %swap3A_580 = arith.index_cast %swap3A_579 : i32 to index
        %swap3A_581 = arith.index_cast %scan3A_227 : i32 to index
        %swap3A_582 = arith.constant 80 : index
        %swap3A_583 = tpu.vector_load %arg9[%swap3A_580, %swap3A_581, %swap3A_582] {strides = array<i32>} : memref<4x20x128xf32, #tpu.memory_space<vmem>>, vector<1x1x16xf32>,
        %swap3A_584 = vector.shape_cast %swap3A_583 : vector<1x1x16xf32> to vector<16xf32>
        %swap3A_585 = vector.shape_cast %add3A_578 : vector<16xf32> to vector<1x1x16xf32>
        tpu.vector_store %arg9[%swap3A_580, %swap3A_581, %swap3A_582], %swap3A_585 {strides = array<i32>} : memref<4x20x128xf32, #tpu.memory_space<vmem>>, vector<1x1x16xf32>,
        %get3A_586 = arith.index_cast %scan3A_227 : i32 to index
        %get3A_587 = arith.constant 96 : index
        %get3A_588 = tpu.vector_load %arg13[%get3A_586, %get3A_587] {strides = array<i32>} : memref<20x128xf32, #tpu.memory_space<vmem>>, vector<1x16xf32>,
        %get3A_589 = vector.shape_cast %get3A_588 : vector<1x16xf32> to vector<16xf32>
        %get3A_590 = arith.constant 0 : i32
        %get3A_591 = arith.index_cast %get3A_590 : i32 to index
        %get3A_592 = arith.index_cast %scan3A_227 : i32 to index
        %get3A_593 = arith.constant 96 : index
        %get3A_594 = tpu.vector_load %arg5[%get3A_591, %get3A_592, %get3A_593] {strides = array<i32>} : memref<4x20x128xf32, #tpu.memory_space<vmem>>, vector<1x1x16xf32>,
        %get3A_595 = vector.shape_cast %get3A_594 : vector<1x1x16xf32> to vector<16xf32>
        %add3A_596 = arith.addf %get3A_595, %get3A_589 : vector<16xf32>
        %swap3A_597 = arith.constant 0 : i32
        %swap3A_598 = arith.index_cast %swap3A_597 : i32 to index
        %swap3A_599 = arith.index_cast %scan3A_227 : i32 to index
        %swap3A_600 = arith.constant 96 : index
        %swap3A_601 = tpu.vector_load %arg9[%swap3A_598, %swap3A_599, %swap3A_600] {strides = array<i32>} : memref<4x20x128xf32, #tpu.memory_space<vmem>>, vector<1x1x16xf32>,
        %swap3A_602 = vector.shape_cast %swap3A_601 : vector<1x1x16xf32> to vector<16xf32>
        %swap3A_603 = vector.shape_cast %add3A_596 : vector<16xf32> to vector<1x1x16xf32>
        tpu.vector_store %arg9[%swap3A_598, %swap3A_599, %swap3A_600], %swap3A_603 {strides = array<i32>} : memref<4x20x128xf32, #tpu.memory_space<vmem>>, vector<1x1x16xf32>,
        %get3A_604 = arith.constant 1 : i32
        %get3A_605 = arith.index_cast %get3A_604 : i32 to index
        %get3A_606 = arith.index_cast %scan3A_227 : i32 to index
        %get3A_607 = arith.constant 96 : index
        %get3A_608 = tpu.vector_load %arg5[%get3A_605, %get3A_606, %get3A_607] {strides = array<i32>} : memref<4x20x128xf32, #tpu.memory_space<vmem>>, vector<1x1x16xf32>,
        %get3A_609 = vector.shape_cast %get3A_608 : vector<1x1x16xf32> to vector<16xf32>
        %add3A_610 = arith.addf %get3A_609, %get3A_589 : vector<16xf32>
        %swap3A_611 = arith.constant 1 : i32
        %swap3A_612 = arith.index_cast %swap3A_611 : i32 to index
        %swap3A_613 = arith.index_cast %scan3A_227 : i32 to index
        %swap3A_614 = arith.constant 96 : index
        %swap3A_615 = tpu.vector_load %arg9[%swap3A_612, %swap3A_613, %swap3A_614] {strides = array<i32>} : memref<4x20x128xf32, #tpu.memory_space<vmem>>, vector<1x1x16xf32>,
        %swap3A_616 = vector.shape_cast %swap3A_615 : vector<1x1x16xf32> to vector<16xf32>
        %swap3A_617 = vector.shape_cast %add3A_610 : vector<16xf32> to vector<1x1x16xf32>
        tpu.vector_store %arg9[%swap3A_612, %swap3A_613, %swap3A_614], %swap3A_617 {strides = array<i32>} : memref<4x20x128xf32, #tpu.memory_space<vmem>>, vector<1x1x16xf32>,
        %get3A_618 = arith.constant 2 : i32
        %get3A_619 = arith.index_cast %get3A_618 : i32 to index
        %get3A_620 = arith.index_cast %scan3A_227 : i32 to index
        %get3A_621 = arith.constant 96 : index
        %get3A_622 = tpu.vector_load %arg5[%get3A_619, %get3A_620, %get3A_621] {strides = array<i32>} : memref<4x20x128xf32, #tpu.memory_space<vmem>>, vector<1x1x16xf32>,
        %get3A_623 = vector.shape_cast %get3A_622 : vector<1x1x16xf32> to vector<16xf32>
        %add3A_624 = arith.addf %get3A_623, %get3A_589 : vector<16xf32>
        %swap3A_625 = arith.constant 2 : i32
        %swap3A_626 = arith.index_cast %swap3A_625 : i32 to index
        %swap3A_627 = arith.index_cast %scan3A_227 : i32 to index
        %swap3A_628 = arith.constant 96 : index
        %swap3A_629 = tpu.vector_load %arg9[%swap3A_626, %swap3A_627, %swap3A_628] {strides = array<i32>} : memref<4x20x128xf32, #tpu.memory_space<vmem>>, vector<1x1x16xf32>,
        %swap3A_630 = vector.shape_cast %swap3A_629 : vector<1x1x16xf32> to vector<16xf32>
        %swap3A_631 = vector.shape_cast %add3A_624 : vector<16xf32> to vector<1x1x16xf32>
        tpu.vector_store %arg9[%swap3A_626, %swap3A_627, %swap3A_628], %swap3A_631 {strides = array<i32>} : memref<4x20x128xf32, #tpu.memory_space<vmem>>, vector<1x1x16xf32>,
        %get3A_632 = arith.constant 3 : i32
        %get3A_633 = arith.index_cast %get3A_632 : i32 to index
        %get3A_634 = arith.index_cast %scan3A_227 : i32 to index
        %get3A_635 = arith.constant 96 : index
        %get3A_636 = tpu.vector_load %arg5[%get3A_633, %get3A_634, %get3A_635] {strides = array<i32>} : memref<4x20x128xf32, #tpu.memory_space<vmem>>, vector<1x1x16xf32>,
        %get3A_637 = vector.shape_cast %get3A_636 : vector<1x1x16xf32> to vector<16xf32>
        %add3A_638 = arith.addf %get3A_637, %get3A_589 : vector<16xf32>
        %swap3A_639 = arith.constant 3 : i32
        %swap3A_640 = arith.index_cast %swap3A_639 : i32 to index
        %swap3A_641 = arith.index_cast %scan3A_227 : i32 to index
        %swap3A_642 = arith.constant 96 : index
        %swap3A_643 = tpu.vector_load %arg9[%swap3A_640, %swap3A_641, %swap3A_642] {strides = array<i32>} : memref<4x20x128xf32, #tpu.memory_space<vmem>>, vector<1x1x16xf32>,
        %swap3A_644 = vector.shape_cast %swap3A_643 : vector<1x1x16xf32> to vector<16xf32>
        %swap3A_645 = vector.shape_cast %add3A_638 : vector<16xf32> to vector<1x1x16xf32>
        tpu.vector_store %arg9[%swap3A_640, %swap3A_641, %swap3A_642], %swap3A_645 {strides = array<i32>} : memref<4x20x128xf32, #tpu.memory_space<vmem>>, vector<1x1x16xf32>,
        %get3A_646 = arith.index_cast %scan3A_227 : i32 to index
        %get3A_647 = arith.constant 112 : index
        %get3A_648 = tpu.vector_load %arg13[%get3A_646, %get3A_647] {strides = array<i32>} : memref<20x128xf32, #tpu.memory_space<vmem>>, vector<1x16xf32>,
        %get3A_649 = vector.shape_cast %get3A_648 : vector<1x16xf32> to vector<16xf32>
        %get3A_650 = arith.constant 0 : i32
        %get3A_651 = arith.index_cast %get3A_650 : i32 to index
        %get3A_652 = arith.index_cast %scan3A_227 : i32 to index
        %get3A_653 = arith.constant 112 : index
        %get3A_654 = tpu.vector_load %arg5[%get3A_651, %get3A_652, %get3A_653] {strides = array<i32>} : memref<4x20x128xf32, #tpu.memory_space<vmem>>, vector<1x1x16xf32>,
        %get3A_655 = vector.shape_cast %get3A_654 : vector<1x1x16xf32> to vector<16xf32>
        %add3A_656 = arith.addf %get3A_655, %get3A_649 : vector<16xf32>
        %swap3A_657 = arith.constant 0 : i32
        %swap3A_658 = arith.index_cast %swap3A_657 : i32 to index
        %swap3A_659 = arith.index_cast %scan3A_227 : i32 to index
        %swap3A_660 = arith.constant 112 : index
        %swap3A_661 = tpu.vector_load %arg9[%swap3A_658, %swap3A_659, %swap3A_660] {strides = array<i32>} : memref<4x20x128xf32, #tpu.memory_space<vmem>>, vector<1x1x16xf32>,
        %swap3A_662 = vector.shape_cast %swap3A_661 : vector<1x1x16xf32> to vector<16xf32>
        %swap3A_663 = vector.shape_cast %add3A_656 : vector<16xf32> to vector<1x1x16xf32>
        tpu.vector_store %arg9[%swap3A_658, %swap3A_659, %swap3A_660], %swap3A_663 {strides = array<i32>} : memref<4x20x128xf32, #tpu.memory_space<vmem>>, vector<1x1x16xf32>,
        %get3A_664 = arith.constant 1 : i32
        %get3A_665 = arith.index_cast %get3A_664 : i32 to index
        %get3A_666 = arith.index_cast %scan3A_227 : i32 to index
        %get3A_667 = arith.constant 112 : index
        %get3A_668 = tpu.vector_load %arg5[%get3A_665, %get3A_666, %get3A_667] {strides = array<i32>} : memref<4x20x128xf32, #tpu.memory_space<vmem>>, vector<1x1x16xf32>,
        %get3A_669 = vector.shape_cast %get3A_668 : vector<1x1x16xf32> to vector<16xf32>
        %add3A_670 = arith.addf %get3A_669, %get3A_649 : vector<16xf32>
        %swap3A_671 = arith.constant 1 : i32
        %swap3A_672 = arith.index_cast %swap3A_671 : i32 to index
        %swap3A_673 = arith.index_cast %scan3A_227 : i32 to index
        %swap3A_674 = arith.constant 112 : index
        %swap3A_675 = tpu.vector_load %arg9[%swap3A_672, %swap3A_673, %swap3A_674] {strides = array<i32>} : memref<4x20x128xf32, #tpu.memory_space<vmem>>, vector<1x1x16xf32>,
        %swap3A_676 = vector.shape_cast %swap3A_675 : vector<1x1x16xf32> to vector<16xf32>
        %swap3A_677 = vector.shape_cast %add3A_670 : vector<16xf32> to vector<1x1x16xf32>
        tpu.vector_store %arg9[%swap3A_672, %swap3A_673, %swap3A_674], %swap3A_677 {strides = array<i32>} : memref<4x20x128xf32, #tpu.memory_space<vmem>>, vector<1x1x16xf32>,
        %get3A_678 = arith.constant 2 : i32
        %get3A_679 = arith.index_cast %get3A_678 : i32 to index
        %get3A_680 = arith.index_cast %scan3A_227 : i32 to index
        %get3A_681 = arith.constant 112 : index
        %get3A_682 = tpu.vector_load %arg5[%get3A_679, %get3A_680, %get3A_681] {strides = array<i32>} : memref<4x20x128xf32, #tpu.memory_space<vmem>>, vector<1x1x16xf32>,
        %get3A_683 = vector.shape_cast %get3A_682 : vector<1x1x16xf32> to vector<16xf32>
        %add3A_684 = arith.addf %get3A_683, %get3A_649 : vector<16xf32>
        %swap3A_685 = arith.constant 2 : i32
        %swap3A_686 = arith.index_cast %swap3A_685 : i32 to index
        %swap3A_687 = arith.index_cast %scan3A_227 : i32 to index
        %swap3A_688 = arith.constant 112 : index
        %swap3A_689 = tpu.vector_load %arg9[%swap3A_686, %swap3A_687, %swap3A_688] {strides = array<i32>} : memref<4x20x128xf32, #tpu.memory_space<vmem>>, vector<1x1x16xf32>,
        %swap3A_690 = vector.shape_cast %swap3A_689 : vector<1x1x16xf32> to vector<16xf32>
        %swap3A_691 = vector.shape_cast %add3A_684 : vector<16xf32> to vector<1x1x16xf32>
        tpu.vector_store %arg9[%swap3A_686, %swap3A_687, %swap3A_688], %swap3A_691 {strides = array<i32>} : memref<4x20x128xf32, #tpu.memory_space<vmem>>, vector<1x1x16xf32>,
        %get3A_692 = arith.constant 3 : i32
        %get3A_693 = arith.index_cast %get3A_692 : i32 to index
        %get3A_694 = arith.index_cast %scan3A_227 : i32 to index
        %get3A_695 = arith.constant 112 : index
        %get3A_696 = tpu.vector_load %arg5[%get3A_693, %get3A_694, %get3A_695] {strides = array<i32>} : memref<4x20x128xf32, #tpu.memory_space<vmem>>, vector<1x1x16xf32>,
        %get3A_697 = vector.shape_cast %get3A_696 : vector<1x1x16xf32> to vector<16xf32>
        %add3A_698 = arith.addf %get3A_697, %get3A_649 : vector<16xf32>
        %swap3A_699 = arith.constant 3 : i32
        %swap3A_700 = arith.index_cast %swap3A_699 : i32 to index
        %swap3A_701 = arith.index_cast %scan3A_227 : i32 to index
        %swap3A_702 = arith.constant 112 : index
        %swap3A_703 = tpu.vector_load %arg9[%swap3A_700, %swap3A_701, %swap3A_702] {strides = array<i32>} : memref<4x20x128xf32, #tpu.memory_space<vmem>>, vector<1x1x16xf32>,
        %swap3A_704 = vector.shape_cast %swap3A_703 : vector<1x1x16xf32> to vector<16xf32>
        %swap3A_705 = vector.shape_cast %add3A_698 : vector<16xf32> to vector<1x1x16xf32>
        tpu.vector_store %arg9[%swap3A_700, %swap3A_701, %swap3A_702], %swap3A_705 {strides = array<i32>} : memref<4x20x128xf32, #tpu.memory_space<vmem>>, vector<1x1x16xf32>,
      }
      %scan3A_91 = arith.constant 20 : i32
      %mul3A_92 = arith.constant 4 : i32
      %mul3A_93 = arith.muli %add3A_74, %mul3A_92 : i32
      %add3A_94 = arith.addi %mul3A_2, %mul3A_93 : i32
      %dma_start3A_95 = arith.constant 0 : i32
      %dma_start3A_96 = arith.constant 0 : i32
      %dma_start3A_97 = tpu.memref_slice %arg4[%add3A_94, %dma_start3A_95, %dma_start3A_96] : memref<16384x20x128xf32, #tpu.memory_space<hbm>> -> memref<4x20x128xf32, #tpu.memory_space<hbm>>
      %dma_start3A_98 = arith.constant 0 : i32
      %dma_start3A_99 = arith.constant 0 : i32
      %dma_start3A_100 = tpu.memref_slice %arg4[%add3A_94, %dma_start3A_98, %dma_start3A_99] : memref<16384x20x128xf32, #tpu.memory_space<hbm>> -> memref<4x20x128xf32, #tpu.memory_space<hbm>>
      tpu.enqueue_dma source(%arg9 : memref<4x20x128xf32, #tpu.memory_space<vmem>>) target(%dma_start3A_100 : memref<4x20x128xf32, #tpu.memory_space<hbm>>) target_semaphore(%arg18 : memref<!tpu.dma_semaphore, #tpu.memory_space<semaphore_mem>>)
      %add3A_101 = arith.constant 4 : i32
      %add3A_102 = arith.addi %add3A_74, %add3A_101 : i32
      %lt3A = arith.constant 128 : i32
      %lt3A_103 = arith.cmpi slt, %add3A_102, %lt3A : i32
      %convert_element_type3A_104 = arith.extui %lt3A_103 : i1 to i32
      %cond3A_105 = arith.constant 0 : i32
      %cond3A_106 = arith.cmpi ne, %convert_element_type3A_104, %cond3A_105 : i32
      scf.if %cond3A_106 {
        %add3A_227 = arith.constant 4 : i32
        %add3A_228 = arith.addi %add3A_74, %add3A_227 : i32
        %mul3A_229 = arith.constant 4 : i32
        %mul3A_230 = arith.muli %add3A_228, %mul3A_229 : i32
        %add3A_231 = arith.addi %mul3A_2, %mul3A_230 : i32
        %dma_start3A_232 = arith.constant 0 : i32
        %dma_start3A_233 = arith.constant 0 : i32
        %dma_start3A_234 = tpu.memref_slice %arg2[%add3A_231, %dma_start3A_232, %dma_start3A_233] : memref<16384x20x128xf32, #tpu.memory_space<hbm>> -> memref<4x20x128xf32, #tpu.memory_space<hbm>>
        %dma_start3A_235 = arith.constant 0 : i32
        %dma_start3A_236 = arith.constant 0 : i32
        %dma_start3A_237 = tpu.memref_slice %arg2[%add3A_231, %dma_start3A_235, %dma_start3A_236] : memref<16384x20x128xf32, #tpu.memory_space<hbm>> -> memref<4x20x128xf32, #tpu.memory_space<hbm>>
        tpu.enqueue_dma source(%dma_start3A_237 : memref<4x20x128xf32, #tpu.memory_space<hbm>>) target(%arg5 : memref<4x20x128xf32, #tpu.memory_space<vmem>>) target_semaphore(%arg14 : memref<!tpu.dma_semaphore, #tpu.memory_space<semaphore_mem>>)
      } else {
      }
      %mul3A_107 = arith.constant 4 : i32
      %mul3A_108 = arith.muli %scan3A_70, %mul3A_107 : i32
      %add3A_109 = arith.constant 1 : i32
      %add3A_110 = arith.addi %mul3A_108, %add3A_109 : i32
      %mul3A_111 = arith.constant 4 : i32
      %mul3A_112 = arith.muli %add3A_110, %mul3A_111 : i32
      %add3A_113 = arith.addi %mul3A_2, %mul3A_112 : i32
      %dma_wait3A_114 = arith.constant 0 : i32
      %dma_wait3A_115 = arith.constant 0 : i32
      %dma_wait3A_116 = tpu.memref_slice %arg2[%add3A_113, %dma_wait3A_114, %dma_wait3A_115] : memref<16384x20x128xf32, #tpu.memory_space<hbm>> -> memref<4x20x128xf32, #tpu.memory_space<hbm>>
      %dma_wait3A_117 = arith.constant 0 : i32
      %dma_wait3A_118 = arith.constant 0 : i32
      %dma_wait3A_119 = tpu.memref_slice %arg2[%add3A_113, %dma_wait3A_117, %dma_wait3A_118] : memref<16384x20x128xf32, #tpu.memory_space<hbm>> -> memref<4x20x128xf32, #tpu.memory_space<hbm>>
      tpu.wait_dma2 semaphore(%arg15 : memref<!tpu.dma_semaphore, #tpu.memory_space<semaphore_mem>>) src(%dma_wait3A_119 : memref<4x20x128xf32, #tpu.memory_space<hbm>>) dst(%arg6 : memref<4x20x128xf32, #tpu.memory_space<vmem>>)
      %ge3A_120 = arith.constant 4 : i32
      %ge3A_121 = arith.cmpi sge, %add3A_110, %ge3A_120 : i32
      %convert_element_type3A_122 = arith.extui %ge3A_121 : i1 to i32
      %cond3A_123 = arith.constant 0 : i32
      %cond3A_124 = arith.cmpi ne, %convert_element_type3A_122, %cond3A_123 : i32
      scf.if %cond3A_124 {
        %sub3A = arith.constant 4 : i32
        %sub3A_227 = arith.subi %add3A_110, %sub3A : i32
        %mul3A_228 = arith.constant 4 : i32
        %mul3A_229 = arith.muli %sub3A_227, %mul3A_228 : i32
        %add3A_230 = arith.addi %mul3A_2, %mul3A_229 : i32
        %dma_wait3A_231 = arith.constant 0 : i32
        %dma_wait3A_232 = arith.constant 0 : i32
        %dma_wait3A_233 = tpu.memref_slice %arg4[%add3A_230, %dma_wait3A_231, %dma_wait3A_232] : memref<16384x20x128xf32, #tpu.memory_space<hbm>> -> memref<4x20x128xf32, #tpu.memory_space<hbm>>
        %dma_wait3A_234 = arith.constant 0 : i32
        %dma_wait3A_235 = arith.constant 0 : i32
        %dma_wait3A_236 = tpu.memref_slice %arg4[%add3A_230, %dma_wait3A_234, %dma_wait3A_235] : memref<16384x20x128xf32, #tpu.memory_space<hbm>> -> memref<4x20x128xf32, #tpu.memory_space<hbm>>
        tpu.wait_dma2 semaphore(%arg19 : memref<!tpu.dma_semaphore, #tpu.memory_space<semaphore_mem>>) src(%arg10 : memref<4x20x128xf32, #tpu.memory_space<vmem>>) dst(%dma_wait3A_236 : memref<4x20x128xf32, #tpu.memory_space<hbm>>)
      } else {
      }
      %scan3A_125 = arith.constant 0 : i32
      %scan3A_126 = arith.constant 0 : i32
      %scan3A_127 = arith.constant 20 : i32
      %scan3A_128 = arith.addi %scan3A_126, %scan3A_127 : i32
      %scan3A_129 = arith.constant 1 : i32
      scf.for %scan3A_227 = %scan3A_126 to %scan3A_128 step %scan3A_129  : i32 {
        %get3A = arith.index_cast %scan3A_227 : i32 to index
        %get3A_228 = arith.constant 0 : index
        %get3A_229 = tpu.vector_load %arg13[%get3A, %get3A_228] {strides = array<i32>} : memref<20x128xf32, #tpu.memory_space<vmem>>, vector<1x16xf32>,
        %get3A_230 = vector.shape_cast %get3A_229 : vector<1x16xf32> to vector<16xf32>
        %get3A_231 = arith.constant 0 : i32
        %get3A_232 = arith.index_cast %get3A_231 : i32 to index
        %get3A_233 = arith.index_cast %scan3A_227 : i32 to index
        %get3A_234 = arith.constant 0 : index
        %get3A_235 = tpu.vector_load %arg6[%get3A_232, %get3A_233, %get3A_234] {strides = array<i32>} : memref<4x20x128xf32, #tpu.memory_space<vmem>>, vector<1x1x16xf32>,
        %get3A_236 = vector.shape_cast %get3A_235 : vector<1x1x16xf32> to vector<16xf32>
        %add3A_237 = arith.addf %get3A_236, %get3A_230 : vector<16xf32>
        %swap3A = arith.constant 0 : i32
        %swap3A_238 = arith.index_cast %swap3A : i32 to index
        %swap3A_239 = arith.index_cast %scan3A_227 : i32 to index
        %swap3A_240 = arith.constant 0 : index
        %swap3A_241 = tpu.vector_load %arg10[%swap3A_238, %swap3A_239, %swap3A_240] {strides = array<i32>} : memref<4x20x128xf32, #tpu.memory_space<vmem>>, vector<1x1x16xf32>,
        %swap3A_242 = vector.shape_cast %swap3A_241 : vector<1x1x16xf32> to vector<16xf32>
        %swap3A_243 = vector.shape_cast %add3A_237 : vector<16xf32> to vector<1x1x16xf32>
        tpu.vector_store %arg10[%swap3A_238, %swap3A_239, %swap3A_240], %swap3A_243 {strides = array<i32>} : memref<4x20x128xf32, #tpu.memory_space<vmem>>, vector<1x1x16xf32>,
        %get3A_244 = arith.constant 1 : i32
        %get3A_245 = arith.index_cast %get3A_244 : i32 to index
        %get3A_246 = arith.index_cast %scan3A_227 : i32 to index
        %get3A_247 = arith.constant 0 : index
        %get3A_248 = tpu.vector_load %arg6[%get3A_245, %get3A_246, %get3A_247] {strides = array<i32>} : memref<4x20x128xf32, #tpu.memory_space<vmem>>, vector<1x1x16xf32>,
        %get3A_249 = vector.shape_cast %get3A_248 : vector<1x1x16xf32> to vector<16xf32>
        %add3A_250 = arith.addf %get3A_249, %get3A_230 : vector<16xf32>
        %swap3A_251 = arith.constant 1 : i32
        %swap3A_252 = arith.index_cast %swap3A_251 : i32 to index
        %swap3A_253 = arith.index_cast %scan3A_227 : i32 to index
        %swap3A_254 = arith.constant 0 : index
        %swap3A_255 = tpu.vector_load %arg10[%swap3A_252, %swap3A_253, %swap3A_254] {strides = array<i32>} : memref<4x20x128xf32, #tpu.memory_space<vmem>>, vector<1x1x16xf32>,
        %swap3A_256 = vector.shape_cast %swap3A_255 : vector<1x1x16xf32> to vector<16xf32>
        %swap3A_257 = vector.shape_cast %add3A_250 : vector<16xf32> to vector<1x1x16xf32>
        tpu.vector_store %arg10[%swap3A_252, %swap3A_253, %swap3A_254], %swap3A_257 {strides = array<i32>} : memref<4x20x128xf32, #tpu.memory_space<vmem>>, vector<1x1x16xf32>,
        %get3A_258 = arith.constant 2 : i32
        %get3A_259 = arith.index_cast %get3A_258 : i32 to index
        %get3A_260 = arith.index_cast %scan3A_227 : i32 to index
        %get3A_261 = arith.constant 0 : index
        %get3A_262 = tpu.vector_load %arg6[%get3A_259, %get3A_260, %get3A_261] {strides = array<i32>} : memref<4x20x128xf32, #tpu.memory_space<vmem>>, vector<1x1x16xf32>,
        %get3A_263 = vector.shape_cast %get3A_262 : vector<1x1x16xf32> to vector<16xf32>
        %add3A_264 = arith.addf %get3A_263, %get3A_230 : vector<16xf32>
        %swap3A_265 = arith.constant 2 : i32
        %swap3A_266 = arith.index_cast %swap3A_265 : i32 to index
        %swap3A_267 = arith.index_cast %scan3A_227 : i32 to index
        %swap3A_268 = arith.constant 0 : index
        %swap3A_269 = tpu.vector_load %arg10[%swap3A_266, %swap3A_267, %swap3A_268] {strides = array<i32>} : memref<4x20x128xf32, #tpu.memory_space<vmem>>, vector<1x1x16xf32>,
        %swap3A_270 = vector.shape_cast %swap3A_269 : vector<1x1x16xf32> to vector<16xf32>
        %swap3A_271 = vector.shape_cast %add3A_264 : vector<16xf32> to vector<1x1x16xf32>
        tpu.vector_store %arg10[%swap3A_266, %swap3A_267, %swap3A_268], %swap3A_271 {strides = array<i32>} : memref<4x20x128xf32, #tpu.memory_space<vmem>>, vector<1x1x16xf32>,
        %get3A_272 = arith.constant 3 : i32
        %get3A_273 = arith.index_cast %get3A_272 : i32 to index
        %get3A_274 = arith.index_cast %scan3A_227 : i32 to index
        %get3A_275 = arith.constant 0 : index
        %get3A_276 = tpu.vector_load %arg6[%get3A_273, %get3A_274, %get3A_275] {strides = array<i32>} : memref<4x20x128xf32, #tpu.memory_space<vmem>>, vector<1x1x16xf32>,
        %get3A_277 = vector.shape_cast %get3A_276 : vector<1x1x16xf32> to vector<16xf32>
        %add3A_278 = arith.addf %get3A_277, %get3A_230 : vector<16xf32>
        %swap3A_279 = arith.constant 3 : i32
        %swap3A_280 = arith.index_cast %swap3A_279 : i32 to index
        %swap3A_281 = arith.index_cast %scan3A_227 : i32 to index
        %swap3A_282 = arith.constant 0 : index
        %swap3A_283 = tpu.vector_load %arg10[%swap3A_280, %swap3A_281, %swap3A_282] {strides = array<i32>} : memref<4x20x128xf32, #tpu.memory_space<vmem>>, vector<1x1x16xf32>,
        %swap3A_284 = vector.shape_cast %swap3A_283 : vector<1x1x16xf32> to vector<16xf32>
        %swap3A_285 = vector.shape_cast %add3A_278 : vector<16xf32> to vector<1x1x16xf32>
        tpu.vector_store %arg10[%swap3A_280, %swap3A_281, %swap3A_282], %swap3A_285 {strides = array<i32>} : memref<4x20x128xf32, #tpu.memory_space<vmem>>, vector<1x1x16xf32>,
        %get3A_286 = arith.index_cast %scan3A_227 : i32 to index
        %get3A_287 = arith.constant 16 : index
        %get3A_288 = tpu.vector_load %arg13[%get3A_286, %get3A_287] {strides = array<i32>} : memref<20x128xf32, #tpu.memory_space<vmem>>, vector<1x16xf32>,
        %get3A_289 = vector.shape_cast %get3A_288 : vector<1x16xf32> to vector<16xf32>
        %get3A_290 = arith.constant 0 : i32
        %get3A_291 = arith.index_cast %get3A_290 : i32 to index
        %get3A_292 = arith.index_cast %scan3A_227 : i32 to index
        %get3A_293 = arith.constant 16 : index
        %get3A_294 = tpu.vector_load %arg6[%get3A_291, %get3A_292, %get3A_293] {strides = array<i32>} : memref<4x20x128xf32, #tpu.memory_space<vmem>>, vector<1x1x16xf32>,
        %get3A_295 = vector.shape_cast %get3A_294 : vector<1x1x16xf32> to vector<16xf32>
        %add3A_296 = arith.addf %get3A_295, %get3A_289 : vector<16xf32>
        %swap3A_297 = arith.constant 0 : i32
        %swap3A_298 = arith.index_cast %swap3A_297 : i32 to index
        %swap3A_299 = arith.index_cast %scan3A_227 : i32 to index
        %swap3A_300 = arith.constant 16 : index
        %swap3A_301 = tpu.vector_load %arg10[%swap3A_298, %swap3A_299, %swap3A_300] {strides = array<i32>} : memref<4x20x128xf32, #tpu.memory_space<vmem>>, vector<1x1x16xf32>,
        %swap3A_302 = vector.shape_cast %swap3A_301 : vector<1x1x16xf32> to vector<16xf32>
        %swap3A_303 = vector.shape_cast %add3A_296 : vector<16xf32> to vector<1x1x16xf32>
        tpu.vector_store %arg10[%swap3A_298, %swap3A_299, %swap3A_300], %swap3A_303 {strides = array<i32>} : memref<4x20x128xf32, #tpu.memory_space<vmem>>, vector<1x1x16xf32>,
        %get3A_304 = arith.constant 1 : i32
        %get3A_305 = arith.index_cast %get3A_304 : i32 to index
        %get3A_306 = arith.index_cast %scan3A_227 : i32 to index
        %get3A_307 = arith.constant 16 : index
        %get3A_308 = tpu.vector_load %arg6[%get3A_305, %get3A_306, %get3A_307] {strides = array<i32>} : memref<4x20x128xf32, #tpu.memory_space<vmem>>, vector<1x1x16xf32>,
        %get3A_309 = vector.shape_cast %get3A_308 : vector<1x1x16xf32> to vector<16xf32>
        %add3A_310 = arith.addf %get3A_309, %get3A_289 : vector<16xf32>
        %swap3A_311 = arith.constant 1 : i32
        %swap3A_312 = arith.index_cast %swap3A_311 : i32 to index
        %swap3A_313 = arith.index_cast %scan3A_227 : i32 to index
        %swap3A_314 = arith.constant 16 : index
        %swap3A_315 = tpu.vector_load %arg10[%swap3A_312, %swap3A_313, %swap3A_314] {strides = array<i32>} : memref<4x20x128xf32, #tpu.memory_space<vmem>>, vector<1x1x16xf32>,
        %swap3A_316 = vector.shape_cast %swap3A_315 : vector<1x1x16xf32> to vector<16xf32>
        %swap3A_317 = vector.shape_cast %add3A_310 : vector<16xf32> to vector<1x1x16xf32>
        tpu.vector_store %arg10[%swap3A_312, %swap3A_313, %swap3A_314], %swap3A_317 {strides = array<i32>} : memref<4x20x128xf32, #tpu.memory_space<vmem>>, vector<1x1x16xf32>,
        %get3A_318 = arith.constant 2 : i32
        %get3A_319 = arith.index_cast %get3A_318 : i32 to index
        %get3A_320 = arith.index_cast %scan3A_227 : i32 to index
        %get3A_321 = arith.constant 16 : index
        %get3A_322 = tpu.vector_load %arg6[%get3A_319, %get3A_320, %get3A_321] {strides = array<i32>} : memref<4x20x128xf32, #tpu.memory_space<vmem>>, vector<1x1x16xf32>,
        %get3A_323 = vector.shape_cast %get3A_322 : vector<1x1x16xf32> to vector<16xf32>
        %add3A_324 = arith.addf %get3A_323, %get3A_289 : vector<16xf32>
        %swap3A_325 = arith.constant 2 : i32
        %swap3A_326 = arith.index_cast %swap3A_325 : i32 to index
        %swap3A_327 = arith.index_cast %scan3A_227 : i32 to index
        %swap3A_328 = arith.constant 16 : index
        %swap3A_329 = tpu.vector_load %arg10[%swap3A_326, %swap3A_327, %swap3A_328] {strides = array<i32>} : memref<4x20x128xf32, #tpu.memory_space<vmem>>, vector<1x1x16xf32>,
        %swap3A_330 = vector.shape_cast %swap3A_329 : vector<1x1x16xf32> to vector<16xf32>
        %swap3A_331 = vector.shape_cast %add3A_324 : vector<16xf32> to vector<1x1x16xf32>
        tpu.vector_store %arg10[%swap3A_326, %swap3A_327, %swap3A_328], %swap3A_331 {strides = array<i32>} : memref<4x20x128xf32, #tpu.memory_space<vmem>>, vector<1x1x16xf32>,
        %get3A_332 = arith.constant 3 : i32
        %get3A_333 = arith.index_cast %get3A_332 : i32 to index
        %get3A_334 = arith.index_cast %scan3A_227 : i32 to index
        %get3A_335 = arith.constant 16 : index
        %get3A_336 = tpu.vector_load %arg6[%get3A_333, %get3A_334, %get3A_335] {strides = array<i32>} : memref<4x20x128xf32, #tpu.memory_space<vmem>>, vector<1x1x16xf32>,
        %get3A_337 = vector.shape_cast %get3A_336 : vector<1x1x16xf32> to vector<16xf32>
        %add3A_338 = arith.addf %get3A_337, %get3A_289 : vector<16xf32>
        %swap3A_339 = arith.constant 3 : i32
        %swap3A_340 = arith.index_cast %swap3A_339 : i32 to index
        %swap3A_341 = arith.index_cast %scan3A_227 : i32 to index
        %swap3A_342 = arith.constant 16 : index
        %swap3A_343 = tpu.vector_load %arg10[%swap3A_340, %swap3A_341, %swap3A_342] {strides = array<i32>} : memref<4x20x128xf32, #tpu.memory_space<vmem>>, vector<1x1x16xf32>,
        %swap3A_344 = vector.shape_cast %swap3A_343 : vector<1x1x16xf32> to vector<16xf32>
        %swap3A_345 = vector.shape_cast %add3A_338 : vector<16xf32> to vector<1x1x16xf32>
        tpu.vector_store %arg10[%swap3A_340, %swap3A_341, %swap3A_342], %swap3A_345 {strides = array<i32>} : memref<4x20x128xf32, #tpu.memory_space<vmem>>, vector<1x1x16xf32>,
        %get3A_346 = arith.index_cast %scan3A_227 : i32 to index
        %get3A_347 = arith.constant 32 : index
        %get3A_348 = tpu.vector_load %arg13[%get3A_346, %get3A_347] {strides = array<i32>} : memref<20x128xf32, #tpu.memory_space<vmem>>, vector<1x16xf32>,
        %get3A_349 = vector.shape_cast %get3A_348 : vector<1x16xf32> to vector<16xf32>
        %get3A_350 = arith.constant 0 : i32
        %get3A_351 = arith.index_cast %get3A_350 : i32 to index
        %get3A_352 = arith.index_cast %scan3A_227 : i32 to index
        %get3A_353 = arith.constant 32 : index
        %get3A_354 = tpu.vector_load %arg6[%get3A_351, %get3A_352, %get3A_353] {strides = array<i32>} : memref<4x20x128xf32, #tpu.memory_space<vmem>>, vector<1x1x16xf32>,
        %get3A_355 = vector.shape_cast %get3A_354 : vector<1x1x16xf32> to vector<16xf32>
        %add3A_356 = arith.addf %get3A_355, %get3A_349 : vector<16xf32>
        %swap3A_357 = arith.constant 0 : i32
        %swap3A_358 = arith.index_cast %swap3A_357 : i32 to index
        %swap3A_359 = arith.index_cast %scan3A_227 : i32 to index
        %swap3A_360 = arith.constant 32 : index
        %swap3A_361 = tpu.vector_load %arg10[%swap3A_358, %swap3A_359, %swap3A_360] {strides = array<i32>} : memref<4x20x128xf32, #tpu.memory_space<vmem>>, vector<1x1x16xf32>,
        %swap3A_362 = vector.shape_cast %swap3A_361 : vector<1x1x16xf32> to vector<16xf32>
        %swap3A_363 = vector.shape_cast %add3A_356 : vector<16xf32> to vector<1x1x16xf32>
        tpu.vector_store %arg10[%swap3A_358, %swap3A_359, %swap3A_360], %swap3A_363 {strides = array<i32>} : memref<4x20x128xf32, #tpu.memory_space<vmem>>, vector<1x1x16xf32>,
        %get3A_364 = arith.constant 1 : i32
        %get3A_365 = arith.index_cast %get3A_364 : i32 to index
        %get3A_366 = arith.index_cast %scan3A_227 : i32 to index
        %get3A_367 = arith.constant 32 : index
        %get3A_368 = tpu.vector_load %arg6[%get3A_365, %get3A_366, %get3A_367] {strides = array<i32>} : memref<4x20x128xf32, #tpu.memory_space<vmem>>, vector<1x1x16xf32>,
        %get3A_369 = vector.shape_cast %get3A_368 : vector<1x1x16xf32> to vector<16xf32>
        %add3A_370 = arith.addf %get3A_369, %get3A_349 : vector<16xf32>
        %swap3A_371 = arith.constant 1 : i32
        %swap3A_372 = arith.index_cast %swap3A_371 : i32 to index
        %swap3A_373 = arith.index_cast %scan3A_227 : i32 to index
        %swap3A_374 = arith.constant 32 : index
        %swap3A_375 = tpu.vector_load %arg10[%swap3A_372, %swap3A_373, %swap3A_374] {strides = array<i32>} : memref<4x20x128xf32, #tpu.memory_space<vmem>>, vector<1x1x16xf32>,
        %swap3A_376 = vector.shape_cast %swap3A_375 : vector<1x1x16xf32> to vector<16xf32>
        %swap3A_377 = vector.shape_cast %add3A_370 : vector<16xf32> to vector<1x1x16xf32>
        tpu.vector_store %arg10[%swap3A_372, %swap3A_373, %swap3A_374], %swap3A_377 {strides = array<i32>} : memref<4x20x128xf32, #tpu.memory_space<vmem>>, vector<1x1x16xf32>,
        %get3A_378 = arith.constant 2 : i32
        %get3A_379 = arith.index_cast %get3A_378 : i32 to index
        %get3A_380 = arith.index_cast %scan3A_227 : i32 to index
        %get3A_381 = arith.constant 32 : index
        %get3A_382 = tpu.vector_load %arg6[%get3A_379, %get3A_380, %get3A_381] {strides = array<i32>} : memref<4x20x128xf32, #tpu.memory_space<vmem>>, vector<1x1x16xf32>,
        %get3A_383 = vector.shape_cast %get3A_382 : vector<1x1x16xf32> to vector<16xf32>
        %add3A_384 = arith.addf %get3A_383, %get3A_349 : vector<16xf32>
        %swap3A_385 = arith.constant 2 : i32
        %swap3A_386 = arith.index_cast %swap3A_385 : i32 to index
        %swap3A_387 = arith.index_cast %scan3A_227 : i32 to index
        %swap3A_388 = arith.constant 32 : index
        %swap3A_389 = tpu.vector_load %arg10[%swap3A_386, %swap3A_387, %swap3A_388] {strides = array<i32>} : memref<4x20x128xf32, #tpu.memory_space<vmem>>, vector<1x1x16xf32>,
        %swap3A_390 = vector.shape_cast %swap3A_389 : vector<1x1x16xf32> to vector<16xf32>
        %swap3A_391 = vector.shape_cast %add3A_384 : vector<16xf32> to vector<1x1x16xf32>
        tpu.vector_store %arg10[%swap3A_386, %swap3A_387, %swap3A_388], %swap3A_391 {strides = array<i32>} : memref<4x20x128xf32, #tpu.memory_space<vmem>>, vector<1x1x16xf32>,
        %get3A_392 = arith.constant 3 : i32
        %get3A_393 = arith.index_cast %get3A_392 : i32 to index
        %get3A_394 = arith.index_cast %scan3A_227 : i32 to index
        %get3A_395 = arith.constant 32 : index
        %get3A_396 = tpu.vector_load %arg6[%get3A_393, %get3A_394, %get3A_395] {strides = array<i32>} : memref<4x20x128xf32, #tpu.memory_space<vmem>>, vector<1x1x16xf32>,
        %get3A_397 = vector.shape_cast %get3A_396 : vector<1x1x16xf32> to vector<16xf32>
        %add3A_398 = arith.addf %get3A_397, %get3A_349 : vector<16xf32>
        %swap3A_399 = arith.constant 3 : i32
        %swap3A_400 = arith.index_cast %swap3A_399 : i32 to index
        %swap3A_401 = arith.index_cast %scan3A_227 : i32 to index
        %swap3A_402 = arith.constant 32 : index
        %swap3A_403 = tpu.vector_load %arg10[%swap3A_400, %swap3A_401, %swap3A_402] {strides = array<i32>} : memref<4x20x128xf32, #tpu.memory_space<vmem>>, vector<1x1x16xf32>,
        %swap3A_404 = vector.shape_cast %swap3A_403 : vector<1x1x16xf32> to vector<16xf32>
        %swap3A_405 = vector.shape_cast %add3A_398 : vector<16xf32> to vector<1x1x16xf32>
        tpu.vector_store %arg10[%swap3A_400, %swap3A_401, %swap3A_402], %swap3A_405 {strides = array<i32>} : memref<4x20x128xf32, #tpu.memory_space<vmem>>, vector<1x1x16xf32>,
        %get3A_406 = arith.index_cast %scan3A_227 : i32 to index
        %get3A_407 = arith.constant 48 : index
        %get3A_408 = tpu.vector_load %arg13[%get3A_406, %get3A_407] {strides = array<i32>} : memref<20x128xf32, #tpu.memory_space<vmem>>, vector<1x16xf32>,
        %get3A_409 = vector.shape_cast %get3A_408 : vector<1x16xf32> to vector<16xf32>
        %get3A_410 = arith.constant 0 : i32
        %get3A_411 = arith.index_cast %get3A_410 : i32 to index
        %get3A_412 = arith.index_cast %scan3A_227 : i32 to index
        %get3A_413 = arith.constant 48 : index
        %get3A_414 = tpu.vector_load %arg6[%get3A_411, %get3A_412, %get3A_413] {strides = array<i32>} : memref<4x20x128xf32, #tpu.memory_space<vmem>>, vector<1x1x16xf32>,
        %get3A_415 = vector.shape_cast %get3A_414 : vector<1x1x16xf32> to vector<16xf32>
        %add3A_416 = arith.addf %get3A_415, %get3A_409 : vector<16xf32>
        %swap3A_417 = arith.constant 0 : i32
        %swap3A_418 = arith.index_cast %swap3A_417 : i32 to index
        %swap3A_419 = arith.index_cast %scan3A_227 : i32 to index
        %swap3A_420 = arith.constant 48 : index
        %swap3A_421 = tpu.vector_load %arg10[%swap3A_418, %swap3A_419, %swap3A_420] {strides = array<i32>} : memref<4x20x128xf32, #tpu.memory_space<vmem>>, vector<1x1x16xf32>,
        %swap3A_422 = vector.shape_cast %swap3A_421 : vector<1x1x16xf32> to vector<16xf32>
        %swap3A_423 = vector.shape_cast %add3A_416 : vector<16xf32> to vector<1x1x16xf32>
        tpu.vector_store %arg10[%swap3A_418, %swap3A_419, %swap3A_420], %swap3A_423 {strides = array<i32>} : memref<4x20x128xf32, #tpu.memory_space<vmem>>, vector<1x1x16xf32>,
        %get3A_424 = arith.constant 1 : i32
        %get3A_425 = arith.index_cast %get3A_424 : i32 to index
        %get3A_426 = arith.index_cast %scan3A_227 : i32 to index
        %get3A_427 = arith.constant 48 : index
        %get3A_428 = tpu.vector_load %arg6[%get3A_425, %get3A_426, %get3A_427] {strides = array<i32>} : memref<4x20x128xf32, #tpu.memory_space<vmem>>, vector<1x1x16xf32>,
        %get3A_429 = vector.shape_cast %get3A_428 : vector<1x1x16xf32> to vector<16xf32>
        %add3A_430 = arith.addf %get3A_429, %get3A_409 : vector<16xf32>
        %swap3A_431 = arith.constant 1 : i32
        %swap3A_432 = arith.index_cast %swap3A_431 : i32 to index
        %swap3A_433 = arith.index_cast %scan3A_227 : i32 to index
        %swap3A_434 = arith.constant 48 : index
        %swap3A_435 = tpu.vector_load %arg10[%swap3A_432, %swap3A_433, %swap3A_434] {strides = array<i32>} : memref<4x20x128xf32, #tpu.memory_space<vmem>>, vector<1x1x16xf32>,
        %swap3A_436 = vector.shape_cast %swap3A_435 : vector<1x1x16xf32> to vector<16xf32>
        %swap3A_437 = vector.shape_cast %add3A_430 : vector<16xf32> to vector<1x1x16xf32>
        tpu.vector_store %arg10[%swap3A_432, %swap3A_433, %swap3A_434], %swap3A_437 {strides = array<i32>} : memref<4x20x128xf32, #tpu.memory_space<vmem>>, vector<1x1x16xf32>,
        %get3A_438 = arith.constant 2 : i32
        %get3A_439 = arith.index_cast %get3A_438 : i32 to index
        %get3A_440 = arith.index_cast %scan3A_227 : i32 to index
        %get3A_441 = arith.constant 48 : index
        %get3A_442 = tpu.vector_load %arg6[%get3A_439, %get3A_440, %get3A_441] {strides = array<i32>} : memref<4x20x128xf32, #tpu.memory_space<vmem>>, vector<1x1x16xf32>,
        %get3A_443 = vector.shape_cast %get3A_442 : vector<1x1x16xf32> to vector<16xf32>
        %add3A_444 = arith.addf %get3A_443, %get3A_409 : vector<16xf32>
        %swap3A_445 = arith.constant 2 : i32
        %swap3A_446 = arith.index_cast %swap3A_445 : i32 to index
        %swap3A_447 = arith.index_cast %scan3A_227 : i32 to index
        %swap3A_448 = arith.constant 48 : index
        %swap3A_449 = tpu.vector_load %arg10[%swap3A_446, %swap3A_447, %swap3A_448] {strides = array<i32>} : memref<4x20x128xf32, #tpu.memory_space<vmem>>, vector<1x1x16xf32>,
        %swap3A_450 = vector.shape_cast %swap3A_449 : vector<1x1x16xf32> to vector<16xf32>
        %swap3A_451 = vector.shape_cast %add3A_444 : vector<16xf32> to vector<1x1x16xf32>
        tpu.vector_store %arg10[%swap3A_446, %swap3A_447, %swap3A_448], %swap3A_451 {strides = array<i32>} : memref<4x20x128xf32, #tpu.memory_space<vmem>>, vector<1x1x16xf32>,
        %get3A_452 = arith.constant 3 : i32
        %get3A_453 = arith.index_cast %get3A_452 : i32 to index
        %get3A_454 = arith.index_cast %scan3A_227 : i32 to index
        %get3A_455 = arith.constant 48 : index
        %get3A_456 = tpu.vector_load %arg6[%get3A_453, %get3A_454, %get3A_455] {strides = array<i32>} : memref<4x20x128xf32, #tpu.memory_space<vmem>>, vector<1x1x16xf32>,
        %get3A_457 = vector.shape_cast %get3A_456 : vector<1x1x16xf32> to vector<16xf32>
        %add3A_458 = arith.addf %get3A_457, %get3A_409 : vector<16xf32>
        %swap3A_459 = arith.constant 3 : i32
        %swap3A_460 = arith.index_cast %swap3A_459 : i32 to index
        %swap3A_461 = arith.index_cast %scan3A_227 : i32 to index
        %swap3A_462 = arith.constant 48 : index
        %swap3A_463 = tpu.vector_load %arg10[%swap3A_460, %swap3A_461, %swap3A_462] {strides = array<i32>} : memref<4x20x128xf32, #tpu.memory_space<vmem>>, vector<1x1x16xf32>,
        %swap3A_464 = vector.shape_cast %swap3A_463 : vector<1x1x16xf32> to vector<16xf32>
        %swap3A_465 = vector.shape_cast %add3A_458 : vector<16xf32> to vector<1x1x16xf32>
        tpu.vector_store %arg10[%swap3A_460, %swap3A_461, %swap3A_462], %swap3A_465 {strides = array<i32>} : memref<4x20x128xf32, #tpu.memory_space<vmem>>, vector<1x1x16xf32>,
        %get3A_466 = arith.index_cast %scan3A_227 : i32 to index
        %get3A_467 = arith.constant 64 : index
        %get3A_468 = tpu.vector_load %arg13[%get3A_466, %get3A_467] {strides = array<i32>} : memref<20x128xf32, #tpu.memory_space<vmem>>, vector<1x16xf32>,
        %get3A_469 = vector.shape_cast %get3A_468 : vector<1x16xf32> to vector<16xf32>
        %get3A_470 = arith.constant 0 : i32
        %get3A_471 = arith.index_cast %get3A_470 : i32 to index
        %get3A_472 = arith.index_cast %scan3A_227 : i32 to index
        %get3A_473 = arith.constant 64 : index
        %get3A_474 = tpu.vector_load %arg6[%get3A_471, %get3A_472, %get3A_473] {strides = array<i32>} : memref<4x20x128xf32, #tpu.memory_space<vmem>>, vector<1x1x16xf32>,
        %get3A_475 = vector.shape_cast %get3A_474 : vector<1x1x16xf32> to vector<16xf32>
        %add3A_476 = arith.addf %get3A_475, %get3A_469 : vector<16xf32>
        %swap3A_477 = arith.constant 0 : i32
        %swap3A_478 = arith.index_cast %swap3A_477 : i32 to index
        %swap3A_479 = arith.index_cast %scan3A_227 : i32 to index
        %swap3A_480 = arith.constant 64 : index
        %swap3A_481 = tpu.vector_load %arg10[%swap3A_478, %swap3A_479, %swap3A_480] {strides = array<i32>} : memref<4x20x128xf32, #tpu.memory_space<vmem>>, vector<1x1x16xf32>,
        %swap3A_482 = vector.shape_cast %swap3A_481 : vector<1x1x16xf32> to vector<16xf32>
        %swap3A_483 = vector.shape_cast %add3A_476 : vector<16xf32> to vector<1x1x16xf32>
        tpu.vector_store %arg10[%swap3A_478, %swap3A_479, %swap3A_480], %swap3A_483 {strides = array<i32>} : memref<4x20x128xf32, #tpu.memory_space<vmem>>, vector<1x1x16xf32>,
        %get3A_484 = arith.constant 1 : i32
        %get3A_485 = arith.index_cast %get3A_484 : i32 to index
        %get3A_486 = arith.index_cast %scan3A_227 : i32 to index
        %get3A_487 = arith.constant 64 : index
        %get3A_488 = tpu.vector_load %arg6[%get3A_485, %get3A_486, %get3A_487] {strides = array<i32>} : memref<4x20x128xf32, #tpu.memory_space<vmem>>, vector<1x1x16xf32>,
        %get3A_489 = vector.shape_cast %get3A_488 : vector<1x1x16xf32> to vector<16xf32>
        %add3A_490 = arith.addf %get3A_489, %get3A_469 : vector<16xf32>
        %swap3A_491 = arith.constant 1 : i32
        %swap3A_492 = arith.index_cast %swap3A_491 : i32 to index
        %swap3A_493 = arith.index_cast %scan3A_227 : i32 to index
        %swap3A_494 = arith.constant 64 : index
        %swap3A_495 = tpu.vector_load %arg10[%swap3A_492, %swap3A_493, %swap3A_494] {strides = array<i32>} : memref<4x20x128xf32, #tpu.memory_space<vmem>>, vector<1x1x16xf32>,
        %swap3A_496 = vector.shape_cast %swap3A_495 : vector<1x1x16xf32> to vector<16xf32>
        %swap3A_497 = vector.shape_cast %add3A_490 : vector<16xf32> to vector<1x1x16xf32>
        tpu.vector_store %arg10[%swap3A_492, %swap3A_493, %swap3A_494], %swap3A_497 {strides = array<i32>} : memref<4x20x128xf32, #tpu.memory_space<vmem>>, vector<1x1x16xf32>,
        %get3A_498 = arith.constant 2 : i32
        %get3A_499 = arith.index_cast %get3A_498 : i32 to index
        %get3A_500 = arith.index_cast %scan3A_227 : i32 to index
        %get3A_501 = arith.constant 64 : index
        %get3A_502 = tpu.vector_load %arg6[%get3A_499, %get3A_500, %get3A_501] {strides = array<i32>} : memref<4x20x128xf32, #tpu.memory_space<vmem>>, vector<1x1x16xf32>,
        %get3A_503 = vector.shape_cast %get3A_502 : vector<1x1x16xf32> to vector<16xf32>
        %add3A_504 = arith.addf %get3A_503, %get3A_469 : vector<16xf32>
        %swap3A_505 = arith.constant 2 : i32
        %swap3A_506 = arith.index_cast %swap3A_505 : i32 to index
        %swap3A_507 = arith.index_cast %scan3A_227 : i32 to index
        %swap3A_508 = arith.constant 64 : index
        %swap3A_509 = tpu.vector_load %arg10[%swap3A_506, %swap3A_507, %swap3A_508] {strides = array<i32>} : memref<4x20x128xf32, #tpu.memory_space<vmem>>, vector<1x1x16xf32>,
        %swap3A_510 = vector.shape_cast %swap3A_509 : vector<1x1x16xf32> to vector<16xf32>
        %swap3A_511 = vector.shape_cast %add3A_504 : vector<16xf32> to vector<1x1x16xf32>
        tpu.vector_store %arg10[%swap3A_506, %swap3A_507, %swap3A_508], %swap3A_511 {strides = array<i32>} : memref<4x20x128xf32, #tpu.memory_space<vmem>>, vector<1x1x16xf32>,
        %get3A_512 = arith.constant 3 : i32
        %get3A_513 = arith.index_cast %get3A_512 : i32 to index
        %get3A_514 = arith.index_cast %scan3A_227 : i32 to index
        %get3A_515 = arith.constant 64 : index
        %get3A_516 = tpu.vector_load %arg6[%get3A_513, %get3A_514, %get3A_515] {strides = array<i32>} : memref<4x20x128xf32, #tpu.memory_space<vmem>>, vector<1x1x16xf32>,
        %get3A_517 = vector.shape_cast %get3A_516 : vector<1x1x16xf32> to vector<16xf32>
        %add3A_518 = arith.addf %get3A_517, %get3A_469 : vector<16xf32>
        %swap3A_519 = arith.constant 3 : i32
        %swap3A_520 = arith.index_cast %swap3A_519 : i32 to index
        %swap3A_521 = arith.index_cast %scan3A_227 : i32 to index
        %swap3A_522 = arith.constant 64 : index
        %swap3A_523 = tpu.vector_load %arg10[%swap3A_520, %swap3A_521, %swap3A_522] {strides = array<i32>} : memref<4x20x128xf32, #tpu.memory_space<vmem>>, vector<1x1x16xf32>,
        %swap3A_524 = vector.shape_cast %swap3A_523 : vector<1x1x16xf32> to vector<16xf32>
        %swap3A_525 = vector.shape_cast %add3A_518 : vector<16xf32> to vector<1x1x16xf32>
        tpu.vector_store %arg10[%swap3A_520, %swap3A_521, %swap3A_522], %swap3A_525 {strides = array<i32>} : memref<4x20x128xf32, #tpu.memory_space<vmem>>, vector<1x1x16xf32>,
        %get3A_526 = arith.index_cast %scan3A_227 : i32 to index
        %get3A_527 = arith.constant 80 : index
        %get3A_528 = tpu.vector_load %arg13[%get3A_526, %get3A_527] {strides = array<i32>} : memref<20x128xf32, #tpu.memory_space<vmem>>, vector<1x16xf32>,
        %get3A_529 = vector.shape_cast %get3A_528 : vector<1x16xf32> to vector<16xf32>
        %get3A_530 = arith.constant 0 : i32
        %get3A_531 = arith.index_cast %get3A_530 : i32 to index
        %get3A_532 = arith.index_cast %scan3A_227 : i32 to index
        %get3A_533 = arith.constant 80 : index
        %get3A_534 = tpu.vector_load %arg6[%get3A_531, %get3A_532, %get3A_533] {strides = array<i32>} : memref<4x20x128xf32, #tpu.memory_space<vmem>>, vector<1x1x16xf32>,
        %get3A_535 = vector.shape_cast %get3A_534 : vector<1x1x16xf32> to vector<16xf32>
        %add3A_536 = arith.addf %get3A_535, %get3A_529 : vector<16xf32>
        %swap3A_537 = arith.constant 0 : i32
        %swap3A_538 = arith.index_cast %swap3A_537 : i32 to index
        %swap3A_539 = arith.index_cast %scan3A_227 : i32 to index
        %swap3A_540 = arith.constant 80 : index
        %swap3A_541 = tpu.vector_load %arg10[%swap3A_538, %swap3A_539, %swap3A_540] {strides = array<i32>} : memref<4x20x128xf32, #tpu.memory_space<vmem>>, vector<1x1x16xf32>,
        %swap3A_542 = vector.shape_cast %swap3A_541 : vector<1x1x16xf32> to vector<16xf32>
        %swap3A_543 = vector.shape_cast %add3A_536 : vector<16xf32> to vector<1x1x16xf32>
        tpu.vector_store %arg10[%swap3A_538, %swap3A_539, %swap3A_540], %swap3A_543 {strides = array<i32>} : memref<4x20x128xf32, #tpu.memory_space<vmem>>, vector<1x1x16xf32>,
        %get3A_544 = arith.constant 1 : i32
        %get3A_545 = arith.index_cast %get3A_544 : i32 to index
        %get3A_546 = arith.index_cast %scan3A_227 : i32 to index
        %get3A_547 = arith.constant 80 : index
        %get3A_548 = tpu.vector_load %arg6[%get3A_545, %get3A_546, %get3A_547] {strides = array<i32>} : memref<4x20x128xf32, #tpu.memory_space<vmem>>, vector<1x1x16xf32>,
        %get3A_549 = vector.shape_cast %get3A_548 : vector<1x1x16xf32> to vector<16xf32>
        %add3A_550 = arith.addf %get3A_549, %get3A_529 : vector<16xf32>
        %swap3A_551 = arith.constant 1 : i32
        %swap3A_552 = arith.index_cast %swap3A_551 : i32 to index
        %swap3A_553 = arith.index_cast %scan3A_227 : i32 to index
        %swap3A_554 = arith.constant 80 : index
        %swap3A_555 = tpu.vector_load %arg10[%swap3A_552, %swap3A_553, %swap3A_554] {strides = array<i32>} : memref<4x20x128xf32, #tpu.memory_space<vmem>>, vector<1x1x16xf32>,
        %swap3A_556 = vector.shape_cast %swap3A_555 : vector<1x1x16xf32> to vector<16xf32>
        %swap3A_557 = vector.shape_cast %add3A_550 : vector<16xf32> to vector<1x1x16xf32>
        tpu.vector_store %arg10[%swap3A_552, %swap3A_553, %swap3A_554], %swap3A_557 {strides = array<i32>} : memref<4x20x128xf32, #tpu.memory_space<vmem>>, vector<1x1x16xf32>,
        %get3A_558 = arith.constant 2 : i32
        %get3A_559 = arith.index_cast %get3A_558 : i32 to index
        %get3A_560 = arith.index_cast %scan3A_227 : i32 to index
        %get3A_561 = arith.constant 80 : index
        %get3A_562 = tpu.vector_load %arg6[%get3A_559, %get3A_560, %get3A_561] {strides = array<i32>} : memref<4x20x128xf32, #tpu.memory_space<vmem>>, vector<1x1x16xf32>,
        %get3A_563 = vector.shape_cast %get3A_562 : vector<1x1x16xf32> to vector<16xf32>
        %add3A_564 = arith.addf %get3A_563, %get3A_529 : vector<16xf32>
        %swap3A_565 = arith.constant 2 : i32
        %swap3A_566 = arith.index_cast %swap3A_565 : i32 to index
        %swap3A_567 = arith.index_cast %scan3A_227 : i32 to index
        %swap3A_568 = arith.constant 80 : index
        %swap3A_569 = tpu.vector_load %arg10[%swap3A_566, %swap3A_567, %swap3A_568] {strides = array<i32>} : memref<4x20x128xf32, #tpu.memory_space<vmem>>, vector<1x1x16xf32>,
        %swap3A_570 = vector.shape_cast %swap3A_569 : vector<1x1x16xf32> to vector<16xf32>
        %swap3A_571 = vector.shape_cast %add3A_564 : vector<16xf32> to vector<1x1x16xf32>
        tpu.vector_store %arg10[%swap3A_566, %swap3A_567, %swap3A_568], %swap3A_571 {strides = array<i32>} : memref<4x20x128xf32, #tpu.memory_space<vmem>>, vector<1x1x16xf32>,
        %get3A_572 = arith.constant 3 : i32
        %get3A_573 = arith.index_cast %get3A_572 : i32 to index
        %get3A_574 = arith.index_cast %scan3A_227 : i32 to index
        %get3A_575 = arith.constant 80 : index
        %get3A_576 = tpu.vector_load %arg6[%get3A_573, %get3A_574, %get3A_575] {strides = array<i32>} : memref<4x20x128xf32, #tpu.memory_space<vmem>>, vector<1x1x16xf32>,
        %get3A_577 = vector.shape_cast %get3A_576 : vector<1x1x16xf32> to vector<16xf32>
        %add3A_578 = arith.addf %get3A_577, %get3A_529 : vector<16xf32>
        %swap3A_579 = arith.constant 3 : i32
        %swap3A_580 = arith.index_cast %swap3A_579 : i32 to index
        %swap3A_581 = arith.index_cast %scan3A_227 : i32 to index
        %swap3A_582 = arith.constant 80 : index
        %swap3A_583 = tpu.vector_load %arg10[%swap3A_580, %swap3A_581, %swap3A_582] {strides = array<i32>} : memref<4x20x128xf32, #tpu.memory_space<vmem>>, vector<1x1x16xf32>,
        %swap3A_584 = vector.shape_cast %swap3A_583 : vector<1x1x16xf32> to vector<16xf32>
        %swap3A_585 = vector.shape_cast %add3A_578 : vector<16xf32> to vector<1x1x16xf32>
        tpu.vector_store %arg10[%swap3A_580, %swap3A_581, %swap3A_582], %swap3A_585 {strides = array<i32>} : memref<4x20x128xf32, #tpu.memory_space<vmem>>, vector<1x1x16xf32>,
        %get3A_586 = arith.index_cast %scan3A_227 : i32 to index
        %get3A_587 = arith.constant 96 : index
        %get3A_588 = tpu.vector_load %arg13[%get3A_586, %get3A_587] {strides = array<i32>} : memref<20x128xf32, #tpu.memory_space<vmem>>, vector<1x16xf32>,
        %get3A_589 = vector.shape_cast %get3A_588 : vector<1x16xf32> to vector<16xf32>
        %get3A_590 = arith.constant 0 : i32
        %get3A_591 = arith.index_cast %get3A_590 : i32 to index
        %get3A_592 = arith.index_cast %scan3A_227 : i32 to index
        %get3A_593 = arith.constant 96 : index
        %get3A_594 = tpu.vector_load %arg6[%get3A_591, %get3A_592, %get3A_593] {strides = array<i32>} : memref<4x20x128xf32, #tpu.memory_space<vmem>>, vector<1x1x16xf32>,
        %get3A_595 = vector.shape_cast %get3A_594 : vector<1x1x16xf32> to vector<16xf32>
        %add3A_596 = arith.addf %get3A_595, %get3A_589 : vector<16xf32>
        %swap3A_597 = arith.constant 0 : i32
        %swap3A_598 = arith.index_cast %swap3A_597 : i32 to index
        %swap3A_599 = arith.index_cast %scan3A_227 : i32 to index
        %swap3A_600 = arith.constant 96 : index
        %swap3A_601 = tpu.vector_load %arg10[%swap3A_598, %swap3A_599, %swap3A_600] {strides = array<i32>} : memref<4x20x128xf32, #tpu.memory_space<vmem>>, vector<1x1x16xf32>,
        %swap3A_602 = vector.shape_cast %swap3A_601 : vector<1x1x16xf32> to vector<16xf32>
        %swap3A_603 = vector.shape_cast %add3A_596 : vector<16xf32> to vector<1x1x16xf32>
        tpu.vector_store %arg10[%swap3A_598, %swap3A_599, %swap3A_600], %swap3A_603 {strides = array<i32>} : memref<4x20x128xf32, #tpu.memory_space<vmem>>, vector<1x1x16xf32>,
        %get3A_604 = arith.constant 1 : i32
        %get3A_605 = arith.index_cast %get3A_604 : i32 to index
        %get3A_606 = arith.index_cast %scan3A_227 : i32 to index
        %get3A_607 = arith.constant 96 : index
        %get3A_608 = tpu.vector_load %arg6[%get3A_605, %get3A_606, %get3A_607] {strides = array<i32>} : memref<4x20x128xf32, #tpu.memory_space<vmem>>, vector<1x1x16xf32>,
        %get3A_609 = vector.shape_cast %get3A_608 : vector<1x1x16xf32> to vector<16xf32>
        %add3A_610 = arith.addf %get3A_609, %get3A_589 : vector<16xf32>
        %swap3A_611 = arith.constant 1 : i32
        %swap3A_612 = arith.index_cast %swap3A_611 : i32 to index
        %swap3A_613 = arith.index_cast %scan3A_227 : i32 to index
        %swap3A_614 = arith.constant 96 : index
        %swap3A_615 = tpu.vector_load %arg10[%swap3A_612, %swap3A_613, %swap3A_614] {strides = array<i32>} : memref<4x20x128xf32, #tpu.memory_space<vmem>>, vector<1x1x16xf32>,
        %swap3A_616 = vector.shape_cast %swap3A_615 : vector<1x1x16xf32> to vector<16xf32>
        %swap3A_617 = vector.shape_cast %add3A_610 : vector<16xf32> to vector<1x1x16xf32>
        tpu.vector_store %arg10[%swap3A_612, %swap3A_613, %swap3A_614], %swap3A_617 {strides = array<i32>} : memref<4x20x128xf32, #tpu.memory_space<vmem>>, vector<1x1x16xf32>,
        %get3A_618 = arith.constant 2 : i32
        %get3A_619 = arith.index_cast %get3A_618 : i32 to index
        %get3A_620 = arith.index_cast %scan3A_227 : i32 to index
        %get3A_621 = arith.constant 96 : index
        %get3A_622 = tpu.vector_load %arg6[%get3A_619, %get3A_620, %get3A_621] {strides = array<i32>} : memref<4x20x128xf32, #tpu.memory_space<vmem>>, vector<1x1x16xf32>,
        %get3A_623 = vector.shape_cast %get3A_622 : vector<1x1x16xf32> to vector<16xf32>
        %add3A_624 = arith.addf %get3A_623, %get3A_589 : vector<16xf32>
        %swap3A_625 = arith.constant 2 : i32
        %swap3A_626 = arith.index_cast %swap3A_625 : i32 to index
        %swap3A_627 = arith.index_cast %scan3A_227 : i32 to index
        %swap3A_628 = arith.constant 96 : index
        %swap3A_629 = tpu.vector_load %arg10[%swap3A_626, %swap3A_627, %swap3A_628] {strides = array<i32>} : memref<4x20x128xf32, #tpu.memory_space<vmem>>, vector<1x1x16xf32>,
        %swap3A_630 = vector.shape_cast %swap3A_629 : vector<1x1x16xf32> to vector<16xf32>
        %swap3A_631 = vector.shape_cast %add3A_624 : vector<16xf32> to vector<1x1x16xf32>
        tpu.vector_store %arg10[%swap3A_626, %swap3A_627, %swap3A_628], %swap3A_631 {strides = array<i32>} : memref<4x20x128xf32, #tpu.memory_space<vmem>>, vector<1x1x16xf32>,
        %get3A_632 = arith.constant 3 : i32
        %get3A_633 = arith.index_cast %get3A_632 : i32 to index
        %get3A_634 = arith.index_cast %scan3A_227 : i32 to index
        %get3A_635 = arith.constant 96 : index
        %get3A_636 = tpu.vector_load %arg6[%get3A_633, %get3A_634, %get3A_635] {strides = array<i32>} : memref<4x20x128xf32, #tpu.memory_space<vmem>>, vector<1x1x16xf32>,
        %get3A_637 = vector.shape_cast %get3A_636 : vector<1x1x16xf32> to vector<16xf32>
        %add3A_638 = arith.addf %get3A_637, %get3A_589 : vector<16xf32>
        %swap3A_639 = arith.constant 3 : i32
        %swap3A_640 = arith.index_cast %swap3A_639 : i32 to index
        %swap3A_641 = arith.index_cast %scan3A_227 : i32 to index
        %swap3A_642 = arith.constant 96 : index
        %swap3A_643 = tpu.vector_load %arg10[%swap3A_640, %swap3A_641, %swap3A_642] {strides = array<i32>} : memref<4x20x128xf32, #tpu.memory_space<vmem>>, vector<1x1x16xf32>,
        %swap3A_644 = vector.shape_cast %swap3A_643 : vector<1x1x16xf32> to vector<16xf32>
        %swap3A_645 = vector.shape_cast %add3A_638 : vector<16xf32> to vector<1x1x16xf32>
        tpu.vector_store %arg10[%swap3A_640, %swap3A_641, %swap3A_642], %swap3A_645 {strides = array<i32>} : memref<4x20x128xf32, #tpu.memory_space<vmem>>, vector<1x1x16xf32>,
        %get3A_646 = arith.index_cast %scan3A_227 : i32 to index
        %get3A_647 = arith.constant 112 : index
        %get3A_648 = tpu.vector_load %arg13[%get3A_646, %get3A_647] {strides = array<i32>} : memref<20x128xf32, #tpu.memory_space<vmem>>, vector<1x16xf32>,
        %get3A_649 = vector.shape_cast %get3A_648 : vector<1x16xf32> to vector<16xf32>
        %get3A_650 = arith.constant 0 : i32
        %get3A_651 = arith.index_cast %get3A_650 : i32 to index
        %get3A_652 = arith.index_cast %scan3A_227 : i32 to index
        %get3A_653 = arith.constant 112 : index
        %get3A_654 = tpu.vector_load %arg6[%get3A_651, %get3A_652, %get3A_653] {strides = array<i32>} : memref<4x20x128xf32, #tpu.memory_space<vmem>>, vector<1x1x16xf32>,
        %get3A_655 = vector.shape_cast %get3A_654 : vector<1x1x16xf32> to vector<16xf32>
        %add3A_656 = arith.addf %get3A_655, %get3A_649 : vector<16xf32>
        %swap3A_657 = arith.constant 0 : i32
        %swap3A_658 = arith.index_cast %swap3A_657 : i32 to index
        %swap3A_659 = arith.index_cast %scan3A_227 : i32 to index
        %swap3A_660 = arith.constant 112 : index
        %swap3A_661 = tpu.vector_load %arg10[%swap3A_658, %swap3A_659, %swap3A_660] {strides = array<i32>} : memref<4x20x128xf32, #tpu.memory_space<vmem>>, vector<1x1x16xf32>,
        %swap3A_662 = vector.shape_cast %swap3A_661 : vector<1x1x16xf32> to vector<16xf32>
        %swap3A_663 = vector.shape_cast %add3A_656 : vector<16xf32> to vector<1x1x16xf32>
        tpu.vector_store %arg10[%swap3A_658, %swap3A_659, %swap3A_660], %swap3A_663 {strides = array<i32>} : memref<4x20x128xf32, #tpu.memory_space<vmem>>, vector<1x1x16xf32>,
        %get3A_664 = arith.constant 1 : i32
        %get3A_665 = arith.index_cast %get3A_664 : i32 to index
        %get3A_666 = arith.index_cast %scan3A_227 : i32 to index
        %get3A_667 = arith.constant 112 : index
        %get3A_668 = tpu.vector_load %arg6[%get3A_665, %get3A_666, %get3A_667] {strides = array<i32>} : memref<4x20x128xf32, #tpu.memory_space<vmem>>, vector<1x1x16xf32>,
        %get3A_669 = vector.shape_cast %get3A_668 : vector<1x1x16xf32> to vector<16xf32>
        %add3A_670 = arith.addf %get3A_669, %get3A_649 : vector<16xf32>
        %swap3A_671 = arith.constant 1 : i32
        %swap3A_672 = arith.index_cast %swap3A_671 : i32 to index
        %swap3A_673 = arith.index_cast %scan3A_227 : i32 to index
        %swap3A_674 = arith.constant 112 : index
        %swap3A_675 = tpu.vector_load %arg10[%swap3A_672, %swap3A_673, %swap3A_674] {strides = array<i32>} : memref<4x20x128xf32, #tpu.memory_space<vmem>>, vector<1x1x16xf32>,
        %swap3A_676 = vector.shape_cast %swap3A_675 : vector<1x1x16xf32> to vector<16xf32>
        %swap3A_677 = vector.shape_cast %add3A_670 : vector<16xf32> to vector<1x1x16xf32>
        tpu.vector_store %arg10[%swap3A_672, %swap3A_673, %swap3A_674], %swap3A_677 {strides = array<i32>} : memref<4x20x128xf32, #tpu.memory_space<vmem>>, vector<1x1x16xf32>,
        %get3A_678 = arith.constant 2 : i32
        %get3A_679 = arith.index_cast %get3A_678 : i32 to index
        %get3A_680 = arith.index_cast %scan3A_227 : i32 to index
        %get3A_681 = arith.constant 112 : index
        %get3A_682 = tpu.vector_load %arg6[%get3A_679, %get3A_680, %get3A_681] {strides = array<i32>} : memref<4x20x128xf32, #tpu.memory_space<vmem>>, vector<1x1x16xf32>,
        %get3A_683 = vector.shape_cast %get3A_682 : vector<1x1x16xf32> to vector<16xf32>
        %add3A_684 = arith.addf %get3A_683, %get3A_649 : vector<16xf32>
        %swap3A_685 = arith.constant 2 : i32
        %swap3A_686 = arith.index_cast %swap3A_685 : i32 to index
        %swap3A_687 = arith.index_cast %scan3A_227 : i32 to index
        %swap3A_688 = arith.constant 112 : index
        %swap3A_689 = tpu.vector_load %arg10[%swap3A_686, %swap3A_687, %swap3A_688] {strides = array<i32>} : memref<4x20x128xf32, #tpu.memory_space<vmem>>, vector<1x1x16xf32>,
        %swap3A_690 = vector.shape_cast %swap3A_689 : vector<1x1x16xf32> to vector<16xf32>
        %swap3A_691 = vector.shape_cast %add3A_684 : vector<16xf32> to vector<1x1x16xf32>
        tpu.vector_store %arg10[%swap3A_686, %swap3A_687, %swap3A_688], %swap3A_691 {strides = array<i32>} : memref<4x20x128xf32, #tpu.memory_space<vmem>>, vector<1x1x16xf32>,
        %get3A_692 = arith.constant 3 : i32
        %get3A_693 = arith.index_cast %get3A_692 : i32 to index
        %get3A_694 = arith.index_cast %scan3A_227 : i32 to index
        %get3A_695 = arith.constant 112 : index
        %get3A_696 = tpu.vector_load %arg6[%get3A_693, %get3A_694, %get3A_695] {strides = array<i32>} : memref<4x20x128xf32, #tpu.memory_space<vmem>>, vector<1x1x16xf32>,
        %get3A_697 = vector.shape_cast %get3A_696 : vector<1x1x16xf32> to vector<16xf32>
        %add3A_698 = arith.addf %get3A_697, %get3A_649 : vector<16xf32>
        %swap3A_699 = arith.constant 3 : i32
        %swap3A_700 = arith.index_cast %swap3A_699 : i32 to index
        %swap3A_701 = arith.index_cast %scan3A_227 : i32 to index
        %swap3A_702 = arith.constant 112 : index
        %swap3A_703 = tpu.vector_load %arg10[%swap3A_700, %swap3A_701, %swap3A_702] {strides = array<i32>} : memref<4x20x128xf32, #tpu.memory_space<vmem>>, vector<1x1x16xf32>,
        %swap3A_704 = vector.shape_cast %swap3A_703 : vector<1x1x16xf32> to vector<16xf32>
        %swap3A_705 = vector.shape_cast %add3A_698 : vector<16xf32> to vector<1x1x16xf32>
        tpu.vector_store %arg10[%swap3A_700, %swap3A_701, %swap3A_702], %swap3A_705 {strides = array<i32>} : memref<4x20x128xf32, #tpu.memory_space<vmem>>, vector<1x1x16xf32>,
      }
      %scan3A_130 = arith.constant 20 : i32
      %mul3A_131 = arith.constant 4 : i32
      %mul3A_132 = arith.muli %add3A_110, %mul3A_131 : i32
      %add3A_133 = arith.addi %mul3A_2, %mul3A_132 : i32
      %dma_start3A_134 = arith.constant 0 : i32
      %dma_start3A_135 = arith.constant 0 : i32
      %dma_start3A_136 = tpu.memref_slice %arg4[%add3A_133, %dma_start3A_134, %dma_start3A_135] : memref<16384x20x128xf32, #tpu.memory_space<hbm>> -> memref<4x20x128xf32, #tpu.memory_space<hbm>>
      %dma_start3A_137 = arith.constant 0 : i32
      %dma_start3A_138 = arith.constant 0 : i32
      %dma_start3A_139 = tpu.memref_slice %arg4[%add3A_133, %dma_start3A_137, %dma_start3A_138] : memref<16384x20x128xf32, #tpu.memory_space<hbm>> -> memref<4x20x128xf32, #tpu.memory_space<hbm>>
      tpu.enqueue_dma source(%arg10 : memref<4x20x128xf32, #tpu.memory_space<vmem>>) target(%dma_start3A_139 : memref<4x20x128xf32, #tpu.memory_space<hbm>>) target_semaphore(%arg19 : memref<!tpu.dma_semaphore, #tpu.memory_space<semaphore_mem>>)
      %add3A_140 = arith.constant 4 : i32
      %add3A_141 = arith.addi %add3A_110, %add3A_140 : i32
      %lt3A_142 = arith.constant 128 : i32
      %lt3A_143 = arith.cmpi slt, %add3A_141, %lt3A_142 : i32
      %convert_element_type3A_144 = arith.extui %lt3A_143 : i1 to i32
      %cond3A_145 = arith.constant 0 : i32
      %cond3A_146 = arith.cmpi ne, %convert_element_type3A_144, %cond3A_145 : i32
      scf.if %cond3A_146 {
        %add3A_227 = arith.constant 4 : i32
        %add3A_228 = arith.addi %add3A_110, %add3A_227 : i32
        %mul3A_229 = arith.constant 4 : i32
        %mul3A_230 = arith.muli %add3A_228, %mul3A_229 : i32
        %add3A_231 = arith.addi %mul3A_2, %mul3A_230 : i32
        %dma_start3A_232 = arith.constant 0 : i32
        %dma_start3A_233 = arith.constant 0 : i32
        %dma_start3A_234 = tpu.memref_slice %arg2[%add3A_231, %dma_start3A_232, %dma_start3A_233] : memref<16384x20x128xf32, #tpu.memory_space<hbm>> -> memref<4x20x128xf32, #tpu.memory_space<hbm>>
        %dma_start3A_235 = arith.constant 0 : i32
        %dma_start3A_236 = arith.constant 0 : i32
        %dma_start3A_237 = tpu.memref_slice %arg2[%add3A_231, %dma_start3A_235, %dma_start3A_236] : memref<16384x20x128xf32, #tpu.memory_space<hbm>> -> memref<4x20x128xf32, #tpu.memory_space<hbm>>
        tpu.enqueue_dma source(%dma_start3A_237 : memref<4x20x128xf32, #tpu.memory_space<hbm>>) target(%arg6 : memref<4x20x128xf32, #tpu.memory_space<vmem>>) target_semaphore(%arg15 : memref<!tpu.dma_semaphore, #tpu.memory_space<semaphore_mem>>)
      } else {
      }
      %mul3A_147 = arith.constant 4 : i32
      %mul3A_148 = arith.muli %scan3A_70, %mul3A_147 : i32
      %add3A_149 = arith.constant 2 : i32
      %add3A_150 = arith.addi %mul3A_148, %add3A_149 : i32
      %mul3A_151 = arith.constant 4 : i32
      %mul3A_152 = arith.muli %add3A_150, %mul3A_151 : i32
      %add3A_153 = arith.addi %mul3A_2, %mul3A_152 : i32
      %dma_wait3A_154 = arith.constant 0 : i32
      %dma_wait3A_155 = arith.constant 0 : i32
      %dma_wait3A_156 = tpu.memref_slice %arg2[%add3A_153, %dma_wait3A_154, %dma_wait3A_155] : memref<16384x20x128xf32, #tpu.memory_space<hbm>> -> memref<4x20x128xf32, #tpu.memory_space<hbm>>
      %dma_wait3A_157 = arith.constant 0 : i32
      %dma_wait3A_158 = arith.constant 0 : i32
      %dma_wait3A_159 = tpu.memref_slice %arg2[%add3A_153, %dma_wait3A_157, %dma_wait3A_158] : memref<16384x20x128xf32, #tpu.memory_space<hbm>> -> memref<4x20x128xf32, #tpu.memory_space<hbm>>
      tpu.wait_dma2 semaphore(%arg16 : memref<!tpu.dma_semaphore, #tpu.memory_space<semaphore_mem>>) src(%dma_wait3A_159 : memref<4x20x128xf32, #tpu.memory_space<hbm>>) dst(%arg7 : memref<4x20x128xf32, #tpu.memory_space<vmem>>)
      %ge3A_160 = arith.constant 4 : i32
      %ge3A_161 = arith.cmpi sge, %add3A_150, %ge3A_160 : i32
      %convert_element_type3A_162 = arith.extui %ge3A_161 : i1 to i32
      %cond3A_163 = arith.constant 0 : i32
      %cond3A_164 = arith.cmpi ne, %convert_element_type3A_162, %cond3A_163 : i32
      scf.if %cond3A_164 {
        %sub3A = arith.constant 4 : i32
        %sub3A_227 = arith.subi %add3A_150, %sub3A : i32
        %mul3A_228 = arith.constant 4 : i32
        %mul3A_229 = arith.muli %sub3A_227, %mul3A_228 : i32
        %add3A_230 = arith.addi %mul3A_2, %mul3A_229 : i32
        %dma_wait3A_231 = arith.constant 0 : i32
        %dma_wait3A_232 = arith.constant 0 : i32
        %dma_wait3A_233 = tpu.memref_slice %arg4[%add3A_230, %dma_wait3A_231, %dma_wait3A_232] : memref<16384x20x128xf32, #tpu.memory_space<hbm>> -> memref<4x20x128xf32, #tpu.memory_space<hbm>>
        %dma_wait3A_234 = arith.constant 0 : i32
        %dma_wait3A_235 = arith.constant 0 : i32
        %dma_wait3A_236 = tpu.memref_slice %arg4[%add3A_230, %dma_wait3A_234, %dma_wait3A_235] : memref<16384x20x128xf32, #tpu.memory_space<hbm>> -> memref<4x20x128xf32, #tpu.memory_space<hbm>>
        tpu.wait_dma2 semaphore(%arg20 : memref<!tpu.dma_semaphore, #tpu.memory_space<semaphore_mem>>) src(%arg11 : memref<4x20x128xf32, #tpu.memory_space<vmem>>) dst(%dma_wait3A_236 : memref<4x20x128xf32, #tpu.memory_space<hbm>>)
      } else {
      }
      %scan3A_165 = arith.constant 0 : i32
      %scan3A_166 = arith.constant 0 : i32
      %scan3A_167 = arith.constant 20 : i32
      %scan3A_168 = arith.addi %scan3A_166, %scan3A_167 : i32
      %scan3A_169 = arith.constant 1 : i32
      scf.for %scan3A_227 = %scan3A_166 to %scan3A_168 step %scan3A_169  : i32 {
        %get3A = arith.index_cast %scan3A_227 : i32 to index
        %get3A_228 = arith.constant 0 : index
        %get3A_229 = tpu.vector_load %arg13[%get3A, %get3A_228] {strides = array<i32>} : memref<20x128xf32, #tpu.memory_space<vmem>>, vector<1x16xf32>,
        %get3A_230 = vector.shape_cast %get3A_229 : vector<1x16xf32> to vector<16xf32>
        %get3A_231 = arith.constant 0 : i32
        %get3A_232 = arith.index_cast %get3A_231 : i32 to index
        %get3A_233 = arith.index_cast %scan3A_227 : i32 to index
        %get3A_234 = arith.constant 0 : index
        %get3A_235 = tpu.vector_load %arg7[%get3A_232, %get3A_233, %get3A_234] {strides = array<i32>} : memref<4x20x128xf32, #tpu.memory_space<vmem>>, vector<1x1x16xf32>,
        %get3A_236 = vector.shape_cast %get3A_235 : vector<1x1x16xf32> to vector<16xf32>
        %add3A_237 = arith.addf %get3A_236, %get3A_230 : vector<16xf32>
        %swap3A = arith.constant 0 : i32
        %swap3A_238 = arith.index_cast %swap3A : i32 to index
        %swap3A_239 = arith.index_cast %scan3A_227 : i32 to index
        %swap3A_240 = arith.constant 0 : index
        %swap3A_241 = tpu.vector_load %arg11[%swap3A_238, %swap3A_239, %swap3A_240] {strides = array<i32>} : memref<4x20x128xf32, #tpu.memory_space<vmem>>, vector<1x1x16xf32>,
        %swap3A_242 = vector.shape_cast %swap3A_241 : vector<1x1x16xf32> to vector<16xf32>
        %swap3A_243 = vector.shape_cast %add3A_237 : vector<16xf32> to vector<1x1x16xf32>
        tpu.vector_store %arg11[%swap3A_238, %swap3A_239, %swap3A_240], %swap3A_243 {strides = array<i32>} : memref<4x20x128xf32, #tpu.memory_space<vmem>>, vector<1x1x16xf32>,
        %get3A_244 = arith.constant 1 : i32
        %get3A_245 = arith.index_cast %get3A_244 : i32 to index
        %get3A_246 = arith.index_cast %scan3A_227 : i32 to index
        %get3A_247 = arith.constant 0 : index
        %get3A_248 = tpu.vector_load %arg7[%get3A_245, %get3A_246, %get3A_247] {strides = array<i32>} : memref<4x20x128xf32, #tpu.memory_space<vmem>>, vector<1x1x16xf32>,
        %get3A_249 = vector.shape_cast %get3A_248 : vector<1x1x16xf32> to vector<16xf32>
        %add3A_250 = arith.addf %get3A_249, %get3A_230 : vector<16xf32>
        %swap3A_251 = arith.constant 1 : i32
        %swap3A_252 = arith.index_cast %swap3A_251 : i32 to index
        %swap3A_253 = arith.index_cast %scan3A_227 : i32 to index
        %swap3A_254 = arith.constant 0 : index
        %swap3A_255 = tpu.vector_load %arg11[%swap3A_252, %swap3A_253, %swap3A_254] {strides = array<i32>} : memref<4x20x128xf32, #tpu.memory_space<vmem>>, vector<1x1x16xf32>,
        %swap3A_256 = vector.shape_cast %swap3A_255 : vector<1x1x16xf32> to vector<16xf32>
        %swap3A_257 = vector.shape_cast %add3A_250 : vector<16xf32> to vector<1x1x16xf32>
        tpu.vector_store %arg11[%swap3A_252, %swap3A_253, %swap3A_254], %swap3A_257 {strides = array<i32>} : memref<4x20x128xf32, #tpu.memory_space<vmem>>, vector<1x1x16xf32>,
        %get3A_258 = arith.constant 2 : i32
        %get3A_259 = arith.index_cast %get3A_258 : i32 to index
        %get3A_260 = arith.index_cast %scan3A_227 : i32 to index
        %get3A_261 = arith.constant 0 : index
        %get3A_262 = tpu.vector_load %arg7[%get3A_259, %get3A_260, %get3A_261] {strides = array<i32>} : memref<4x20x128xf32, #tpu.memory_space<vmem>>, vector<1x1x16xf32>,
        %get3A_263 = vector.shape_cast %get3A_262 : vector<1x1x16xf32> to vector<16xf32>
        %add3A_264 = arith.addf %get3A_263, %get3A_230 : vector<16xf32>
        %swap3A_265 = arith.constant 2 : i32
        %swap3A_266 = arith.index_cast %swap3A_265 : i32 to index
        %swap3A_267 = arith.index_cast %scan3A_227 : i32 to index
        %swap3A_268 = arith.constant 0 : index
        %swap3A_269 = tpu.vector_load %arg11[%swap3A_266, %swap3A_267, %swap3A_268] {strides = array<i32>} : memref<4x20x128xf32, #tpu.memory_space<vmem>>, vector<1x1x16xf32>,
        %swap3A_270 = vector.shape_cast %swap3A_269 : vector<1x1x16xf32> to vector<16xf32>
        %swap3A_271 = vector.shape_cast %add3A_264 : vector<16xf32> to vector<1x1x16xf32>
        tpu.vector_store %arg11[%swap3A_266, %swap3A_267, %swap3A_268], %swap3A_271 {strides = array<i32>} : memref<4x20x128xf32, #tpu.memory_space<vmem>>, vector<1x1x16xf32>,
        %get3A_272 = arith.constant 3 : i32
        %get3A_273 = arith.index_cast %get3A_272 : i32 to index
        %get3A_274 = arith.index_cast %scan3A_227 : i32 to index
        %get3A_275 = arith.constant 0 : index
        %get3A_276 = tpu.vector_load %arg7[%get3A_273, %get3A_274, %get3A_275] {strides = array<i32>} : memref<4x20x128xf32, #tpu.memory_space<vmem>>, vector<1x1x16xf32>,
        %get3A_277 = vector.shape_cast %get3A_276 : vector<1x1x16xf32> to vector<16xf32>
        %add3A_278 = arith.addf %get3A_277, %get3A_230 : vector<16xf32>
        %swap3A_279 = arith.constant 3 : i32
        %swap3A_280 = arith.index_cast %swap3A_279 : i32 to index
        %swap3A_281 = arith.index_cast %scan3A_227 : i32 to index
        %swap3A_282 = arith.constant 0 : index
        %swap3A_283 = tpu.vector_load %arg11[%swap3A_280, %swap3A_281, %swap3A_282] {strides = array<i32>} : memref<4x20x128xf32, #tpu.memory_space<vmem>>, vector<1x1x16xf32>,
        %swap3A_284 = vector.shape_cast %swap3A_283 : vector<1x1x16xf32> to vector<16xf32>
        %swap3A_285 = vector.shape_cast %add3A_278 : vector<16xf32> to vector<1x1x16xf32>
        tpu.vector_store %arg11[%swap3A_280, %swap3A_281, %swap3A_282], %swap3A_285 {strides = array<i32>} : memref<4x20x128xf32, #tpu.memory_space<vmem>>, vector<1x1x16xf32>,
        %get3A_286 = arith.index_cast %scan3A_227 : i32 to index
        %get3A_287 = arith.constant 16 : index
        %get3A_288 = tpu.vector_load %arg13[%get3A_286, %get3A_287] {strides = array<i32>} : memref<20x128xf32, #tpu.memory_space<vmem>>, vector<1x16xf32>,
        %get3A_289 = vector.shape_cast %get3A_288 : vector<1x16xf32> to vector<16xf32>
        %get3A_290 = arith.constant 0 : i32
        %get3A_291 = arith.index_cast %get3A_290 : i32 to index
        %get3A_292 = arith.index_cast %scan3A_227 : i32 to index
        %get3A_293 = arith.constant 16 : index
        %get3A_294 = tpu.vector_load %arg7[%get3A_291, %get3A_292, %get3A_293] {strides = array<i32>} : memref<4x20x128xf32, #tpu.memory_space<vmem>>, vector<1x1x16xf32>,
        %get3A_295 = vector.shape_cast %get3A_294 : vector<1x1x16xf32> to vector<16xf32>
        %add3A_296 = arith.addf %get3A_295, %get3A_289 : vector<16xf32>
        %swap3A_297 = arith.constant 0 : i32
        %swap3A_298 = arith.index_cast %swap3A_297 : i32 to index
        %swap3A_299 = arith.index_cast %scan3A_227 : i32 to index
        %swap3A_300 = arith.constant 16 : index
        %swap3A_301 = tpu.vector_load %arg11[%swap3A_298, %swap3A_299, %swap3A_300] {strides = array<i32>} : memref<4x20x128xf32, #tpu.memory_space<vmem>>, vector<1x1x16xf32>,
        %swap3A_302 = vector.shape_cast %swap3A_301 : vector<1x1x16xf32> to vector<16xf32>
        %swap3A_303 = vector.shape_cast %add3A_296 : vector<16xf32> to vector<1x1x16xf32>
        tpu.vector_store %arg11[%swap3A_298, %swap3A_299, %swap3A_300], %swap3A_303 {strides = array<i32>} : memref<4x20x128xf32, #tpu.memory_space<vmem>>, vector<1x1x16xf32>,
        %get3A_304 = arith.constant 1 : i32
        %get3A_305 = arith.index_cast %get3A_304 : i32 to index
        %get3A_306 = arith.index_cast %scan3A_227 : i32 to index
        %get3A_307 = arith.constant 16 : index
        %get3A_308 = tpu.vector_load %arg7[%get3A_305, %get3A_306, %get3A_307] {strides = array<i32>} : memref<4x20x128xf32, #tpu.memory_space<vmem>>, vector<1x1x16xf32>,
        %get3A_309 = vector.shape_cast %get3A_308 : vector<1x1x16xf32> to vector<16xf32>
        %add3A_310 = arith.addf %get3A_309, %get3A_289 : vector<16xf32>
        %swap3A_311 = arith.constant 1 : i32
        %swap3A_312 = arith.index_cast %swap3A_311 : i32 to index
        %swap3A_313 = arith.index_cast %scan3A_227 : i32 to index
        %swap3A_314 = arith.constant 16 : index
        %swap3A_315 = tpu.vector_load %arg11[%swap3A_312, %swap3A_313, %swap3A_314] {strides = array<i32>} : memref<4x20x128xf32, #tpu.memory_space<vmem>>, vector<1x1x16xf32>,
        %swap3A_316 = vector.shape_cast %swap3A_315 : vector<1x1x16xf32> to vector<16xf32>
        %swap3A_317 = vector.shape_cast %add3A_310 : vector<16xf32> to vector<1x1x16xf32>
        tpu.vector_store %arg11[%swap3A_312, %swap3A_313, %swap3A_314], %swap3A_317 {strides = array<i32>} : memref<4x20x128xf32, #tpu.memory_space<vmem>>, vector<1x1x16xf32>,
        %get3A_318 = arith.constant 2 : i32
        %get3A_319 = arith.index_cast %get3A_318 : i32 to index
        %get3A_320 = arith.index_cast %scan3A_227 : i32 to index
        %get3A_321 = arith.constant 16 : index
        %get3A_322 = tpu.vector_load %arg7[%get3A_319, %get3A_320, %get3A_321] {strides = array<i32>} : memref<4x20x128xf32, #tpu.memory_space<vmem>>, vector<1x1x16xf32>,
        %get3A_323 = vector.shape_cast %get3A_322 : vector<1x1x16xf32> to vector<16xf32>
        %add3A_324 = arith.addf %get3A_323, %get3A_289 : vector<16xf32>
        %swap3A_325 = arith.constant 2 : i32
        %swap3A_326 = arith.index_cast %swap3A_325 : i32 to index
        %swap3A_327 = arith.index_cast %scan3A_227 : i32 to index
        %swap3A_328 = arith.constant 16 : index
        %swap3A_329 = tpu.vector_load %arg11[%swap3A_326, %swap3A_327, %swap3A_328] {strides = array<i32>} : memref<4x20x128xf32, #tpu.memory_space<vmem>>, vector<1x1x16xf32>,
        %swap3A_330 = vector.shape_cast %swap3A_329 : vector<1x1x16xf32> to vector<16xf32>
        %swap3A_331 = vector.shape_cast %add3A_324 : vector<16xf32> to vector<1x1x16xf32>
        tpu.vector_store %arg11[%swap3A_326, %swap3A_327, %swap3A_328], %swap3A_331 {strides = array<i32>} : memref<4x20x128xf32, #tpu.memory_space<vmem>>, vector<1x1x16xf32>,
        %get3A_332 = arith.constant 3 : i32
        %get3A_333 = arith.index_cast %get3A_332 : i32 to index
        %get3A_334 = arith.index_cast %scan3A_227 : i32 to index
        %get3A_335 = arith.constant 16 : index
        %get3A_336 = tpu.vector_load %arg7[%get3A_333, %get3A_334, %get3A_335] {strides = array<i32>} : memref<4x20x128xf32, #tpu.memory_space<vmem>>, vector<1x1x16xf32>,
        %get3A_337 = vector.shape_cast %get3A_336 : vector<1x1x16xf32> to vector<16xf32>
        %add3A_338 = arith.addf %get3A_337, %get3A_289 : vector<16xf32>
        %swap3A_339 = arith.constant 3 : i32
        %swap3A_340 = arith.index_cast %swap3A_339 : i32 to index
        %swap3A_341 = arith.index_cast %scan3A_227 : i32 to index
        %swap3A_342 = arith.constant 16 : index
        %swap3A_343 = tpu.vector_load %arg11[%swap3A_340, %swap3A_341, %swap3A_342] {strides = array<i32>} : memref<4x20x128xf32, #tpu.memory_space<vmem>>, vector<1x1x16xf32>,
        %swap3A_344 = vector.shape_cast %swap3A_343 : vector<1x1x16xf32> to vector<16xf32>
        %swap3A_345 = vector.shape_cast %add3A_338 : vector<16xf32> to vector<1x1x16xf32>
        tpu.vector_store %arg11[%swap3A_340, %swap3A_341, %swap3A_342], %swap3A_345 {strides = array<i32>} : memref<4x20x128xf32, #tpu.memory_space<vmem>>, vector<1x1x16xf32>,
        %get3A_346 = arith.index_cast %scan3A_227 : i32 to index
        %get3A_347 = arith.constant 32 : index
        %get3A_348 = tpu.vector_load %arg13[%get3A_346, %get3A_347] {strides = array<i32>} : memref<20x128xf32, #tpu.memory_space<vmem>>, vector<1x16xf32>,
        %get3A_349 = vector.shape_cast %get3A_348 : vector<1x16xf32> to vector<16xf32>
        %get3A_350 = arith.constant 0 : i32
        %get3A_351 = arith.index_cast %get3A_350 : i32 to index
        %get3A_352 = arith.index_cast %scan3A_227 : i32 to index
        %get3A_353 = arith.constant 32 : index
        %get3A_354 = tpu.vector_load %arg7[%get3A_351, %get3A_352, %get3A_353] {strides = array<i32>} : memref<4x20x128xf32, #tpu.memory_space<vmem>>, vector<1x1x16xf32>,
        %get3A_355 = vector.shape_cast %get3A_354 : vector<1x1x16xf32> to vector<16xf32>
        %add3A_356 = arith.addf %get3A_355, %get3A_349 : vector<16xf32>
        %swap3A_357 = arith.constant 0 : i32
        %swap3A_358 = arith.index_cast %swap3A_357 : i32 to index
        %swap3A_359 = arith.index_cast %scan3A_227 : i32 to index
        %swap3A_360 = arith.constant 32 : index
        %swap3A_361 = tpu.vector_load %arg11[%swap3A_358, %swap3A_359, %swap3A_360] {strides = array<i32>} : memref<4x20x128xf32, #tpu.memory_space<vmem>>, vector<1x1x16xf32>,
        %swap3A_362 = vector.shape_cast %swap3A_361 : vector<1x1x16xf32> to vector<16xf32>
        %swap3A_363 = vector.shape_cast %add3A_356 : vector<16xf32> to vector<1x1x16xf32>
        tpu.vector_store %arg11[%swap3A_358, %swap3A_359, %swap3A_360], %swap3A_363 {strides = array<i32>} : memref<4x20x128xf32, #tpu.memory_space<vmem>>, vector<1x1x16xf32>,
        %get3A_364 = arith.constant 1 : i32
        %get3A_365 = arith.index_cast %get3A_364 : i32 to index
        %get3A_366 = arith.index_cast %scan3A_227 : i32 to index
        %get3A_367 = arith.constant 32 : index
        %get3A_368 = tpu.vector_load %arg7[%get3A_365, %get3A_366, %get3A_367] {strides = array<i32>} : memref<4x20x128xf32, #tpu.memory_space<vmem>>, vector<1x1x16xf32>,
        %get3A_369 = vector.shape_cast %get3A_368 : vector<1x1x16xf32> to vector<16xf32>
        %add3A_370 = arith.addf %get3A_369, %get3A_349 : vector<16xf32>
        %swap3A_371 = arith.constant 1 : i32
        %swap3A_372 = arith.index_cast %swap3A_371 : i32 to index
        %swap3A_373 = arith.index_cast %scan3A_227 : i32 to index
        %swap3A_374 = arith.constant 32 : index
        %swap3A_375 = tpu.vector_load %arg11[%swap3A_372, %swap3A_373, %swap3A_374] {strides = array<i32>} : memref<4x20x128xf32, #tpu.memory_space<vmem>>, vector<1x1x16xf32>,
        %swap3A_376 = vector.shape_cast %swap3A_375 : vector<1x1x16xf32> to vector<16xf32>
        %swap3A_377 = vector.shape_cast %add3A_370 : vector<16xf32> to vector<1x1x16xf32>
        tpu.vector_store %arg11[%swap3A_372, %swap3A_373, %swap3A_374], %swap3A_377 {strides = array<i32>} : memref<4x20x128xf32, #tpu.memory_space<vmem>>, vector<1x1x16xf32>,
        %get3A_378 = arith.constant 2 : i32
        %get3A_379 = arith.index_cast %get3A_378 : i32 to index
        %get3A_380 = arith.index_cast %scan3A_227 : i32 to index
        %get3A_381 = arith.constant 32 : index
        %get3A_382 = tpu.vector_load %arg7[%get3A_379, %get3A_380, %get3A_381] {strides = array<i32>} : memref<4x20x128xf32, #tpu.memory_space<vmem>>, vector<1x1x16xf32>,
        %get3A_383 = vector.shape_cast %get3A_382 : vector<1x1x16xf32> to vector<16xf32>
        %add3A_384 = arith.addf %get3A_383, %get3A_349 : vector<16xf32>
        %swap3A_385 = arith.constant 2 : i32
        %swap3A_386 = arith.index_cast %swap3A_385 : i32 to index
        %swap3A_387 = arith.index_cast %scan3A_227 : i32 to index
        %swap3A_388 = arith.constant 32 : index
        %swap3A_389 = tpu.vector_load %arg11[%swap3A_386, %swap3A_387, %swap3A_388] {strides = array<i32>} : memref<4x20x128xf32, #tpu.memory_space<vmem>>, vector<1x1x16xf32>,
        %swap3A_390 = vector.shape_cast %swap3A_389 : vector<1x1x16xf32> to vector<16xf32>
        %swap3A_391 = vector.shape_cast %add3A_384 : vector<16xf32> to vector<1x1x16xf32>
        tpu.vector_store %arg11[%swap3A_386, %swap3A_387, %swap3A_388], %swap3A_391 {strides = array<i32>} : memref<4x20x128xf32, #tpu.memory_space<vmem>>, vector<1x1x16xf32>,
        %get3A_392 = arith.constant 3 : i32
        %get3A_393 = arith.index_cast %get3A_392 : i32 to index
        %get3A_394 = arith.index_cast %scan3A_227 : i32 to index
        %get3A_395 = arith.constant 32 : index
        %get3A_396 = tpu.vector_load %arg7[%get3A_393, %get3A_394, %get3A_395] {strides = array<i32>} : memref<4x20x128xf32, #tpu.memory_space<vmem>>, vector<1x1x16xf32>,
        %get3A_397 = vector.shape_cast %get3A_396 : vector<1x1x16xf32> to vector<16xf32>
        %add3A_398 = arith.addf %get3A_397, %get3A_349 : vector<16xf32>
        %swap3A_399 = arith.constant 3 : i32
        %swap3A_400 = arith.index_cast %swap3A_399 : i32 to index
        %swap3A_401 = arith.index_cast %scan3A_227 : i32 to index
        %swap3A_402 = arith.constant 32 : index
        %swap3A_403 = tpu.vector_load %arg11[%swap3A_400, %swap3A_401, %swap3A_402] {strides = array<i32>} : memref<4x20x128xf32, #tpu.memory_space<vmem>>, vector<1x1x16xf32>,
        %swap3A_404 = vector.shape_cast %swap3A_403 : vector<1x1x16xf32> to vector<16xf32>
        %swap3A_405 = vector.shape_cast %add3A_398 : vector<16xf32> to vector<1x1x16xf32>
        tpu.vector_store %arg11[%swap3A_400, %swap3A_401, %swap3A_402], %swap3A_405 {strides = array<i32>} : memref<4x20x128xf32, #tpu.memory_space<vmem>>, vector<1x1x16xf32>,
        %get3A_406 = arith.index_cast %scan3A_227 : i32 to index
        %get3A_407 = arith.constant 48 : index
        %get3A_408 = tpu.vector_load %arg13[%get3A_406, %get3A_407] {strides = array<i32>} : memref<20x128xf32, #tpu.memory_space<vmem>>, vector<1x16xf32>,
        %get3A_409 = vector.shape_cast %get3A_408 : vector<1x16xf32> to vector<16xf32>
        %get3A_410 = arith.constant 0 : i32
        %get3A_411 = arith.index_cast %get3A_410 : i32 to index
        %get3A_412 = arith.index_cast %scan3A_227 : i32 to index
        %get3A_413 = arith.constant 48 : index
        %get3A_414 = tpu.vector_load %arg7[%get3A_411, %get3A_412, %get3A_413] {strides = array<i32>} : memref<4x20x128xf32, #tpu.memory_space<vmem>>, vector<1x1x16xf32>,
        %get3A_415 = vector.shape_cast %get3A_414 : vector<1x1x16xf32> to vector<16xf32>
        %add3A_416 = arith.addf %get3A_415, %get3A_409 : vector<16xf32>
        %swap3A_417 = arith.constant 0 : i32
        %swap3A_418 = arith.index_cast %swap3A_417 : i32 to index
        %swap3A_419 = arith.index_cast %scan3A_227 : i32 to index
        %swap3A_420 = arith.constant 48 : index
        %swap3A_421 = tpu.vector_load %arg11[%swap3A_418, %swap3A_419, %swap3A_420] {strides = array<i32>} : memref<4x20x128xf32, #tpu.memory_space<vmem>>, vector<1x1x16xf32>,
        %swap3A_422 = vector.shape_cast %swap3A_421 : vector<1x1x16xf32> to vector<16xf32>
        %swap3A_423 = vector.shape_cast %add3A_416 : vector<16xf32> to vector<1x1x16xf32>
        tpu.vector_store %arg11[%swap3A_418, %swap3A_419, %swap3A_420], %swap3A_423 {strides = array<i32>} : memref<4x20x128xf32, #tpu.memory_space<vmem>>, vector<1x1x16xf32>,
        %get3A_424 = arith.constant 1 : i32
        %get3A_425 = arith.index_cast %get3A_424 : i32 to index
        %get3A_426 = arith.index_cast %scan3A_227 : i32 to index
        %get3A_427 = arith.constant 48 : index
        %get3A_428 = tpu.vector_load %arg7[%get3A_425, %get3A_426, %get3A_427] {strides = array<i32>} : memref<4x20x128xf32, #tpu.memory_space<vmem>>, vector<1x1x16xf32>,
        %get3A_429 = vector.shape_cast %get3A_428 : vector<1x1x16xf32> to vector<16xf32>
        %add3A_430 = arith.addf %get3A_429, %get3A_409 : vector<16xf32>
        %swap3A_431 = arith.constant 1 : i32
        %swap3A_432 = arith.index_cast %swap3A_431 : i32 to index
        %swap3A_433 = arith.index_cast %scan3A_227 : i32 to index
        %swap3A_434 = arith.constant 48 : index
        %swap3A_435 = tpu.vector_load %arg11[%swap3A_432, %swap3A_433, %swap3A_434] {strides = array<i32>} : memref<4x20x128xf32, #tpu.memory_space<vmem>>, vector<1x1x16xf32>,
        %swap3A_436 = vector.shape_cast %swap3A_435 : vector<1x1x16xf32> to vector<16xf32>
        %swap3A_437 = vector.shape_cast %add3A_430 : vector<16xf32> to vector<1x1x16xf32>
        tpu.vector_store %arg11[%swap3A_432, %swap3A_433, %swap3A_434], %swap3A_437 {strides = array<i32>} : memref<4x20x128xf32, #tpu.memory_space<vmem>>, vector<1x1x16xf32>,
        %get3A_438 = arith.constant 2 : i32
        %get3A_439 = arith.index_cast %get3A_438 : i32 to index
        %get3A_440 = arith.index_cast %scan3A_227 : i32 to index
        %get3A_441 = arith.constant 48 : index
        %get3A_442 = tpu.vector_load %arg7[%get3A_439, %get3A_440, %get3A_441] {strides = array<i32>} : memref<4x20x128xf32, #tpu.memory_space<vmem>>, vector<1x1x16xf32>,
        %get3A_443 = vector.shape_cast %get3A_442 : vector<1x1x16xf32> to vector<16xf32>
        %add3A_444 = arith.addf %get3A_443, %get3A_409 : vector<16xf32>
        %swap3A_445 = arith.constant 2 : i32
        %swap3A_446 = arith.index_cast %swap3A_445 : i32 to index
        %swap3A_447 = arith.index_cast %scan3A_227 : i32 to index
        %swap3A_448 = arith.constant 48 : index
        %swap3A_449 = tpu.vector_load %arg11[%swap3A_446, %swap3A_447, %swap3A_448] {strides = array<i32>} : memref<4x20x128xf32, #tpu.memory_space<vmem>>, vector<1x1x16xf32>,
        %swap3A_450 = vector.shape_cast %swap3A_449 : vector<1x1x16xf32> to vector<16xf32>
        %swap3A_451 = vector.shape_cast %add3A_444 : vector<16xf32> to vector<1x1x16xf32>
        tpu.vector_store %arg11[%swap3A_446, %swap3A_447, %swap3A_448], %swap3A_451 {strides = array<i32>} : memref<4x20x128xf32, #tpu.memory_space<vmem>>, vector<1x1x16xf32>,
        %get3A_452 = arith.constant 3 : i32
        %get3A_453 = arith.index_cast %get3A_452 : i32 to index
        %get3A_454 = arith.index_cast %scan3A_227 : i32 to index
        %get3A_455 = arith.constant 48 : index
        %get3A_456 = tpu.vector_load %arg7[%get3A_453, %get3A_454, %get3A_455] {strides = array<i32>} : memref<4x20x128xf32, #tpu.memory_space<vmem>>, vector<1x1x16xf32>,
        %get3A_457 = vector.shape_cast %get3A_456 : vector<1x1x16xf32> to vector<16xf32>
        %add3A_458 = arith.addf %get3A_457, %get3A_409 : vector<16xf32>
        %swap3A_459 = arith.constant 3 : i32
        %swap3A_460 = arith.index_cast %swap3A_459 : i32 to index
        %swap3A_461 = arith.index_cast %scan3A_227 : i32 to index
        %swap3A_462 = arith.constant 48 : index
        %swap3A_463 = tpu.vector_load %arg11[%swap3A_460, %swap3A_461, %swap3A_462] {strides = array<i32>} : memref<4x20x128xf32, #tpu.memory_space<vmem>>, vector<1x1x16xf32>,
        %swap3A_464 = vector.shape_cast %swap3A_463 : vector<1x1x16xf32> to vector<16xf32>
        %swap3A_465 = vector.shape_cast %add3A_458 : vector<16xf32> to vector<1x1x16xf32>
        tpu.vector_store %arg11[%swap3A_460, %swap3A_461, %swap3A_462], %swap3A_465 {strides = array<i32>} : memref<4x20x128xf32, #tpu.memory_space<vmem>>, vector<1x1x16xf32>,
        %get3A_466 = arith.index_cast %scan3A_227 : i32 to index
        %get3A_467 = arith.constant 64 : index
        %get3A_468 = tpu.vector_load %arg13[%get3A_466, %get3A_467] {strides = array<i32>} : memref<20x128xf32, #tpu.memory_space<vmem>>, vector<1x16xf32>,
        %get3A_469 = vector.shape_cast %get3A_468 : vector<1x16xf32> to vector<16xf32>
        %get3A_470 = arith.constant 0 : i32
        %get3A_471 = arith.index_cast %get3A_470 : i32 to index
        %get3A_472 = arith.index_cast %scan3A_227 : i32 to index
        %get3A_473 = arith.constant 64 : index
        %get3A_474 = tpu.vector_load %arg7[%get3A_471, %get3A_472, %get3A_473] {strides = array<i32>} : memref<4x20x128xf32, #tpu.memory_space<vmem>>, vector<1x1x16xf32>,
        %get3A_475 = vector.shape_cast %get3A_474 : vector<1x1x16xf32> to vector<16xf32>
        %add3A_476 = arith.addf %get3A_475, %get3A_469 : vector<16xf32>
        %swap3A_477 = arith.constant 0 : i32
        %swap3A_478 = arith.index_cast %swap3A_477 : i32 to index
        %swap3A_479 = arith.index_cast %scan3A_227 : i32 to index
        %swap3A_480 = arith.constant 64 : index
        %swap3A_481 = tpu.vector_load %arg11[%swap3A_478, %swap3A_479, %swap3A_480] {strides = array<i32>} : memref<4x20x128xf32, #tpu.memory_space<vmem>>, vector<1x1x16xf32>,
        %swap3A_482 = vector.shape_cast %swap3A_481 : vector<1x1x16xf32> to vector<16xf32>
        %swap3A_483 = vector.shape_cast %add3A_476 : vector<16xf32> to vector<1x1x16xf32>
        tpu.vector_store %arg11[%swap3A_478, %swap3A_479, %swap3A_480], %swap3A_483 {strides = array<i32>} : memref<4x20x128xf32, #tpu.memory_space<vmem>>, vector<1x1x16xf32>,
        %get3A_484 = arith.constant 1 : i32
        %get3A_485 = arith.index_cast %get3A_484 : i32 to index
        %get3A_486 = arith.index_cast %scan3A_227 : i32 to index
        %get3A_487 = arith.constant 64 : index
        %get3A_488 = tpu.vector_load %arg7[%get3A_485, %get3A_486, %get3A_487] {strides = array<i32>} : memref<4x20x128xf32, #tpu.memory_space<vmem>>, vector<1x1x16xf32>,
        %get3A_489 = vector.shape_cast %get3A_488 : vector<1x1x16xf32> to vector<16xf32>
        %add3A_490 = arith.addf %get3A_489, %get3A_469 : vector<16xf32>
        %swap3A_491 = arith.constant 1 : i32
        %swap3A_492 = arith.index_cast %swap3A_491 : i32 to index
        %swap3A_493 = arith.index_cast %scan3A_227 : i32 to index
        %swap3A_494 = arith.constant 64 : index
        %swap3A_495 = tpu.vector_load %arg11[%swap3A_492, %swap3A_493, %swap3A_494] {strides = array<i32>} : memref<4x20x128xf32, #tpu.memory_space<vmem>>, vector<1x1x16xf32>,
        %swap3A_496 = vector.shape_cast %swap3A_495 : vector<1x1x16xf32> to vector<16xf32>
        %swap3A_497 = vector.shape_cast %add3A_490 : vector<16xf32> to vector<1x1x16xf32>
        tpu.vector_store %arg11[%swap3A_492, %swap3A_493, %swap3A_494], %swap3A_497 {strides = array<i32>} : memref<4x20x128xf32, #tpu.memory_space<vmem>>, vector<1x1x16xf32>,
        %get3A_498 = arith.constant 2 : i32
        %get3A_499 = arith.index_cast %get3A_498 : i32 to index
        %get3A_500 = arith.index_cast %scan3A_227 : i32 to index
        %get3A_501 = arith.constant 64 : index
        %get3A_502 = tpu.vector_load %arg7[%get3A_499, %get3A_500, %get3A_501] {strides = array<i32>} : memref<4x20x128xf32, #tpu.memory_space<vmem>>, vector<1x1x16xf32>,
        %get3A_503 = vector.shape_cast %get3A_502 : vector<1x1x16xf32> to vector<16xf32>
        %add3A_504 = arith.addf %get3A_503, %get3A_469 : vector<16xf32>
        %swap3A_505 = arith.constant 2 : i32
        %swap3A_506 = arith.index_cast %swap3A_505 : i32 to index
        %swap3A_507 = arith.index_cast %scan3A_227 : i32 to index
        %swap3A_508 = arith.constant 64 : index
        %swap3A_509 = tpu.vector_load %arg11[%swap3A_506, %swap3A_507, %swap3A_508] {strides = array<i32>} : memref<4x20x128xf32, #tpu.memory_space<vmem>>, vector<1x1x16xf32>,
        %swap3A_510 = vector.shape_cast %swap3A_509 : vector<1x1x16xf32> to vector<16xf32>
        %swap3A_511 = vector.shape_cast %add3A_504 : vector<16xf32> to vector<1x1x16xf32>
        tpu.vector_store %arg11[%swap3A_506, %swap3A_507, %swap3A_508], %swap3A_511 {strides = array<i32>} : memref<4x20x128xf32, #tpu.memory_space<vmem>>, vector<1x1x16xf32>,
        %get3A_512 = arith.constant 3 : i32
        %get3A_513 = arith.index_cast %get3A_512 : i32 to index
        %get3A_514 = arith.index_cast %scan3A_227 : i32 to index
        %get3A_515 = arith.constant 64 : index
        %get3A_516 = tpu.vector_load %arg7[%get3A_513, %get3A_514, %get3A_515] {strides = array<i32>} : memref<4x20x128xf32, #tpu.memory_space<vmem>>, vector<1x1x16xf32>,
        %get3A_517 = vector.shape_cast %get3A_516 : vector<1x1x16xf32> to vector<16xf32>
        %add3A_518 = arith.addf %get3A_517, %get3A_469 : vector<16xf32>
        %swap3A_519 = arith.constant 3 : i32
        %swap3A_520 = arith.index_cast %swap3A_519 : i32 to index
        %swap3A_521 = arith.index_cast %scan3A_227 : i32 to index
        %swap3A_522 = arith.constant 64 : index
        %swap3A_523 = tpu.vector_load %arg11[%swap3A_520, %swap3A_521, %swap3A_522] {strides = array<i32>} : memref<4x20x128xf32, #tpu.memory_space<vmem>>, vector<1x1x16xf32>,
        %swap3A_524 = vector.shape_cast %swap3A_523 : vector<1x1x16xf32> to vector<16xf32>
        %swap3A_525 = vector.shape_cast %add3A_518 : vector<16xf32> to vector<1x1x16xf32>
        tpu.vector_store %arg11[%swap3A_520, %swap3A_521, %swap3A_522], %swap3A_525 {strides = array<i32>} : memref<4x20x128xf32, #tpu.memory_space<vmem>>, vector<1x1x16xf32>,
        %get3A_526 = arith.index_cast %scan3A_227 : i32 to index
        %get3A_527 = arith.constant 80 : index
        %get3A_528 = tpu.vector_load %arg13[%get3A_526, %get3A_527] {strides = array<i32>} : memref<20x128xf32, #tpu.memory_space<vmem>>, vector<1x16xf32>,
        %get3A_529 = vector.shape_cast %get3A_528 : vector<1x16xf32> to vector<16xf32>
        %get3A_530 = arith.constant 0 : i32
        %get3A_531 = arith.index_cast %get3A_530 : i32 to index
        %get3A_532 = arith.index_cast %scan3A_227 : i32 to index
        %get3A_533 = arith.constant 80 : index
        %get3A_534 = tpu.vector_load %arg7[%get3A_531, %get3A_532, %get3A_533] {strides = array<i32>} : memref<4x20x128xf32, #tpu.memory_space<vmem>>, vector<1x1x16xf32>,
        %get3A_535 = vector.shape_cast %get3A_534 : vector<1x1x16xf32> to vector<16xf32>
        %add3A_536 = arith.addf %get3A_535, %get3A_529 : vector<16xf32>
        %swap3A_537 = arith.constant 0 : i32
        %swap3A_538 = arith.index_cast %swap3A_537 : i32 to index
        %swap3A_539 = arith.index_cast %scan3A_227 : i32 to index
        %swap3A_540 = arith.constant 80 : index
        %swap3A_541 = tpu.vector_load %arg11[%swap3A_538, %swap3A_539, %swap3A_540] {strides = array<i32>} : memref<4x20x128xf32, #tpu.memory_space<vmem>>, vector<1x1x16xf32>,
        %swap3A_542 = vector.shape_cast %swap3A_541 : vector<1x1x16xf32> to vector<16xf32>
        %swap3A_543 = vector.shape_cast %add3A_536 : vector<16xf32> to vector<1x1x16xf32>
        tpu.vector_store %arg11[%swap3A_538, %swap3A_539, %swap3A_540], %swap3A_543 {strides = array<i32>} : memref<4x20x128xf32, #tpu.memory_space<vmem>>, vector<1x1x16xf32>,
        %get3A_544 = arith.constant 1 : i32
        %get3A_545 = arith.index_cast %get3A_544 : i32 to index
        %get3A_546 = arith.index_cast %scan3A_227 : i32 to index
        %get3A_547 = arith.constant 80 : index
        %get3A_548 = tpu.vector_load %arg7[%get3A_545, %get3A_546, %get3A_547] {strides = array<i32>} : memref<4x20x128xf32, #tpu.memory_space<vmem>>, vector<1x1x16xf32>,
        %get3A_549 = vector.shape_cast %get3A_548 : vector<1x1x16xf32> to vector<16xf32>
        %add3A_550 = arith.addf %get3A_549, %get3A_529 : vector<16xf32>
        %swap3A_551 = arith.constant 1 : i32
        %swap3A_552 = arith.index_cast %swap3A_551 : i32 to index
        %swap3A_553 = arith.index_cast %scan3A_227 : i32 to index
        %swap3A_554 = arith.constant 80 : index
        %swap3A_555 = tpu.vector_load %arg11[%swap3A_552, %swap3A_553, %swap3A_554] {strides = array<i32>} : memref<4x20x128xf32, #tpu.memory_space<vmem>>, vector<1x1x16xf32>,
        %swap3A_556 = vector.shape_cast %swap3A_555 : vector<1x1x16xf32> to vector<16xf32>
        %swap3A_557 = vector.shape_cast %add3A_550 : vector<16xf32> to vector<1x1x16xf32>
        tpu.vector_store %arg11[%swap3A_552, %swap3A_553, %swap3A_554], %swap3A_557 {strides = array<i32>} : memref<4x20x128xf32, #tpu.memory_space<vmem>>, vector<1x1x16xf32>,
        %get3A_558 = arith.constant 2 : i32
        %get3A_559 = arith.index_cast %get3A_558 : i32 to index
        %get3A_560 = arith.index_cast %scan3A_227 : i32 to index
        %get3A_561 = arith.constant 80 : index
        %get3A_562 = tpu.vector_load %arg7[%get3A_559, %get3A_560, %get3A_561] {strides = array<i32>} : memref<4x20x128xf32, #tpu.memory_space<vmem>>, vector<1x1x16xf32>,
        %get3A_563 = vector.shape_cast %get3A_562 : vector<1x1x16xf32> to vector<16xf32>
        %add3A_564 = arith.addf %get3A_563, %get3A_529 : vector<16xf32>
        %swap3A_565 = arith.constant 2 : i32
        %swap3A_566 = arith.index_cast %swap3A_565 : i32 to index
        %swap3A_567 = arith.index_cast %scan3A_227 : i32 to index
        %swap3A_568 = arith.constant 80 : index
        %swap3A_569 = tpu.vector_load %arg11[%swap3A_566, %swap3A_567, %swap3A_568] {strides = array<i32>} : memref<4x20x128xf32, #tpu.memory_space<vmem>>, vector<1x1x16xf32>,
        %swap3A_570 = vector.shape_cast %swap3A_569 : vector<1x1x16xf32> to vector<16xf32>
        %swap3A_571 = vector.shape_cast %add3A_564 : vector<16xf32> to vector<1x1x16xf32>
        tpu.vector_store %arg11[%swap3A_566, %swap3A_567, %swap3A_568], %swap3A_571 {strides = array<i32>} : memref<4x20x128xf32, #tpu.memory_space<vmem>>, vector<1x1x16xf32>,
        %get3A_572 = arith.constant 3 : i32
        %get3A_573 = arith.index_cast %get3A_572 : i32 to index
        %get3A_574 = arith.index_cast %scan3A_227 : i32 to index
        %get3A_575 = arith.constant 80 : index
        %get3A_576 = tpu.vector_load %arg7[%get3A_573, %get3A_574, %get3A_575] {strides = array<i32>} : memref<4x20x128xf32, #tpu.memory_space<vmem>>, vector<1x1x16xf32>,
        %get3A_577 = vector.shape_cast %get3A_576 : vector<1x1x16xf32> to vector<16xf32>
        %add3A_578 = arith.addf %get3A_577, %get3A_529 : vector<16xf32>
        %swap3A_579 = arith.constant 3 : i32
        %swap3A_580 = arith.index_cast %swap3A_579 : i32 to index
        %swap3A_581 = arith.index_cast %scan3A_227 : i32 to index
        %swap3A_582 = arith.constant 80 : index
        %swap3A_583 = tpu.vector_load %arg11[%swap3A_580, %swap3A_581, %swap3A_582] {strides = array<i32>} : memref<4x20x128xf32, #tpu.memory_space<vmem>>, vector<1x1x16xf32>,
        %swap3A_584 = vector.shape_cast %swap3A_583 : vector<1x1x16xf32> to vector<16xf32>
        %swap3A_585 = vector.shape_cast %add3A_578 : vector<16xf32> to vector<1x1x16xf32>
        tpu.vector_store %arg11[%swap3A_580, %swap3A_581, %swap3A_582], %swap3A_585 {strides = array<i32>} : memref<4x20x128xf32, #tpu.memory_space<vmem>>, vector<1x1x16xf32>,
        %get3A_586 = arith.index_cast %scan3A_227 : i32 to index
        %get3A_587 = arith.constant 96 : index
        %get3A_588 = tpu.vector_load %arg13[%get3A_586, %get3A_587] {strides = array<i32>} : memref<20x128xf32, #tpu.memory_space<vmem>>, vector<1x16xf32>,
        %get3A_589 = vector.shape_cast %get3A_588 : vector<1x16xf32> to vector<16xf32>
        %get3A_590 = arith.constant 0 : i32
        %get3A_591 = arith.index_cast %get3A_590 : i32 to index
        %get3A_592 = arith.index_cast %scan3A_227 : i32 to index
        %get3A_593 = arith.constant 96 : index
        %get3A_594 = tpu.vector_load %arg7[%get3A_591, %get3A_592, %get3A_593] {strides = array<i32>} : memref<4x20x128xf32, #tpu.memory_space<vmem>>, vector<1x1x16xf32>,
        %get3A_595 = vector.shape_cast %get3A_594 : vector<1x1x16xf32> to vector<16xf32>
        %add3A_596 = arith.addf %get3A_595, %get3A_589 : vector<16xf32>
        %swap3A_597 = arith.constant 0 : i32
        %swap3A_598 = arith.index_cast %swap3A_597 : i32 to index
        %swap3A_599 = arith.index_cast %scan3A_227 : i32 to index
        %swap3A_600 = arith.constant 96 : index
        %swap3A_601 = tpu.vector_load %arg11[%swap3A_598, %swap3A_599, %swap3A_600] {strides = array<i32>} : memref<4x20x128xf32, #tpu.memory_space<vmem>>, vector<1x1x16xf32>,
        %swap3A_602 = vector.shape_cast %swap3A_601 : vector<1x1x16xf32> to vector<16xf32>
        %swap3A_603 = vector.shape_cast %add3A_596 : vector<16xf32> to vector<1x1x16xf32>
        tpu.vector_store %arg11[%swap3A_598, %swap3A_599, %swap3A_600], %swap3A_603 {strides = array<i32>} : memref<4x20x128xf32, #tpu.memory_space<vmem>>, vector<1x1x16xf32>,
        %get3A_604 = arith.constant 1 : i32
        %get3A_605 = arith.index_cast %get3A_604 : i32 to index
        %get3A_606 = arith.index_cast %scan3A_227 : i32 to index
        %get3A_607 = arith.constant 96 : index
        %get3A_608 = tpu.vector_load %arg7[%get3A_605, %get3A_606, %get3A_607] {strides = array<i32>} : memref<4x20x128xf32, #tpu.memory_space<vmem>>, vector<1x1x16xf32>,
        %get3A_609 = vector.shape_cast %get3A_608 : vector<1x1x16xf32> to vector<16xf32>
        %add3A_610 = arith.addf %get3A_609, %get3A_589 : vector<16xf32>
        %swap3A_611 = arith.constant 1 : i32
        %swap3A_612 = arith.index_cast %swap3A_611 : i32 to index
        %swap3A_613 = arith.index_cast %scan3A_227 : i32 to index
        %swap3A_614 = arith.constant 96 : index
        %swap3A_615 = tpu.vector_load %arg11[%swap3A_612, %swap3A_613, %swap3A_614] {strides = array<i32>} : memref<4x20x128xf32, #tpu.memory_space<vmem>>, vector<1x1x16xf32>,
        %swap3A_616 = vector.shape_cast %swap3A_615 : vector<1x1x16xf32> to vector<16xf32>
        %swap3A_617 = vector.shape_cast %add3A_610 : vector<16xf32> to vector<1x1x16xf32>
        tpu.vector_store %arg11[%swap3A_612, %swap3A_613, %swap3A_614], %swap3A_617 {strides = array<i32>} : memref<4x20x128xf32, #tpu.memory_space<vmem>>, vector<1x1x16xf32>,
        %get3A_618 = arith.constant 2 : i32
        %get3A_619 = arith.index_cast %get3A_618 : i32 to index
        %get3A_620 = arith.index_cast %scan3A_227 : i32 to index
        %get3A_621 = arith.constant 96 : index
        %get3A_622 = tpu.vector_load %arg7[%get3A_619, %get3A_620, %get3A_621] {strides = array<i32>} : memref<4x20x128xf32, #tpu.memory_space<vmem>>, vector<1x1x16xf32>,
        %get3A_623 = vector.shape_cast %get3A_622 : vector<1x1x16xf32> to vector<16xf32>
        %add3A_624 = arith.addf %get3A_623, %get3A_589 : vector<16xf32>
        %swap3A_625 = arith.constant 2 : i32
        %swap3A_626 = arith.index_cast %swap3A_625 : i32 to index
        %swap3A_627 = arith.index_cast %scan3A_227 : i32 to index
        %swap3A_628 = arith.constant 96 : index
        %swap3A_629 = tpu.vector_load %arg11[%swap3A_626, %swap3A_627, %swap3A_628] {strides = array<i32>} : memref<4x20x128xf32, #tpu.memory_space<vmem>>, vector<1x1x16xf32>,
        %swap3A_630 = vector.shape_cast %swap3A_629 : vector<1x1x16xf32> to vector<16xf32>
        %swap3A_631 = vector.shape_cast %add3A_624 : vector<16xf32> to vector<1x1x16xf32>
        tpu.vector_store %arg11[%swap3A_626, %swap3A_627, %swap3A_628], %swap3A_631 {strides = array<i32>} : memref<4x20x128xf32, #tpu.memory_space<vmem>>, vector<1x1x16xf32>,
        %get3A_632 = arith.constant 3 : i32
        %get3A_633 = arith.index_cast %get3A_632 : i32 to index
        %get3A_634 = arith.index_cast %scan3A_227 : i32 to index
        %get3A_635 = arith.constant 96 : index
        %get3A_636 = tpu.vector_load %arg7[%get3A_633, %get3A_634, %get3A_635] {strides = array<i32>} : memref<4x20x128xf32, #tpu.memory_space<vmem>>, vector<1x1x16xf32>,
        %get3A_637 = vector.shape_cast %get3A_636 : vector<1x1x16xf32> to vector<16xf32>
        %add3A_638 = arith.addf %get3A_637, %get3A_589 : vector<16xf32>
        %swap3A_639 = arith.constant 3 : i32
        %swap3A_640 = arith.index_cast %swap3A_639 : i32 to index
        %swap3A_641 = arith.index_cast %scan3A_227 : i32 to index
        %swap3A_642 = arith.constant 96 : index
        %swap3A_643 = tpu.vector_load %arg11[%swap3A_640, %swap3A_641, %swap3A_642] {strides = array<i32>} : memref<4x20x128xf32, #tpu.memory_space<vmem>>, vector<1x1x16xf32>,
        %swap3A_644 = vector.shape_cast %swap3A_643 : vector<1x1x16xf32> to vector<16xf32>
        %swap3A_645 = vector.shape_cast %add3A_638 : vector<16xf32> to vector<1x1x16xf32>
        tpu.vector_store %arg11[%swap3A_640, %swap3A_641, %swap3A_642], %swap3A_645 {strides = array<i32>} : memref<4x20x128xf32, #tpu.memory_space<vmem>>, vector<1x1x16xf32>,
        %get3A_646 = arith.index_cast %scan3A_227 : i32 to index
        %get3A_647 = arith.constant 112 : index
        %get3A_648 = tpu.vector_load %arg13[%get3A_646, %get3A_647] {strides = array<i32>} : memref<20x128xf32, #tpu.memory_space<vmem>>, vector<1x16xf32>,
        %get3A_649 = vector.shape_cast %get3A_648 : vector<1x16xf32> to vector<16xf32>
        %get3A_650 = arith.constant 0 : i32
        %get3A_651 = arith.index_cast %get3A_650 : i32 to index
        %get3A_652 = arith.index_cast %scan3A_227 : i32 to index
        %get3A_653 = arith.constant 112 : index
        %get3A_654 = tpu.vector_load %arg7[%get3A_651, %get3A_652, %get3A_653] {strides = array<i32>} : memref<4x20x128xf32, #tpu.memory_space<vmem>>, vector<1x1x16xf32>,
        %get3A_655 = vector.shape_cast %get3A_654 : vector<1x1x16xf32> to vector<16xf32>
        %add3A_656 = arith.addf %get3A_655, %get3A_649 : vector<16xf32>
        %swap3A_657 = arith.constant 0 : i32
        %swap3A_658 = arith.index_cast %swap3A_657 : i32 to index
        %swap3A_659 = arith.index_cast %scan3A_227 : i32 to index
        %swap3A_660 = arith.constant 112 : index
        %swap3A_661 = tpu.vector_load %arg11[%swap3A_658, %swap3A_659, %swap3A_660] {strides = array<i32>} : memref<4x20x128xf32, #tpu.memory_space<vmem>>, vector<1x1x16xf32>,
        %swap3A_662 = vector.shape_cast %swap3A_661 : vector<1x1x16xf32> to vector<16xf32>
        %swap3A_663 = vector.shape_cast %add3A_656 : vector<16xf32> to vector<1x1x16xf32>
        tpu.vector_store %arg11[%swap3A_658, %swap3A_659, %swap3A_660], %swap3A_663 {strides = array<i32>} : memref<4x20x128xf32, #tpu.memory_space<vmem>>, vector<1x1x16xf32>,
        %get3A_664 = arith.constant 1 : i32
        %get3A_665 = arith.index_cast %get3A_664 : i32 to index
        %get3A_666 = arith.index_cast %scan3A_227 : i32 to index
        %get3A_667 = arith.constant 112 : index
        %get3A_668 = tpu.vector_load %arg7[%get3A_665, %get3A_666, %get3A_667] {strides = array<i32>} : memref<4x20x128xf32, #tpu.memory_space<vmem>>, vector<1x1x16xf32>,
        %get3A_669 = vector.shape_cast %get3A_668 : vector<1x1x16xf32> to vector<16xf32>
        %add3A_670 = arith.addf %get3A_669, %get3A_649 : vector<16xf32>
        %swap3A_671 = arith.constant 1 : i32
        %swap3A_672 = arith.index_cast %swap3A_671 : i32 to index
        %swap3A_673 = arith.index_cast %scan3A_227 : i32 to index
        %swap3A_674 = arith.constant 112 : index
        %swap3A_675 = tpu.vector_load %arg11[%swap3A_672, %swap3A_673, %swap3A_674] {strides = array<i32>} : memref<4x20x128xf32, #tpu.memory_space<vmem>>, vector<1x1x16xf32>,
        %swap3A_676 = vector.shape_cast %swap3A_675 : vector<1x1x16xf32> to vector<16xf32>
        %swap3A_677 = vector.shape_cast %add3A_670 : vector<16xf32> to vector<1x1x16xf32>
        tpu.vector_store %arg11[%swap3A_672, %swap3A_673, %swap3A_674], %swap3A_677 {strides = array<i32>} : memref<4x20x128xf32, #tpu.memory_space<vmem>>, vector<1x1x16xf32>,
        %get3A_678 = arith.constant 2 : i32
        %get3A_679 = arith.index_cast %get3A_678 : i32 to index
        %get3A_680 = arith.index_cast %scan3A_227 : i32 to index
        %get3A_681 = arith.constant 112 : index
        %get3A_682 = tpu.vector_load %arg7[%get3A_679, %get3A_680, %get3A_681] {strides = array<i32>} : memref<4x20x128xf32, #tpu.memory_space<vmem>>, vector<1x1x16xf32>,
        %get3A_683 = vector.shape_cast %get3A_682 : vector<1x1x16xf32> to vector<16xf32>
        %add3A_684 = arith.addf %get3A_683, %get3A_649 : vector<16xf32>
        %swap3A_685 = arith.constant 2 : i32
        %swap3A_686 = arith.index_cast %swap3A_685 : i32 to index
        %swap3A_687 = arith.index_cast %scan3A_227 : i32 to index
        %swap3A_688 = arith.constant 112 : index
        %swap3A_689 = tpu.vector_load %arg11[%swap3A_686, %swap3A_687, %swap3A_688] {strides = array<i32>} : memref<4x20x128xf32, #tpu.memory_space<vmem>>, vector<1x1x16xf32>,
        %swap3A_690 = vector.shape_cast %swap3A_689 : vector<1x1x16xf32> to vector<16xf32>
        %swap3A_691 = vector.shape_cast %add3A_684 : vector<16xf32> to vector<1x1x16xf32>
        tpu.vector_store %arg11[%swap3A_686, %swap3A_687, %swap3A_688], %swap3A_691 {strides = array<i32>} : memref<4x20x128xf32, #tpu.memory_space<vmem>>, vector<1x1x16xf32>,
        %get3A_692 = arith.constant 3 : i32
        %get3A_693 = arith.index_cast %get3A_692 : i32 to index
        %get3A_694 = arith.index_cast %scan3A_227 : i32 to index
        %get3A_695 = arith.constant 112 : index
        %get3A_696 = tpu.vector_load %arg7[%get3A_693, %get3A_694, %get3A_695] {strides = array<i32>} : memref<4x20x128xf32, #tpu.memory_space<vmem>>, vector<1x1x16xf32>,
        %get3A_697 = vector.shape_cast %get3A_696 : vector<1x1x16xf32> to vector<16xf32>
        %add3A_698 = arith.addf %get3A_697, %get3A_649 : vector<16xf32>
        %swap3A_699 = arith.constant 3 : i32
        %swap3A_700 = arith.index_cast %swap3A_699 : i32 to index
        %swap3A_701 = arith.index_cast %scan3A_227 : i32 to index
        %swap3A_702 = arith.constant 112 : index
        %swap3A_703 = tpu.vector_load %arg11[%swap3A_700, %swap3A_701, %swap3A_702] {strides = array<i32>} : memref<4x20x128xf32, #tpu.memory_space<vmem>>, vector<1x1x16xf32>,
        %swap3A_704 = vector.shape_cast %swap3A_703 : vector<1x1x16xf32> to vector<16xf32>
        %swap3A_705 = vector.shape_cast %add3A_698 : vector<16xf32> to vector<1x1x16xf32>
        tpu.vector_store %arg11[%swap3A_700, %swap3A_701, %swap3A_702], %swap3A_705 {strides = array<i32>} : memref<4x20x128xf32, #tpu.memory_space<vmem>>, vector<1x1x16xf32>,
      }
      %scan3A_170 = arith.constant 20 : i32
      %mul3A_171 = arith.constant 4 : i32
      %mul3A_172 = arith.muli %add3A_150, %mul3A_171 : i32
      %add3A_173 = arith.addi %mul3A_2, %mul3A_172 : i32
      %dma_start3A_174 = arith.constant 0 : i32
      %dma_start3A_175 = arith.constant 0 : i32
      %dma_start3A_176 = tpu.memref_slice %arg4[%add3A_173, %dma_start3A_174, %dma_start3A_175] : memref<16384x20x128xf32, #tpu.memory_space<hbm>> -> memref<4x20x128xf32, #tpu.memory_space<hbm>>
      %dma_start3A_177 = arith.constant 0 : i32
      %dma_start3A_178 = arith.constant 0 : i32
      %dma_start3A_179 = tpu.memref_slice %arg4[%add3A_173, %dma_start3A_177, %dma_start3A_178] : memref<16384x20x128xf32, #tpu.memory_space<hbm>> -> memref<4x20x128xf32, #tpu.memory_space<hbm>>
      tpu.enqueue_dma source(%arg11 : memref<4x20x128xf32, #tpu.memory_space<vmem>>) target(%dma_start3A_179 : memref<4x20x128xf32, #tpu.memory_space<hbm>>) target_semaphore(%arg20 : memref<!tpu.dma_semaphore, #tpu.memory_space<semaphore_mem>>)
      %add3A_180 = arith.constant 4 : i32
      %add3A_181 = arith.addi %add3A_150, %add3A_180 : i32
      %lt3A_182 = arith.constant 128 : i32
      %lt3A_183 = arith.cmpi slt, %add3A_181, %lt3A_182 : i32
      %convert_element_type3A_184 = arith.extui %lt3A_183 : i1 to i32
      %cond3A_185 = arith.constant 0 : i32
      %cond3A_186 = arith.cmpi ne, %convert_element_type3A_184, %cond3A_185 : i32
      scf.if %cond3A_186 {
        %add3A_227 = arith.constant 4 : i32
        %add3A_228 = arith.addi %add3A_150, %add3A_227 : i32
        %mul3A_229 = arith.constant 4 : i32
        %mul3A_230 = arith.muli %add3A_228, %mul3A_229 : i32
        %add3A_231 = arith.addi %mul3A_2, %mul3A_230 : i32
        %dma_start3A_232 = arith.constant 0 : i32
        %dma_start3A_233 = arith.constant 0 : i32
        %dma_start3A_234 = tpu.memref_slice %arg2[%add3A_231, %dma_start3A_232, %dma_start3A_233] : memref<16384x20x128xf32, #tpu.memory_space<hbm>> -> memref<4x20x128xf32, #tpu.memory_space<hbm>>
        %dma_start3A_235 = arith.constant 0 : i32
        %dma_start3A_236 = arith.constant 0 : i32
        %dma_start3A_237 = tpu.memref_slice %arg2[%add3A_231, %dma_start3A_235, %dma_start3A_236] : memref<16384x20x128xf32, #tpu.memory_space<hbm>> -> memref<4x20x128xf32, #tpu.memory_space<hbm>>
        tpu.enqueue_dma source(%dma_start3A_237 : memref<4x20x128xf32, #tpu.memory_space<hbm>>) target(%arg7 : memref<4x20x128xf32, #tpu.memory_space<vmem>>) target_semaphore(%arg16 : memref<!tpu.dma_semaphore, #tpu.memory_space<semaphore_mem>>)
      } else {
      }
      %mul3A_187 = arith.constant 4 : i32
      %mul3A_188 = arith.muli %scan3A_70, %mul3A_187 : i32
      %add3A_189 = arith.constant 3 : i32
      %add3A_190 = arith.addi %mul3A_188, %add3A_189 : i32
      %mul3A_191 = arith.constant 4 : i32
      %mul3A_192 = arith.muli %add3A_190, %mul3A_191 : i32
      %add3A_193 = arith.addi %mul3A_2, %mul3A_192 : i32
      %dma_wait3A_194 = arith.constant 0 : i32
      %dma_wait3A_195 = arith.constant 0 : i32
      %dma_wait3A_196 = tpu.memref_slice %arg2[%add3A_193, %dma_wait3A_194, %dma_wait3A_195] : memref<16384x20x128xf32, #tpu.memory_space<hbm>> -> memref<4x20x128xf32, #tpu.memory_space<hbm>>
      %dma_wait3A_197 = arith.constant 0 : i32
      %dma_wait3A_198 = arith.constant 0 : i32
      %dma_wait3A_199 = tpu.memref_slice %arg2[%add3A_193, %dma_wait3A_197, %dma_wait3A_198] : memref<16384x20x128xf32, #tpu.memory_space<hbm>> -> memref<4x20x128xf32, #tpu.memory_space<hbm>>
      tpu.wait_dma2 semaphore(%arg17 : memref<!tpu.dma_semaphore, #tpu.memory_space<semaphore_mem>>) src(%dma_wait3A_199 : memref<4x20x128xf32, #tpu.memory_space<hbm>>) dst(%arg8 : memref<4x20x128xf32, #tpu.memory_space<vmem>>)
      %ge3A_200 = arith.constant 4 : i32
      %ge3A_201 = arith.cmpi sge, %add3A_190, %ge3A_200 : i32
      %convert_element_type3A_202 = arith.extui %ge3A_201 : i1 to i32
      %cond3A_203 = arith.constant 0 : i32
      %cond3A_204 = arith.cmpi ne, %convert_element_type3A_202, %cond3A_203 : i32
      scf.if %cond3A_204 {
        %sub3A = arith.constant 4 : i32
        %sub3A_227 = arith.subi %add3A_190, %sub3A : i32
        %mul3A_228 = arith.constant 4 : i32
        %mul3A_229 = arith.muli %sub3A_227, %mul3A_228 : i32
        %add3A_230 = arith.addi %mul3A_2, %mul3A_229 : i32
        %dma_wait3A_231 = arith.constant 0 : i32
        %dma_wait3A_232 = arith.constant 0 : i32
        %dma_wait3A_233 = tpu.memref_slice %arg4[%add3A_230, %dma_wait3A_231, %dma_wait3A_232] : memref<16384x20x128xf32, #tpu.memory_space<hbm>> -> memref<4x20x128xf32, #tpu.memory_space<hbm>>
        %dma_wait3A_234 = arith.constant 0 : i32
        %dma_wait3A_235 = arith.constant 0 : i32
        %dma_wait3A_236 = tpu.memref_slice %arg4[%add3A_230, %dma_wait3A_234, %dma_wait3A_235] : memref<16384x20x128xf32, #tpu.memory_space<hbm>> -> memref<4x20x128xf32, #tpu.memory_space<hbm>>
        tpu.wait_dma2 semaphore(%arg21 : memref<!tpu.dma_semaphore, #tpu.memory_space<semaphore_mem>>) src(%arg12 : memref<4x20x128xf32, #tpu.memory_space<vmem>>) dst(%dma_wait3A_236 : memref<4x20x128xf32, #tpu.memory_space<hbm>>)
      } else {
      }
      %scan3A_205 = arith.constant 0 : i32
      %scan3A_206 = arith.constant 0 : i32
      %scan3A_207 = arith.constant 20 : i32
      %scan3A_208 = arith.addi %scan3A_206, %scan3A_207 : i32
      %scan3A_209 = arith.constant 1 : i32
      scf.for %scan3A_227 = %scan3A_206 to %scan3A_208 step %scan3A_209  : i32 {
        %get3A = arith.index_cast %scan3A_227 : i32 to index
        %get3A_228 = arith.constant 0 : index
        %get3A_229 = tpu.vector_load %arg13[%get3A, %get3A_228] {strides = array<i32>} : memref<20x128xf32, #tpu.memory_space<vmem>>, vector<1x16xf32>,
        %get3A_230 = vector.shape_cast %get3A_229 : vector<1x16xf32> to vector<16xf32>
        %get3A_231 = arith.constant 0 : i32
        %get3A_232 = arith.index_cast %get3A_231 : i32 to index
        %get3A_233 = arith.index_cast %scan3A_227 : i32 to index
        %get3A_234 = arith.constant 0 : index
        %get3A_235 = tpu.vector_load %arg8[%get3A_232, %get3A_233, %get3A_234] {strides = array<i32>} : memref<4x20x128xf32, #tpu.memory_space<vmem>>, vector<1x1x16xf32>,
        %get3A_236 = vector.shape_cast %get3A_235 : vector<1x1x16xf32> to vector<16xf32>
        %add3A_237 = arith.addf %get3A_236, %get3A_230 : vector<16xf32>
        %swap3A = arith.constant 0 : i32
        %swap3A_238 = arith.index_cast %swap3A : i32 to index
        %swap3A_239 = arith.index_cast %scan3A_227 : i32 to index
        %swap3A_240 = arith.constant 0 : index
        %swap3A_241 = tpu.vector_load %arg12[%swap3A_238, %swap3A_239, %swap3A_240] {strides = array<i32>} : memref<4x20x128xf32, #tpu.memory_space<vmem>>, vector<1x1x16xf32>,
        %swap3A_242 = vector.shape_cast %swap3A_241 : vector<1x1x16xf32> to vector<16xf32>
        %swap3A_243 = vector.shape_cast %add3A_237 : vector<16xf32> to vector<1x1x16xf32>
        tpu.vector_store %arg12[%swap3A_238, %swap3A_239, %swap3A_240], %swap3A_243 {strides = array<i32>} : memref<4x20x128xf32, #tpu.memory_space<vmem>>, vector<1x1x16xf32>,
        %get3A_244 = arith.constant 1 : i32
        %get3A_245 = arith.index_cast %get3A_244 : i32 to index
        %get3A_246 = arith.index_cast %scan3A_227 : i32 to index
        %get3A_247 = arith.constant 0 : index
        %get3A_248 = tpu.vector_load %arg8[%get3A_245, %get3A_246, %get3A_247] {strides = array<i32>} : memref<4x20x128xf32, #tpu.memory_space<vmem>>, vector<1x1x16xf32>,
        %get3A_249 = vector.shape_cast %get3A_248 : vector<1x1x16xf32> to vector<16xf32>
        %add3A_250 = arith.addf %get3A_249, %get3A_230 : vector<16xf32>
        %swap3A_251 = arith.constant 1 : i32
        %swap3A_252 = arith.index_cast %swap3A_251 : i32 to index
        %swap3A_253 = arith.index_cast %scan3A_227 : i32 to index
        %swap3A_254 = arith.constant 0 : index
        %swap3A_255 = tpu.vector_load %arg12[%swap3A_252, %swap3A_253, %swap3A_254] {strides = array<i32>} : memref<4x20x128xf32, #tpu.memory_space<vmem>>, vector<1x1x16xf32>,
        %swap3A_256 = vector.shape_cast %swap3A_255 : vector<1x1x16xf32> to vector<16xf32>
        %swap3A_257 = vector.shape_cast %add3A_250 : vector<16xf32> to vector<1x1x16xf32>
        tpu.vector_store %arg12[%swap3A_252, %swap3A_253, %swap3A_254], %swap3A_257 {strides = array<i32>} : memref<4x20x128xf32, #tpu.memory_space<vmem>>, vector<1x1x16xf32>,
        %get3A_258 = arith.constant 2 : i32
        %get3A_259 = arith.index_cast %get3A_258 : i32 to index
        %get3A_260 = arith.index_cast %scan3A_227 : i32 to index
        %get3A_261 = arith.constant 0 : index
        %get3A_262 = tpu.vector_load %arg8[%get3A_259, %get3A_260, %get3A_261] {strides = array<i32>} : memref<4x20x128xf32, #tpu.memory_space<vmem>>, vector<1x1x16xf32>,
        %get3A_263 = vector.shape_cast %get3A_262 : vector<1x1x16xf32> to vector<16xf32>
        %add3A_264 = arith.addf %get3A_263, %get3A_230 : vector<16xf32>
        %swap3A_265 = arith.constant 2 : i32
        %swap3A_266 = arith.index_cast %swap3A_265 : i32 to index
        %swap3A_267 = arith.index_cast %scan3A_227 : i32 to index
        %swap3A_268 = arith.constant 0 : index
        %swap3A_269 = tpu.vector_load %arg12[%swap3A_266, %swap3A_267, %swap3A_268] {strides = array<i32>} : memref<4x20x128xf32, #tpu.memory_space<vmem>>, vector<1x1x16xf32>,
        %swap3A_270 = vector.shape_cast %swap3A_269 : vector<1x1x16xf32> to vector<16xf32>
        %swap3A_271 = vector.shape_cast %add3A_264 : vector<16xf32> to vector<1x1x16xf32>
        tpu.vector_store %arg12[%swap3A_266, %swap3A_267, %swap3A_268], %swap3A_271 {strides = array<i32>} : memref<4x20x128xf32, #tpu.memory_space<vmem>>, vector<1x1x16xf32>,
        %get3A_272 = arith.constant 3 : i32
        %get3A_273 = arith.index_cast %get3A_272 : i32 to index
        %get3A_274 = arith.index_cast %scan3A_227 : i32 to index
        %get3A_275 = arith.constant 0 : index
        %get3A_276 = tpu.vector_load %arg8[%get3A_273, %get3A_274, %get3A_275] {strides = array<i32>} : memref<4x20x128xf32, #tpu.memory_space<vmem>>, vector<1x1x16xf32>,
        %get3A_277 = vector.shape_cast %get3A_276 : vector<1x1x16xf32> to vector<16xf32>
        %add3A_278 = arith.addf %get3A_277, %get3A_230 : vector<16xf32>
        %swap3A_279 = arith.constant 3 : i32
        %swap3A_280 = arith.index_cast %swap3A_279 : i32 to index
        %swap3A_281 = arith.index_cast %scan3A_227 : i32 to index
        %swap3A_282 = arith.constant 0 : index
        %swap3A_283 = tpu.vector_load %arg12[%swap3A_280, %swap3A_281, %swap3A_282] {strides = array<i32>} : memref<4x20x128xf32, #tpu.memory_space<vmem>>, vector<1x1x16xf32>,
        %swap3A_284 = vector.shape_cast %swap3A_283 : vector<1x1x16xf32> to vector<16xf32>
        %swap3A_285 = vector.shape_cast %add3A_278 : vector<16xf32> to vector<1x1x16xf32>
        tpu.vector_store %arg12[%swap3A_280, %swap3A_281, %swap3A_282], %swap3A_285 {strides = array<i32>} : memref<4x20x128xf32, #tpu.memory_space<vmem>>, vector<1x1x16xf32>,
        %get3A_286 = arith.index_cast %scan3A_227 : i32 to index
        %get3A_287 = arith.constant 16 : index
        %get3A_288 = tpu.vector_load %arg13[%get3A_286, %get3A_287] {strides = array<i32>} : memref<20x128xf32, #tpu.memory_space<vmem>>, vector<1x16xf32>,
        %get3A_289 = vector.shape_cast %get3A_288 : vector<1x16xf32> to vector<16xf32>
        %get3A_290 = arith.constant 0 : i32
        %get3A_291 = arith.index_cast %get3A_290 : i32 to index
        %get3A_292 = arith.index_cast %scan3A_227 : i32 to index
        %get3A_293 = arith.constant 16 : index
        %get3A_294 = tpu.vector_load %arg8[%get3A_291, %get3A_292, %get3A_293] {strides = array<i32>} : memref<4x20x128xf32, #tpu.memory_space<vmem>>, vector<1x1x16xf32>,
        %get3A_295 = vector.shape_cast %get3A_294 : vector<1x1x16xf32> to vector<16xf32>
        %add3A_296 = arith.addf %get3A_295, %get3A_289 : vector<16xf32>
        %swap3A_297 = arith.constant 0 : i32
        %swap3A_298 = arith.index_cast %swap3A_297 : i32 to index
        %swap3A_299 = arith.index_cast %scan3A_227 : i32 to index
        %swap3A_300 = arith.constant 16 : index
        %swap3A_301 = tpu.vector_load %arg12[%swap3A_298, %swap3A_299, %swap3A_300] {strides = array<i32>} : memref<4x20x128xf32, #tpu.memory_space<vmem>>, vector<1x1x16xf32>,
        %swap3A_302 = vector.shape_cast %swap3A_301 : vector<1x1x16xf32> to vector<16xf32>
        %swap3A_303 = vector.shape_cast %add3A_296 : vector<16xf32> to vector<1x1x16xf32>
        tpu.vector_store %arg12[%swap3A_298, %swap3A_299, %swap3A_300], %swap3A_303 {strides = array<i32>} : memref<4x20x128xf32, #tpu.memory_space<vmem>>, vector<1x1x16xf32>,
        %get3A_304 = arith.constant 1 : i32
        %get3A_305 = arith.index_cast %get3A_304 : i32 to index
        %get3A_306 = arith.index_cast %scan3A_227 : i32 to index
        %get3A_307 = arith.constant 16 : index
        %get3A_308 = tpu.vector_load %arg8[%get3A_305, %get3A_306, %get3A_307] {strides = array<i32>} : memref<4x20x128xf32, #tpu.memory_space<vmem>>, vector<1x1x16xf32>,
        %get3A_309 = vector.shape_cast %get3A_308 : vector<1x1x16xf32> to vector<16xf32>
        %add3A_310 = arith.addf %get3A_309, %get3A_289 : vector<16xf32>
        %swap3A_311 = arith.constant 1 : i32
        %swap3A_312 = arith.index_cast %swap3A_311 : i32 to index
        %swap3A_313 = arith.index_cast %scan3A_227 : i32 to index
        %swap3A_314 = arith.constant 16 : index
        %swap3A_315 = tpu.vector_load %arg12[%swap3A_312, %swap3A_313, %swap3A_314] {strides = array<i32>} : memref<4x20x128xf32, #tpu.memory_space<vmem>>, vector<1x1x16xf32>,
        %swap3A_316 = vector.shape_cast %swap3A_315 : vector<1x1x16xf32> to vector<16xf32>
        %swap3A_317 = vector.shape_cast %add3A_310 : vector<16xf32> to vector<1x1x16xf32>
        tpu.vector_store %arg12[%swap3A_312, %swap3A_313, %swap3A_314], %swap3A_317 {strides = array<i32>} : memref<4x20x128xf32, #tpu.memory_space<vmem>>, vector<1x1x16xf32>,
        %get3A_318 = arith.constant 2 : i32
        %get3A_319 = arith.index_cast %get3A_318 : i32 to index
        %get3A_320 = arith.index_cast %scan3A_227 : i32 to index
        %get3A_321 = arith.constant 16 : index
        %get3A_322 = tpu.vector_load %arg8[%get3A_319, %get3A_320, %get3A_321] {strides = array<i32>} : memref<4x20x128xf32, #tpu.memory_space<vmem>>, vector<1x1x16xf32>,
        %get3A_323 = vector.shape_cast %get3A_322 : vector<1x1x16xf32> to vector<16xf32>
        %add3A_324 = arith.addf %get3A_323, %get3A_289 : vector<16xf32>
        %swap3A_325 = arith.constant 2 : i32
        %swap3A_326 = arith.index_cast %swap3A_325 : i32 to index
        %swap3A_327 = arith.index_cast %scan3A_227 : i32 to index
        %swap3A_328 = arith.constant 16 : index
        %swap3A_329 = tpu.vector_load %arg12[%swap3A_326, %swap3A_327, %swap3A_328] {strides = array<i32>} : memref<4x20x128xf32, #tpu.memory_space<vmem>>, vector<1x1x16xf32>,
        %swap3A_330 = vector.shape_cast %swap3A_329 : vector<1x1x16xf32> to vector<16xf32>
        %swap3A_331 = vector.shape_cast %add3A_324 : vector<16xf32> to vector<1x1x16xf32>
        tpu.vector_store %arg12[%swap3A_326, %swap3A_327, %swap3A_328], %swap3A_331 {strides = array<i32>} : memref<4x20x128xf32, #tpu.memory_space<vmem>>, vector<1x1x16xf32>,
        %get3A_332 = arith.constant 3 : i32
        %get3A_333 = arith.index_cast %get3A_332 : i32 to index
        %get3A_334 = arith.index_cast %scan3A_227 : i32 to index
        %get3A_335 = arith.constant 16 : index
        %get3A_336 = tpu.vector_load %arg8[%get3A_333, %get3A_334, %get3A_335] {strides = array<i32>} : memref<4x20x128xf32, #tpu.memory_space<vmem>>, vector<1x1x16xf32>,
        %get3A_337 = vector.shape_cast %get3A_336 : vector<1x1x16xf32> to vector<16xf32>
        %add3A_338 = arith.addf %get3A_337, %get3A_289 : vector<16xf32>
        %swap3A_339 = arith.constant 3 : i32
        %swap3A_340 = arith.index_cast %swap3A_339 : i32 to index
        %swap3A_341 = arith.index_cast %scan3A_227 : i32 to index
        %swap3A_342 = arith.constant 16 : index
        %swap3A_343 = tpu.vector_load %arg12[%swap3A_340, %swap3A_341, %swap3A_342] {strides = array<i32>} : memref<4x20x128xf32, #tpu.memory_space<vmem>>, vector<1x1x16xf32>,
        %swap3A_344 = vector.shape_cast %swap3A_343 : vector<1x1x16xf32> to vector<16xf32>
        %swap3A_345 = vector.shape_cast %add3A_338 : vector<16xf32> to vector<1x1x16xf32>
        tpu.vector_store %arg12[%swap3A_340, %swap3A_341, %swap3A_342], %swap3A_345 {strides = array<i32>} : memref<4x20x128xf32, #tpu.memory_space<vmem>>, vector<1x1x16xf32>,
        %get3A_346 = arith.index_cast %scan3A_227 : i32 to index
        %get3A_347 = arith.constant 32 : index
        %get3A_348 = tpu.vector_load %arg13[%get3A_346, %get3A_347] {strides = array<i32>} : memref<20x128xf32, #tpu.memory_space<vmem>>, vector<1x16xf32>,
        %get3A_349 = vector.shape_cast %get3A_348 : vector<1x16xf32> to vector<16xf32>
        %get3A_350 = arith.constant 0 : i32
        %get3A_351 = arith.index_cast %get3A_350 : i32 to index
        %get3A_352 = arith.index_cast %scan3A_227 : i32 to index
        %get3A_353 = arith.constant 32 : index
        %get3A_354 = tpu.vector_load %arg8[%get3A_351, %get3A_352, %get3A_353] {strides = array<i32>} : memref<4x20x128xf32, #tpu.memory_space<vmem>>, vector<1x1x16xf32>,
        %get3A_355 = vector.shape_cast %get3A_354 : vector<1x1x16xf32> to vector<16xf32>
        %add3A_356 = arith.addf %get3A_355, %get3A_349 : vector<16xf32>
        %swap3A_357 = arith.constant 0 : i32
        %swap3A_358 = arith.index_cast %swap3A_357 : i32 to index
        %swap3A_359 = arith.index_cast %scan3A_227 : i32 to index
        %swap3A_360 = arith.constant 32 : index
        %swap3A_361 = tpu.vector_load %arg12[%swap3A_358, %swap3A_359, %swap3A_360] {strides = array<i32>} : memref<4x20x128xf32, #tpu.memory_space<vmem>>, vector<1x1x16xf32>,
        %swap3A_362 = vector.shape_cast %swap3A_361 : vector<1x1x16xf32> to vector<16xf32>
        %swap3A_363 = vector.shape_cast %add3A_356 : vector<16xf32> to vector<1x1x16xf32>
        tpu.vector_store %arg12[%swap3A_358, %swap3A_359, %swap3A_360], %swap3A_363 {strides = array<i32>} : memref<4x20x128xf32, #tpu.memory_space<vmem>>, vector<1x1x16xf32>,
        %get3A_364 = arith.constant 1 : i32
        %get3A_365 = arith.index_cast %get3A_364 : i32 to index
        %get3A_366 = arith.index_cast %scan3A_227 : i32 to index
        %get3A_367 = arith.constant 32 : index
        %get3A_368 = tpu.vector_load %arg8[%get3A_365, %get3A_366, %get3A_367] {strides = array<i32>} : memref<4x20x128xf32, #tpu.memory_space<vmem>>, vector<1x1x16xf32>,
        %get3A_369 = vector.shape_cast %get3A_368 : vector<1x1x16xf32> to vector<16xf32>
        %add3A_370 = arith.addf %get3A_369, %get3A_349 : vector<16xf32>
        %swap3A_371 = arith.constant 1 : i32
        %swap3A_372 = arith.index_cast %swap3A_371 : i32 to index
        %swap3A_373 = arith.index_cast %scan3A_227 : i32 to index
        %swap3A_374 = arith.constant 32 : index
        %swap3A_375 = tpu.vector_load %arg12[%swap3A_372, %swap3A_373, %swap3A_374] {strides = array<i32>} : memref<4x20x128xf32, #tpu.memory_space<vmem>>, vector<1x1x16xf32>,
        %swap3A_376 = vector.shape_cast %swap3A_375 : vector<1x1x16xf32> to vector<16xf32>
        %swap3A_377 = vector.shape_cast %add3A_370 : vector<16xf32> to vector<1x1x16xf32>
        tpu.vector_store %arg12[%swap3A_372, %swap3A_373, %swap3A_374], %swap3A_377 {strides = array<i32>} : memref<4x20x128xf32, #tpu.memory_space<vmem>>, vector<1x1x16xf32>,
        %get3A_378 = arith.constant 2 : i32
        %get3A_379 = arith.index_cast %get3A_378 : i32 to index
        %get3A_380 = arith.index_cast %scan3A_227 : i32 to index
        %get3A_381 = arith.constant 32 : index
        %get3A_382 = tpu.vector_load %arg8[%get3A_379, %get3A_380, %get3A_381] {strides = array<i32>} : memref<4x20x128xf32, #tpu.memory_space<vmem>>, vector<1x1x16xf32>,
        %get3A_383 = vector.shape_cast %get3A_382 : vector<1x1x16xf32> to vector<16xf32>
        %add3A_384 = arith.addf %get3A_383, %get3A_349 : vector<16xf32>
        %swap3A_385 = arith.constant 2 : i32
        %swap3A_386 = arith.index_cast %swap3A_385 : i32 to index
        %swap3A_387 = arith.index_cast %scan3A_227 : i32 to index
        %swap3A_388 = arith.constant 32 : index
        %swap3A_389 = tpu.vector_load %arg12[%swap3A_386, %swap3A_387, %swap3A_388] {strides = array<i32>} : memref<4x20x128xf32, #tpu.memory_space<vmem>>, vector<1x1x16xf32>,
        %swap3A_390 = vector.shape_cast %swap3A_389 : vector<1x1x16xf32> to vector<16xf32>
        %swap3A_391 = vector.shape_cast %add3A_384 : vector<16xf32> to vector<1x1x16xf32>
        tpu.vector_store %arg12[%swap3A_386, %swap3A_387, %swap3A_388], %swap3A_391 {strides = array<i32>} : memref<4x20x128xf32, #tpu.memory_space<vmem>>, vector<1x1x16xf32>,
        %get3A_392 = arith.constant 3 : i32
        %get3A_393 = arith.index_cast %get3A_392 : i32 to index
        %get3A_394 = arith.index_cast %scan3A_227 : i32 to index
        %get3A_395 = arith.constant 32 : index
        %get3A_396 = tpu.vector_load %arg8[%get3A_393, %get3A_394, %get3A_395] {strides = array<i32>} : memref<4x20x128xf32, #tpu.memory_space<vmem>>, vector<1x1x16xf32>,
        %get3A_397 = vector.shape_cast %get3A_396 : vector<1x1x16xf32> to vector<16xf32>
        %add3A_398 = arith.addf %get3A_397, %get3A_349 : vector<16xf32>
        %swap3A_399 = arith.constant 3 : i32
        %swap3A_400 = arith.index_cast %swap3A_399 : i32 to index
        %swap3A_401 = arith.index_cast %scan3A_227 : i32 to index
        %swap3A_402 = arith.constant 32 : index
        %swap3A_403 = tpu.vector_load %arg12[%swap3A_400, %swap3A_401, %swap3A_402] {strides = array<i32>} : memref<4x20x128xf32, #tpu.memory_space<vmem>>, vector<1x1x16xf32>,
        %swap3A_404 = vector.shape_cast %swap3A_403 : vector<1x1x16xf32> to vector<16xf32>
        %swap3A_405 = vector.shape_cast %add3A_398 : vector<16xf32> to vector<1x1x16xf32>
        tpu.vector_store %arg12[%swap3A_400, %swap3A_401, %swap3A_402], %swap3A_405 {strides = array<i32>} : memref<4x20x128xf32, #tpu.memory_space<vmem>>, vector<1x1x16xf32>,
        %get3A_406 = arith.index_cast %scan3A_227 : i32 to index
        %get3A_407 = arith.constant 48 : index
        %get3A_408 = tpu.vector_load %arg13[%get3A_406, %get3A_407] {strides = array<i32>} : memref<20x128xf32, #tpu.memory_space<vmem>>, vector<1x16xf32>,
        %get3A_409 = vector.shape_cast %get3A_408 : vector<1x16xf32> to vector<16xf32>
        %get3A_410 = arith.constant 0 : i32
        %get3A_411 = arith.index_cast %get3A_410 : i32 to index
        %get3A_412 = arith.index_cast %scan3A_227 : i32 to index
        %get3A_413 = arith.constant 48 : index
        %get3A_414 = tpu.vector_load %arg8[%get3A_411, %get3A_412, %get3A_413] {strides = array<i32>} : memref<4x20x128xf32, #tpu.memory_space<vmem>>, vector<1x1x16xf32>,
        %get3A_415 = vector.shape_cast %get3A_414 : vector<1x1x16xf32> to vector<16xf32>
        %add3A_416 = arith.addf %get3A_415, %get3A_409 : vector<16xf32>
        %swap3A_417 = arith.constant 0 : i32
        %swap3A_418 = arith.index_cast %swap3A_417 : i32 to index
        %swap3A_419 = arith.index_cast %scan3A_227 : i32 to index
        %swap3A_420 = arith.constant 48 : index
        %swap3A_421 = tpu.vector_load %arg12[%swap3A_418, %swap3A_419, %swap3A_420] {strides = array<i32>} : memref<4x20x128xf32, #tpu.memory_space<vmem>>, vector<1x1x16xf32>,
        %swap3A_422 = vector.shape_cast %swap3A_421 : vector<1x1x16xf32> to vector<16xf32>
        %swap3A_423 = vector.shape_cast %add3A_416 : vector<16xf32> to vector<1x1x16xf32>
        tpu.vector_store %arg12[%swap3A_418, %swap3A_419, %swap3A_420], %swap3A_423 {strides = array<i32>} : memref<4x20x128xf32, #tpu.memory_space<vmem>>, vector<1x1x16xf32>,
        %get3A_424 = arith.constant 1 : i32
        %get3A_425 = arith.index_cast %get3A_424 : i32 to index
        %get3A_426 = arith.index_cast %scan3A_227 : i32 to index
        %get3A_427 = arith.constant 48 : index
        %get3A_428 = tpu.vector_load %arg8[%get3A_425, %get3A_426, %get3A_427] {strides = array<i32>} : memref<4x20x128xf32, #tpu.memory_space<vmem>>, vector<1x1x16xf32>,
        %get3A_429 = vector.shape_cast %get3A_428 : vector<1x1x16xf32> to vector<16xf32>
        %add3A_430 = arith.addf %get3A_429, %get3A_409 : vector<16xf32>
        %swap3A_431 = arith.constant 1 : i32
        %swap3A_432 = arith.index_cast %swap3A_431 : i32 to index
        %swap3A_433 = arith.index_cast %scan3A_227 : i32 to index
        %swap3A_434 = arith.constant 48 : index
        %swap3A_435 = tpu.vector_load %arg12[%swap3A_432, %swap3A_433, %swap3A_434] {strides = array<i32>} : memref<4x20x128xf32, #tpu.memory_space<vmem>>, vector<1x1x16xf32>,
        %swap3A_436 = vector.shape_cast %swap3A_435 : vector<1x1x16xf32> to vector<16xf32>
        %swap3A_437 = vector.shape_cast %add3A_430 : vector<16xf32> to vector<1x1x16xf32>
        tpu.vector_store %arg12[%swap3A_432, %swap3A_433, %swap3A_434], %swap3A_437 {strides = array<i32>} : memref<4x20x128xf32, #tpu.memory_space<vmem>>, vector<1x1x16xf32>,
        %get3A_438 = arith.constant 2 : i32
        %get3A_439 = arith.index_cast %get3A_438 : i32 to index
        %get3A_440 = arith.index_cast %scan3A_227 : i32 to index
        %get3A_441 = arith.constant 48 : index
        %get3A_442 = tpu.vector_load %arg8[%get3A_439, %get3A_440, %get3A_441] {strides = array<i32>} : memref<4x20x128xf32, #tpu.memory_space<vmem>>, vector<1x1x16xf32>,
        %get3A_443 = vector.shape_cast %get3A_442 : vector<1x1x16xf32> to vector<16xf32>
        %add3A_444 = arith.addf %get3A_443, %get3A_409 : vector<16xf32>
        %swap3A_445 = arith.constant 2 : i32
        %swap3A_446 = arith.index_cast %swap3A_445 : i32 to index
        %swap3A_447 = arith.index_cast %scan3A_227 : i32 to index
        %swap3A_448 = arith.constant 48 : index
        %swap3A_449 = tpu.vector_load %arg12[%swap3A_446, %swap3A_447, %swap3A_448] {strides = array<i32>} : memref<4x20x128xf32, #tpu.memory_space<vmem>>, vector<1x1x16xf32>,
        %swap3A_450 = vector.shape_cast %swap3A_449 : vector<1x1x16xf32> to vector<16xf32>
        %swap3A_451 = vector.shape_cast %add3A_444 : vector<16xf32> to vector<1x1x16xf32>
        tpu.vector_store %arg12[%swap3A_446, %swap3A_447, %swap3A_448], %swap3A_451 {strides = array<i32>} : memref<4x20x128xf32, #tpu.memory_space<vmem>>, vector<1x1x16xf32>,
        %get3A_452 = arith.constant 3 : i32
        %get3A_453 = arith.index_cast %get3A_452 : i32 to index
        %get3A_454 = arith.index_cast %scan3A_227 : i32 to index
        %get3A_455 = arith.constant 48 : index
        %get3A_456 = tpu.vector_load %arg8[%get3A_453, %get3A_454, %get3A_455] {strides = array<i32>} : memref<4x20x128xf32, #tpu.memory_space<vmem>>, vector<1x1x16xf32>,
        %get3A_457 = vector.shape_cast %get3A_456 : vector<1x1x16xf32> to vector<16xf32>
        %add3A_458 = arith.addf %get3A_457, %get3A_409 : vector<16xf32>
        %swap3A_459 = arith.constant 3 : i32
        %swap3A_460 = arith.index_cast %swap3A_459 : i32 to index
        %swap3A_461 = arith.index_cast %scan3A_227 : i32 to index
        %swap3A_462 = arith.constant 48 : index
        %swap3A_463 = tpu.vector_load %arg12[%swap3A_460, %swap3A_461, %swap3A_462] {strides = array<i32>} : memref<4x20x128xf32, #tpu.memory_space<vmem>>, vector<1x1x16xf32>,
        %swap3A_464 = vector.shape_cast %swap3A_463 : vector<1x1x16xf32> to vector<16xf32>
        %swap3A_465 = vector.shape_cast %add3A_458 : vector<16xf32> to vector<1x1x16xf32>
        tpu.vector_store %arg12[%swap3A_460, %swap3A_461, %swap3A_462], %swap3A_465 {strides = array<i32>} : memref<4x20x128xf32, #tpu.memory_space<vmem>>, vector<1x1x16xf32>,
        %get3A_466 = arith.index_cast %scan3A_227 : i32 to index
        %get3A_467 = arith.constant 64 : index
        %get3A_468 = tpu.vector_load %arg13[%get3A_466, %get3A_467] {strides = array<i32>} : memref<20x128xf32, #tpu.memory_space<vmem>>, vector<1x16xf32>,
        %get3A_469 = vector.shape_cast %get3A_468 : vector<1x16xf32> to vector<16xf32>
        %get3A_470 = arith.constant 0 : i32
        %get3A_471 = arith.index_cast %get3A_470 : i32 to index
        %get3A_472 = arith.index_cast %scan3A_227 : i32 to index
        %get3A_473 = arith.constant 64 : index
        %get3A_474 = tpu.vector_load %arg8[%get3A_471, %get3A_472, %get3A_473] {strides = array<i32>} : memref<4x20x128xf32, #tpu.memory_space<vmem>>, vector<1x1x16xf32>,
        %get3A_475 = vector.shape_cast %get3A_474 : vector<1x1x16xf32> to vector<16xf32>
        %add3A_476 = arith.addf %get3A_475, %get3A_469 : vector<16xf32>
        %swap3A_477 = arith.constant 0 : i32
        %swap3A_478 = arith.index_cast %swap3A_477 : i32 to index
        %swap3A_479 = arith.index_cast %scan3A_227 : i32 to index
        %swap3A_480 = arith.constant 64 : index
        %swap3A_481 = tpu.vector_load %arg12[%swap3A_478, %swap3A_479, %swap3A_480] {strides = array<i32>} : memref<4x20x128xf32, #tpu.memory_space<vmem>>, vector<1x1x16xf32>,
        %swap3A_482 = vector.shape_cast %swap3A_481 : vector<1x1x16xf32> to vector<16xf32>
        %swap3A_483 = vector.shape_cast %add3A_476 : vector<16xf32> to vector<1x1x16xf32>
        tpu.vector_store %arg12[%swap3A_478, %swap3A_479, %swap3A_480], %swap3A_483 {strides = array<i32>} : memref<4x20x128xf32, #tpu.memory_space<vmem>>, vector<1x1x16xf32>,
        %get3A_484 = arith.constant 1 : i32
        %get3A_485 = arith.index_cast %get3A_484 : i32 to index
        %get3A_486 = arith.index_cast %scan3A_227 : i32 to index
        %get3A_487 = arith.constant 64 : index
        %get3A_488 = tpu.vector_load %arg8[%get3A_485, %get3A_486, %get3A_487] {strides = array<i32>} : memref<4x20x128xf32, #tpu.memory_space<vmem>>, vector<1x1x16xf32>,
        %get3A_489 = vector.shape_cast %get3A_488 : vector<1x1x16xf32> to vector<16xf32>
        %add3A_490 = arith.addf %get3A_489, %get3A_469 : vector<16xf32>
        %swap3A_491 = arith.constant 1 : i32
        %swap3A_492 = arith.index_cast %swap3A_491 : i32 to index
        %swap3A_493 = arith.index_cast %scan3A_227 : i32 to index
        %swap3A_494 = arith.constant 64 : index
        %swap3A_495 = tpu.vector_load %arg12[%swap3A_492, %swap3A_493, %swap3A_494] {strides = array<i32>} : memref<4x20x128xf32, #tpu.memory_space<vmem>>, vector<1x1x16xf32>,
        %swap3A_496 = vector.shape_cast %swap3A_495 : vector<1x1x16xf32> to vector<16xf32>
        %swap3A_497 = vector.shape_cast %add3A_490 : vector<16xf32> to vector<1x1x16xf32>
        tpu.vector_store %arg12[%swap3A_492, %swap3A_493, %swap3A_494], %swap3A_497 {strides = array<i32>} : memref<4x20x128xf32, #tpu.memory_space<vmem>>, vector<1x1x16xf32>,
        %get3A_498 = arith.constant 2 : i32
        %get3A_499 = arith.index_cast %get3A_498 : i32 to index
        %get3A_500 = arith.index_cast %scan3A_227 : i32 to index
        %get3A_501 = arith.constant 64 : index
        %get3A_502 = tpu.vector_load %arg8[%get3A_499, %get3A_500, %get3A_501] {strides = array<i32>} : memref<4x20x128xf32, #tpu.memory_space<vmem>>, vector<1x1x16xf32>,
        %get3A_503 = vector.shape_cast %get3A_502 : vector<1x1x16xf32> to vector<16xf32>
        %add3A_504 = arith.addf %get3A_503, %get3A_469 : vector<16xf32>
        %swap3A_505 = arith.constant 2 : i32
        %swap3A_506 = arith.index_cast %swap3A_505 : i32 to index
        %swap3A_507 = arith.index_cast %scan3A_227 : i32 to index
        %swap3A_508 = arith.constant 64 : index
        %swap3A_509 = tpu.vector_load %arg12[%swap3A_506, %swap3A_507, %swap3A_508] {strides = array<i32>} : memref<4x20x128xf32, #tpu.memory_space<vmem>>, vector<1x1x16xf32>,
        %swap3A_510 = vector.shape_cast %swap3A_509 : vector<1x1x16xf32> to vector<16xf32>
        %swap3A_511 = vector.shape_cast %add3A_504 : vector<16xf32> to vector<1x1x16xf32>
        tpu.vector_store %arg12[%swap3A_506, %swap3A_507, %swap3A_508], %swap3A_511 {strides = array<i32>} : memref<4x20x128xf32, #tpu.memory_space<vmem>>, vector<1x1x16xf32>,
        %get3A_512 = arith.constant 3 : i32
        %get3A_513 = arith.index_cast %get3A_512 : i32 to index
        %get3A_514 = arith.index_cast %scan3A_227 : i32 to index
        %get3A_515 = arith.constant 64 : index
        %get3A_516 = tpu.vector_load %arg8[%get3A_513, %get3A_514, %get3A_515] {strides = array<i32>} : memref<4x20x128xf32, #tpu.memory_space<vmem>>, vector<1x1x16xf32>,
        %get3A_517 = vector.shape_cast %get3A_516 : vector<1x1x16xf32> to vector<16xf32>
        %add3A_518 = arith.addf %get3A_517, %get3A_469 : vector<16xf32>
        %swap3A_519 = arith.constant 3 : i32
        %swap3A_520 = arith.index_cast %swap3A_519 : i32 to index
        %swap3A_521 = arith.index_cast %scan3A_227 : i32 to index
        %swap3A_522 = arith.constant 64 : index
        %swap3A_523 = tpu.vector_load %arg12[%swap3A_520, %swap3A_521, %swap3A_522] {strides = array<i32>} : memref<4x20x128xf32, #tpu.memory_space<vmem>>, vector<1x1x16xf32>,
        %swap3A_524 = vector.shape_cast %swap3A_523 : vector<1x1x16xf32> to vector<16xf32>
        %swap3A_525 = vector.shape_cast %add3A_518 : vector<16xf32> to vector<1x1x16xf32>
        tpu.vector_store %arg12[%swap3A_520, %swap3A_521, %swap3A_522], %swap3A_525 {strides = array<i32>} : memref<4x20x128xf32, #tpu.memory_space<vmem>>, vector<1x1x16xf32>,
        %get3A_526 = arith.index_cast %scan3A_227 : i32 to index
        %get3A_527 = arith.constant 80 : index
        %get3A_528 = tpu.vector_load %arg13[%get3A_526, %get3A_527] {strides = array<i32>} : memref<20x128xf32, #tpu.memory_space<vmem>>, vector<1x16xf32>,
        %get3A_529 = vector.shape_cast %get3A_528 : vector<1x16xf32> to vector<16xf32>
        %get3A_530 = arith.constant 0 : i32
        %get3A_531 = arith.index_cast %get3A_530 : i32 to index
        %get3A_532 = arith.index_cast %scan3A_227 : i32 to index
        %get3A_533 = arith.constant 80 : index
        %get3A_534 = tpu.vector_load %arg8[%get3A_531, %get3A_532, %get3A_533] {strides = array<i32>} : memref<4x20x128xf32, #tpu.memory_space<vmem>>, vector<1x1x16xf32>,
        %get3A_535 = vector.shape_cast %get3A_534 : vector<1x1x16xf32> to vector<16xf32>
        %add3A_536 = arith.addf %get3A_535, %get3A_529 : vector<16xf32>
        %swap3A_537 = arith.constant 0 : i32
        %swap3A_538 = arith.index_cast %swap3A_537 : i32 to index
        %swap3A_539 = arith.index_cast %scan3A_227 : i32 to index
        %swap3A_540 = arith.constant 80 : index
        %swap3A_541 = tpu.vector_load %arg12[%swap3A_538, %swap3A_539, %swap3A_540] {strides = array<i32>} : memref<4x20x128xf32, #tpu.memory_space<vmem>>, vector<1x1x16xf32>,
        %swap3A_542 = vector.shape_cast %swap3A_541 : vector<1x1x16xf32> to vector<16xf32>
        %swap3A_543 = vector.shape_cast %add3A_536 : vector<16xf32> to vector<1x1x16xf32>
        tpu.vector_store %arg12[%swap3A_538, %swap3A_539, %swap3A_540], %swap3A_543 {strides = array<i32>} : memref<4x20x128xf32, #tpu.memory_space<vmem>>, vector<1x1x16xf32>,
        %get3A_544 = arith.constant 1 : i32
        %get3A_545 = arith.index_cast %get3A_544 : i32 to index
        %get3A_546 = arith.index_cast %scan3A_227 : i32 to index
        %get3A_547 = arith.constant 80 : index
        %get3A_548 = tpu.vector_load %arg8[%get3A_545, %get3A_546, %get3A_547] {strides = array<i32>} : memref<4x20x128xf32, #tpu.memory_space<vmem>>, vector<1x1x16xf32>,
        %get3A_549 = vector.shape_cast %get3A_548 : vector<1x1x16xf32> to vector<16xf32>
        %add3A_550 = arith.addf %get3A_549, %get3A_529 : vector<16xf32>
        %swap3A_551 = arith.constant 1 : i32
        %swap3A_552 = arith.index_cast %swap3A_551 : i32 to index
        %swap3A_553 = arith.index_cast %scan3A_227 : i32 to index
        %swap3A_554 = arith.constant 80 : index
        %swap3A_555 = tpu.vector_load %arg12[%swap3A_552, %swap3A_553, %swap3A_554] {strides = array<i32>} : memref<4x20x128xf32, #tpu.memory_space<vmem>>, vector<1x1x16xf32>,
        %swap3A_556 = vector.shape_cast %swap3A_555 : vector<1x1x16xf32> to vector<16xf32>
        %swap3A_557 = vector.shape_cast %add3A_550 : vector<16xf32> to vector<1x1x16xf32>
        tpu.vector_store %arg12[%swap3A_552, %swap3A_553, %swap3A_554], %swap3A_557 {strides = array<i32>} : memref<4x20x128xf32, #tpu.memory_space<vmem>>, vector<1x1x16xf32>,
        %get3A_558 = arith.constant 2 : i32
        %get3A_559 = arith.index_cast %get3A_558 : i32 to index
        %get3A_560 = arith.index_cast %scan3A_227 : i32 to index
        %get3A_561 = arith.constant 80 : index
        %get3A_562 = tpu.vector_load %arg8[%get3A_559, %get3A_560, %get3A_561] {strides = array<i32>} : memref<4x20x128xf32, #tpu.memory_space<vmem>>, vector<1x1x16xf32>,
        %get3A_563 = vector.shape_cast %get3A_562 : vector<1x1x16xf32> to vector<16xf32>
        %add3A_564 = arith.addf %get3A_563, %get3A_529 : vector<16xf32>
        %swap3A_565 = arith.constant 2 : i32
        %swap3A_566 = arith.index_cast %swap3A_565 : i32 to index
        %swap3A_567 = arith.index_cast %scan3A_227 : i32 to index
        %swap3A_568 = arith.constant 80 : index
        %swap3A_569 = tpu.vector_load %arg12[%swap3A_566, %swap3A_567, %swap3A_568] {strides = array<i32>} : memref<4x20x128xf32, #tpu.memory_space<vmem>>, vector<1x1x16xf32>,
        %swap3A_570 = vector.shape_cast %swap3A_569 : vector<1x1x16xf32> to vector<16xf32>
        %swap3A_571 = vector.shape_cast %add3A_564 : vector<16xf32> to vector<1x1x16xf32>
        tpu.vector_store %arg12[%swap3A_566, %swap3A_567, %swap3A_568], %swap3A_571 {strides = array<i32>} : memref<4x20x128xf32, #tpu.memory_space<vmem>>, vector<1x1x16xf32>,
        %get3A_572 = arith.constant 3 : i32
        %get3A_573 = arith.index_cast %get3A_572 : i32 to index
        %get3A_574 = arith.index_cast %scan3A_227 : i32 to index
        %get3A_575 = arith.constant 80 : index
        %get3A_576 = tpu.vector_load %arg8[%get3A_573, %get3A_574, %get3A_575] {strides = array<i32>} : memref<4x20x128xf32, #tpu.memory_space<vmem>>, vector<1x1x16xf32>,
        %get3A_577 = vector.shape_cast %get3A_576 : vector<1x1x16xf32> to vector<16xf32>
        %add3A_578 = arith.addf %get3A_577, %get3A_529 : vector<16xf32>
        %swap3A_579 = arith.constant 3 : i32
        %swap3A_580 = arith.index_cast %swap3A_579 : i32 to index
        %swap3A_581 = arith.index_cast %scan3A_227 : i32 to index
        %swap3A_582 = arith.constant 80 : index
        %swap3A_583 = tpu.vector_load %arg12[%swap3A_580, %swap3A_581, %swap3A_582] {strides = array<i32>} : memref<4x20x128xf32, #tpu.memory_space<vmem>>, vector<1x1x16xf32>,
        %swap3A_584 = vector.shape_cast %swap3A_583 : vector<1x1x16xf32> to vector<16xf32>
        %swap3A_585 = vector.shape_cast %add3A_578 : vector<16xf32> to vector<1x1x16xf32>
        tpu.vector_store %arg12[%swap3A_580, %swap3A_581, %swap3A_582], %swap3A_585 {strides = array<i32>} : memref<4x20x128xf32, #tpu.memory_space<vmem>>, vector<1x1x16xf32>,
        %get3A_586 = arith.index_cast %scan3A_227 : i32 to index
        %get3A_587 = arith.constant 96 : index
        %get3A_588 = tpu.vector_load %arg13[%get3A_586, %get3A_587] {strides = array<i32>} : memref<20x128xf32, #tpu.memory_space<vmem>>, vector<1x16xf32>,
        %get3A_589 = vector.shape_cast %get3A_588 : vector<1x16xf32> to vector<16xf32>
        %get3A_590 = arith.constant 0 : i32
        %get3A_591 = arith.index_cast %get3A_590 : i32 to index
        %get3A_592 = arith.index_cast %scan3A_227 : i32 to index
        %get3A_593 = arith.constant 96 : index
        %get3A_594 = tpu.vector_load %arg8[%get3A_591, %get3A_592, %get3A_593] {strides = array<i32>} : memref<4x20x128xf32, #tpu.memory_space<vmem>>, vector<1x1x16xf32>,
        %get3A_595 = vector.shape_cast %get3A_594 : vector<1x1x16xf32> to vector<16xf32>
        %add3A_596 = arith.addf %get3A_595, %get3A_589 : vector<16xf32>
        %swap3A_597 = arith.constant 0 : i32
        %swap3A_598 = arith.index_cast %swap3A_597 : i32 to index
        %swap3A_599 = arith.index_cast %scan3A_227 : i32 to index
        %swap3A_600 = arith.constant 96 : index
        %swap3A_601 = tpu.vector_load %arg12[%swap3A_598, %swap3A_599, %swap3A_600] {strides = array<i32>} : memref<4x20x128xf32, #tpu.memory_space<vmem>>, vector<1x1x16xf32>,
        %swap3A_602 = vector.shape_cast %swap3A_601 : vector<1x1x16xf32> to vector<16xf32>
        %swap3A_603 = vector.shape_cast %add3A_596 : vector<16xf32> to vector<1x1x16xf32>
        tpu.vector_store %arg12[%swap3A_598, %swap3A_599, %swap3A_600], %swap3A_603 {strides = array<i32>} : memref<4x20x128xf32, #tpu.memory_space<vmem>>, vector<1x1x16xf32>,
        %get3A_604 = arith.constant 1 : i32
        %get3A_605 = arith.index_cast %get3A_604 : i32 to index
        %get3A_606 = arith.index_cast %scan3A_227 : i32 to index
        %get3A_607 = arith.constant 96 : index
        %get3A_608 = tpu.vector_load %arg8[%get3A_605, %get3A_606, %get3A_607] {strides = array<i32>} : memref<4x20x128xf32, #tpu.memory_space<vmem>>, vector<1x1x16xf32>,
        %get3A_609 = vector.shape_cast %get3A_608 : vector<1x1x16xf32> to vector<16xf32>
        %add3A_610 = arith.addf %get3A_609, %get3A_589 : vector<16xf32>
        %swap3A_611 = arith.constant 1 : i32
        %swap3A_612 = arith.index_cast %swap3A_611 : i32 to index
        %swap3A_613 = arith.index_cast %scan3A_227 : i32 to index
        %swap3A_614 = arith.constant 96 : index
        %swap3A_615 = tpu.vector_load %arg12[%swap3A_612, %swap3A_613, %swap3A_614] {strides = array<i32>} : memref<4x20x128xf32, #tpu.memory_space<vmem>>, vector<1x1x16xf32>,
        %swap3A_616 = vector.shape_cast %swap3A_615 : vector<1x1x16xf32> to vector<16xf32>
        %swap3A_617 = vector.shape_cast %add3A_610 : vector<16xf32> to vector<1x1x16xf32>
        tpu.vector_store %arg12[%swap3A_612, %swap3A_613, %swap3A_614], %swap3A_617 {strides = array<i32>} : memref<4x20x128xf32, #tpu.memory_space<vmem>>, vector<1x1x16xf32>,
        %get3A_618 = arith.constant 2 : i32
        %get3A_619 = arith.index_cast %get3A_618 : i32 to index
        %get3A_620 = arith.index_cast %scan3A_227 : i32 to index
        %get3A_621 = arith.constant 96 : index
        %get3A_622 = tpu.vector_load %arg8[%get3A_619, %get3A_620, %get3A_621] {strides = array<i32>} : memref<4x20x128xf32, #tpu.memory_space<vmem>>, vector<1x1x16xf32>,
        %get3A_623 = vector.shape_cast %get3A_622 : vector<1x1x16xf32> to vector<16xf32>
        %add3A_624 = arith.addf %get3A_623, %get3A_589 : vector<16xf32>
        %swap3A_625 = arith.constant 2 : i32
        %swap3A_626 = arith.index_cast %swap3A_625 : i32 to index
        %swap3A_627 = arith.index_cast %scan3A_227 : i32 to index
        %swap3A_628 = arith.constant 96 : index
        %swap3A_629 = tpu.vector_load %arg12[%swap3A_626, %swap3A_627, %swap3A_628] {strides = array<i32>} : memref<4x20x128xf32, #tpu.memory_space<vmem>>, vector<1x1x16xf32>,
        %swap3A_630 = vector.shape_cast %swap3A_629 : vector<1x1x16xf32> to vector<16xf32>
        %swap3A_631 = vector.shape_cast %add3A_624 : vector<16xf32> to vector<1x1x16xf32>
        tpu.vector_store %arg12[%swap3A_626, %swap3A_627, %swap3A_628], %swap3A_631 {strides = array<i32>} : memref<4x20x128xf32, #tpu.memory_space<vmem>>, vector<1x1x16xf32>,
        %get3A_632 = arith.constant 3 : i32
        %get3A_633 = arith.index_cast %get3A_632 : i32 to index
        %get3A_634 = arith.index_cast %scan3A_227 : i32 to index
        %get3A_635 = arith.constant 96 : index
        %get3A_636 = tpu.vector_load %arg8[%get3A_633, %get3A_634, %get3A_635] {strides = array<i32>} : memref<4x20x128xf32, #tpu.memory_space<vmem>>, vector<1x1x16xf32>,
        %get3A_637 = vector.shape_cast %get3A_636 : vector<1x1x16xf32> to vector<16xf32>
        %add3A_638 = arith.addf %get3A_637, %get3A_589 : vector<16xf32>
        %swap3A_639 = arith.constant 3 : i32
        %swap3A_640 = arith.index_cast %swap3A_639 : i32 to index
        %swap3A_641 = arith.index_cast %scan3A_227 : i32 to index
        %swap3A_642 = arith.constant 96 : index
        %swap3A_643 = tpu.vector_load %arg12[%swap3A_640, %swap3A_641, %swap3A_642] {strides = array<i32>} : memref<4x20x128xf32, #tpu.memory_space<vmem>>, vector<1x1x16xf32>,
        %swap3A_644 = vector.shape_cast %swap3A_643 : vector<1x1x16xf32> to vector<16xf32>
        %swap3A_645 = vector.shape_cast %add3A_638 : vector<16xf32> to vector<1x1x16xf32>
        tpu.vector_store %arg12[%swap3A_640, %swap3A_641, %swap3A_642], %swap3A_645 {strides = array<i32>} : memref<4x20x128xf32, #tpu.memory_space<vmem>>, vector<1x1x16xf32>,
        %get3A_646 = arith.index_cast %scan3A_227 : i32 to index
        %get3A_647 = arith.constant 112 : index
        %get3A_648 = tpu.vector_load %arg13[%get3A_646, %get3A_647] {strides = array<i32>} : memref<20x128xf32, #tpu.memory_space<vmem>>, vector<1x16xf32>,
        %get3A_649 = vector.shape_cast %get3A_648 : vector<1x16xf32> to vector<16xf32>
        %get3A_650 = arith.constant 0 : i32
        %get3A_651 = arith.index_cast %get3A_650 : i32 to index
        %get3A_652 = arith.index_cast %scan3A_227 : i32 to index
        %get3A_653 = arith.constant 112 : index
        %get3A_654 = tpu.vector_load %arg8[%get3A_651, %get3A_652, %get3A_653] {strides = array<i32>} : memref<4x20x128xf32, #tpu.memory_space<vmem>>, vector<1x1x16xf32>,
        %get3A_655 = vector.shape_cast %get3A_654 : vector<1x1x16xf32> to vector<16xf32>
        %add3A_656 = arith.addf %get3A_655, %get3A_649 : vector<16xf32>
        %swap3A_657 = arith.constant 0 : i32
        %swap3A_658 = arith.index_cast %swap3A_657 : i32 to index
        %swap3A_659 = arith.index_cast %scan3A_227 : i32 to index
        %swap3A_660 = arith.constant 112 : index
        %swap3A_661 = tpu.vector_load %arg12[%swap3A_658, %swap3A_659, %swap3A_660] {strides = array<i32>} : memref<4x20x128xf32, #tpu.memory_space<vmem>>, vector<1x1x16xf32>,
        %swap3A_662 = vector.shape_cast %swap3A_661 : vector<1x1x16xf32> to vector<16xf32>
        %swap3A_663 = vector.shape_cast %add3A_656 : vector<16xf32> to vector<1x1x16xf32>
        tpu.vector_store %arg12[%swap3A_658, %swap3A_659, %swap3A_660], %swap3A_663 {strides = array<i32>} : memref<4x20x128xf32, #tpu.memory_space<vmem>>, vector<1x1x16xf32>,
        %get3A_664 = arith.constant 1 : i32
        %get3A_665 = arith.index_cast %get3A_664 : i32 to index
        %get3A_666 = arith.index_cast %scan3A_227 : i32 to index
        %get3A_667 = arith.constant 112 : index
        %get3A_668 = tpu.vector_load %arg8[%get3A_665, %get3A_666, %get3A_667] {strides = array<i32>} : memref<4x20x128xf32, #tpu.memory_space<vmem>>, vector<1x1x16xf32>,
        %get3A_669 = vector.shape_cast %get3A_668 : vector<1x1x16xf32> to vector<16xf32>
        %add3A_670 = arith.addf %get3A_669, %get3A_649 : vector<16xf32>
        %swap3A_671 = arith.constant 1 : i32
        %swap3A_672 = arith.index_cast %swap3A_671 : i32 to index
        %swap3A_673 = arith.index_cast %scan3A_227 : i32 to index
        %swap3A_674 = arith.constant 112 : index
        %swap3A_675 = tpu.vector_load %arg12[%swap3A_672, %swap3A_673, %swap3A_674] {strides = array<i32>} : memref<4x20x128xf32, #tpu.memory_space<vmem>>, vector<1x1x16xf32>,
        %swap3A_676 = vector.shape_cast %swap3A_675 : vector<1x1x16xf32> to vector<16xf32>
        %swap3A_677 = vector.shape_cast %add3A_670 : vector<16xf32> to vector<1x1x16xf32>
        tpu.vector_store %arg12[%swap3A_672, %swap3A_673, %swap3A_674], %swap3A_677 {strides = array<i32>} : memref<4x20x128xf32, #tpu.memory_space<vmem>>, vector<1x1x16xf32>,
        %get3A_678 = arith.constant 2 : i32
        %get3A_679 = arith.index_cast %get3A_678 : i32 to index
        %get3A_680 = arith.index_cast %scan3A_227 : i32 to index
        %get3A_681 = arith.constant 112 : index
        %get3A_682 = tpu.vector_load %arg8[%get3A_679, %get3A_680, %get3A_681] {strides = array<i32>} : memref<4x20x128xf32, #tpu.memory_space<vmem>>, vector<1x1x16xf32>,
        %get3A_683 = vector.shape_cast %get3A_682 : vector<1x1x16xf32> to vector<16xf32>
        %add3A_684 = arith.addf %get3A_683, %get3A_649 : vector<16xf32>
        %swap3A_685 = arith.constant 2 : i32
        %swap3A_686 = arith.index_cast %swap3A_685 : i32 to index
        %swap3A_687 = arith.index_cast %scan3A_227 : i32 to index
        %swap3A_688 = arith.constant 112 : index
        %swap3A_689 = tpu.vector_load %arg12[%swap3A_686, %swap3A_687, %swap3A_688] {strides = array<i32>} : memref<4x20x128xf32, #tpu.memory_space<vmem>>, vector<1x1x16xf32>,
        %swap3A_690 = vector.shape_cast %swap3A_689 : vector<1x1x16xf32> to vector<16xf32>
        %swap3A_691 = vector.shape_cast %add3A_684 : vector<16xf32> to vector<1x1x16xf32>
        tpu.vector_store %arg12[%swap3A_686, %swap3A_687, %swap3A_688], %swap3A_691 {strides = array<i32>} : memref<4x20x128xf32, #tpu.memory_space<vmem>>, vector<1x1x16xf32>,
        %get3A_692 = arith.constant 3 : i32
        %get3A_693 = arith.index_cast %get3A_692 : i32 to index
        %get3A_694 = arith.index_cast %scan3A_227 : i32 to index
        %get3A_695 = arith.constant 112 : index
        %get3A_696 = tpu.vector_load %arg8[%get3A_693, %get3A_694, %get3A_695] {strides = array<i32>} : memref<4x20x128xf32, #tpu.memory_space<vmem>>, vector<1x1x16xf32>,
        %get3A_697 = vector.shape_cast %get3A_696 : vector<1x1x16xf32> to vector<16xf32>
        %add3A_698 = arith.addf %get3A_697, %get3A_649 : vector<16xf32>
        %swap3A_699 = arith.constant 3 : i32
        %swap3A_700 = arith.index_cast %swap3A_699 : i32 to index
        %swap3A_701 = arith.index_cast %scan3A_227 : i32 to index
        %swap3A_702 = arith.constant 112 : index
        %swap3A_703 = tpu.vector_load %arg12[%swap3A_700, %swap3A_701, %swap3A_702] {strides = array<i32>} : memref<4x20x128xf32, #tpu.memory_space<vmem>>, vector<1x1x16xf32>,
        %swap3A_704 = vector.shape_cast %swap3A_703 : vector<1x1x16xf32> to vector<16xf32>
        %swap3A_705 = vector.shape_cast %add3A_698 : vector<16xf32> to vector<1x1x16xf32>
        tpu.vector_store %arg12[%swap3A_700, %swap3A_701, %swap3A_702], %swap3A_705 {strides = array<i32>} : memref<4x20x128xf32, #tpu.memory_space<vmem>>, vector<1x1x16xf32>,
      }
      %scan3A_210 = arith.constant 20 : i32
      %mul3A_211 = arith.constant 4 : i32
      %mul3A_212 = arith.muli %add3A_190, %mul3A_211 : i32
      %add3A_213 = arith.addi %mul3A_2, %mul3A_212 : i32
      %dma_start3A_214 = arith.constant 0 : i32
      %dma_start3A_215 = arith.constant 0 : i32
      %dma_start3A_216 = tpu.memref_slice %arg4[%add3A_213, %dma_start3A_214, %dma_start3A_215] : memref<16384x20x128xf32, #tpu.memory_space<hbm>> -> memref<4x20x128xf32, #tpu.memory_space<hbm>>
      %dma_start3A_217 = arith.constant 0 : i32
      %dma_start3A_218 = arith.constant 0 : i32
      %dma_start3A_219 = tpu.memref_slice %arg4[%add3A_213, %dma_start3A_217, %dma_start3A_218] : memref<16384x20x128xf32, #tpu.memory_space<hbm>> -> memref<4x20x128xf32, #tpu.memory_space<hbm>>
      tpu.enqueue_dma source(%arg12 : memref<4x20x128xf32, #tpu.memory_space<vmem>>) target(%dma_start3A_219 : memref<4x20x128xf32, #tpu.memory_space<hbm>>) target_semaphore(%arg21 : memref<!tpu.dma_semaphore, #tpu.memory_space<semaphore_mem>>)
      %add3A_220 = arith.constant 4 : i32
      %add3A_221 = arith.addi %add3A_190, %add3A_220 : i32
      %lt3A_222 = arith.constant 128 : i32
      %lt3A_223 = arith.cmpi slt, %add3A_221, %lt3A_222 : i32
      %convert_element_type3A_224 = arith.extui %lt3A_223 : i1 to i32
      %cond3A_225 = arith.constant 0 : i32
      %cond3A_226 = arith.cmpi ne, %convert_element_type3A_224, %cond3A_225 : i32
      scf.if %cond3A_226 {
        %add3A_227 = arith.constant 4 : i32
        %add3A_228 = arith.addi %add3A_190, %add3A_227 : i32
        %mul3A_229 = arith.constant 4 : i32
        %mul3A_230 = arith.muli %add3A_228, %mul3A_229 : i32
        %add3A_231 = arith.addi %mul3A_2, %mul3A_230 : i32
        %dma_start3A_232 = arith.constant 0 : i32
        %dma_start3A_233 = arith.constant 0 : i32
        %dma_start3A_234 = tpu.memref_slice %arg2[%add3A_231, %dma_start3A_232, %dma_start3A_233] : memref<16384x20x128xf32, #tpu.memory_space<hbm>> -> memref<4x20x128xf32, #tpu.memory_space<hbm>>
        %dma_start3A_235 = arith.constant 0 : i32
        %dma_start3A_236 = arith.constant 0 : i32
        %dma_start3A_237 = tpu.memref_slice %arg2[%add3A_231, %dma_start3A_235, %dma_start3A_236] : memref<16384x20x128xf32, #tpu.memory_space<hbm>> -> memref<4x20x128xf32, #tpu.memory_space<hbm>>
        tpu.enqueue_dma source(%dma_start3A_237 : memref<4x20x128xf32, #tpu.memory_space<hbm>>) target(%arg8 : memref<4x20x128xf32, #tpu.memory_space<vmem>>) target_semaphore(%arg17 : memref<!tpu.dma_semaphore, #tpu.memory_space<semaphore_mem>>)
      } else {
      }
    }
    %scan3A_38 = arith.constant 32 : i32
    %add3A_39 = arith.constant 496 : i32
    %add3A_40 = arith.addi %mul3A_2, %add3A_39 : i32
    %dma_wait3A = arith.constant 0 : i32
    %dma_wait3A_41 = arith.constant 0 : i32
    %dma_wait3A_42 = tpu.memref_slice %arg4[%add3A_40, %dma_wait3A, %dma_wait3A_41] : memref<16384x20x128xf32, #tpu.memory_space<hbm>> -> memref<4x20x128xf32, #tpu.memory_space<hbm>>
    %dma_wait3A_43 = arith.constant 0 : i32
    %dma_wait3A_44 = arith.constant 0 : i32
    %dma_wait3A_45 = tpu.memref_slice %arg4[%add3A_40, %dma_wait3A_43, %dma_wait3A_44] : memref<16384x20x128xf32, #tpu.memory_space<hbm>> -> memref<4x20x128xf32, #tpu.memory_space<hbm>>
    tpu.wait_dma2 semaphore(%arg18 : memref<!tpu.dma_semaphore, #tpu.memory_space<semaphore_mem>>) src(%arg9 : memref<4x20x128xf32, #tpu.memory_space<vmem>>) dst(%dma_wait3A_45 : memref<4x20x128xf32, #tpu.memory_space<hbm>>)
    %add3A_46 = arith.constant 500 : i32
    %add3A_47 = arith.addi %mul3A_2, %add3A_46 : i32
    %dma_wait3A_48 = arith.constant 0 : i32
    %dma_wait3A_49 = arith.constant 0 : i32
    %dma_wait3A_50 = tpu.memref_slice %arg4[%add3A_47, %dma_wait3A_48, %dma_wait3A_49] : memref<16384x20x128xf32, #tpu.memory_space<hbm>> -> memref<4x20x128xf32, #tpu.memory_space<hbm>>
    %dma_wait3A_51 = arith.constant 0 : i32
    %dma_wait3A_52 = arith.constant 0 : i32
    %dma_wait3A_53 = tpu.memref_slice %arg4[%add3A_47, %dma_wait3A_51, %dma_wait3A_52] : memref<16384x20x128xf32, #tpu.memory_space<hbm>> -> memref<4x20x128xf32, #tpu.memory_space<hbm>>
    tpu.wait_dma2 semaphore(%arg19 : memref<!tpu.dma_semaphore, #tpu.memory_space<semaphore_mem>>) src(%arg10 : memref<4x20x128xf32, #tpu.memory_space<vmem>>) dst(%dma_wait3A_53 : memref<4x20x128xf32, #tpu.memory_space<hbm>>)
    %add3A_54 = arith.constant 504 : i32
    %add3A_55 = arith.addi %mul3A_2, %add3A_54 : i32
    %dma_wait3A_56 = arith.constant 0 : i32
    %dma_wait3A_57 = arith.constant 0 : i32
    %dma_wait3A_58 = tpu.memref_slice %arg4[%add3A_55, %dma_wait3A_56, %dma_wait3A_57] : memref<16384x20x128xf32, #tpu.memory_space<hbm>> -> memref<4x20x128xf32, #tpu.memory_space<hbm>>
    %dma_wait3A_59 = arith.constant 0 : i32
    %dma_wait3A_60 = arith.constant 0 : i32
    %dma_wait3A_61 = tpu.memref_slice %arg4[%add3A_55, %dma_wait3A_59, %dma_wait3A_60] : memref<16384x20x128xf32, #tpu.memory_space<hbm>> -> memref<4x20x128xf32, #tpu.memory_space<hbm>>
    tpu.wait_dma2 semaphore(%arg20 : memref<!tpu.dma_semaphore, #tpu.memory_space<semaphore_mem>>) src(%arg11 : memref<4x20x128xf32, #tpu.memory_space<vmem>>) dst(%dma_wait3A_61 : memref<4x20x128xf32, #tpu.memory_space<hbm>>)
    %add3A_62 = arith.constant 508 : i32
    %add3A_63 = arith.addi %mul3A_2, %add3A_62 : i32
    %dma_wait3A_64 = arith.constant 0 : i32
    %dma_wait3A_65 = arith.constant 0 : i32
    %dma_wait3A_66 = tpu.memref_slice %arg4[%add3A_63, %dma_wait3A_64, %dma_wait3A_65] : memref<16384x20x128xf32, #tpu.memory_space<hbm>> -> memref<4x20x128xf32, #tpu.memory_space<hbm>>
    %dma_wait3A_67 = arith.constant 0 : i32
    %dma_wait3A_68 = arith.constant 0 : i32
    %dma_wait3A_69 = tpu.memref_slice %arg4[%add3A_63, %dma_wait3A_67, %dma_wait3A_68] : memref<16384x20x128xf32, #tpu.memory_space<hbm>> -> memref<4x20x128xf32, #tpu.memory_space<hbm>>
    tpu.wait_dma2 semaphore(%arg21 : memref<!tpu.dma_semaphore, #tpu.memory_space<semaphore_mem>>) src(%arg12 : memref<4x20x128xf32, #tpu.memory_space<vmem>>) dst(%dma_wait3A_69 : memref<4x20x128xf32, #tpu.memory_space<hbm>>)
    return
  }
}

</mosaic_0001>

<sc_bundles>
// kernel: kernel.3.cloned.1.call-start
scs
__scs_entry_jumppad:
0x0: {  	(pc) =	sbr.rel $0x88, $3  }
0x1: {  	(tag) =	ssettag $0x0;
	lr =	simm.s32 $0x1  }
0x2: {  	[smem:$0x3F9F] =	sst lr;
	_ =	strace $0xD0000000  }
0x3: {  	_ = 	snop  }
0x4: {  	_ = 	snop  }
0x5: {  	_ = 	snop  }
0x6: {  	_ = 	snop  }
0x7: {  	_ = 	snop  }
__scs_overlays_trampoline_lowered:
0x8: {  	[smem:$0x3FAE] =	sst s0  }
0x9: {  	[smem:$0x3FAF] =	sst s1  }
0xa: {  	[smem:$0x3FB0] =	sst s2  }
0xb: {  	[smem:$0x3FB1] =	sst s3  }
0xc: {  	[smem:$0x3FB2] =	sst s4  }
0xd: {  	[smem:$0x3FB3] =	sst s5  }
0xe: {  	[smem:$0x3FB4] =	sst s6  }
0xf: {  	[smem:$0x3FB5] =	sst s7  }
0x10: {  	[smem:$0x3FB6] =	sst s8  }
0x11: {  	[smem:$0x3FB7] =	sst s9;
	s0 =	simm.s32 @!p0 $0x0  }
0x12: {  	s1 =	sld [smem:$0x3F9D];
	s0 =	simm.s32 @p0 $0x1  }
0x13: {  	[smem:$0x3FB8] =	sst s0;
	s0 =	simm.s32 @!p1 $0x0  }
0x14: {  	s2 =	sld [smem:$0x3F9C];
	s0 =	simm.s32 @p1 $0x1  }
0x15: {  	[smem:$0x3FB9] =	sst s0;
	s0 =	simm.s32 @!p2 $0x0  }
0x16: {  	s3 =	sld [smem:$0x3FDB];
	s0 =	simm.s32 @p2 $0x1  }
0x17: {  	s4 =	simm.s32 $0x1BF5;
	[smem:$0x3FBB] =	sst s0  }
0x18: {  	s0 =	sld [smem:$0x3F9E];
	_ =	swait.ge [sflag:s4], $0x0  }
0x19: {  	s7 =	sld [smem:$0x3F9F]  }
0x1a: {  	s8 =	sadd.s32 $0xFFFFE003, lr  }
0x1b: {  	s9 =	sadd.s32 $0xFFFFFEF7, lr;
	s5 =	simm.s32 $0xFFFFFFFF;
	p2 =	slt.u32 s8, $0xFFFFF086  }
0x1c: {  	p1 =	slt.u32 s9, $0xF7A;
	s5 =	simm.s32 @!p2 $0x0  }
0x1d: {  	s5 =	simm.s32 @p1 $0x1;
	p0 =	seq.s32 s7, s2  }
0x1e: {  	s7 =	smul.u32 @!p0 $0xF7A, s2;
	p2 =	seq.s32 @!p0 s5, $0x0  }
0x1f: {  	s9 =	smul.u32 $0xF7A, s1;
	s8 =	simm.s32 @!p0 $0x1BF5;
	p2 =	por !p2, p0  }
0x20: {  	[sflag:s8] =	ssyncset.s32 @!p0 $0xFFFFF086;
	s6 =	sadd.s32 @!p0 s3, s7;
	s7 =	simm.s32 @!p0 $0x108  }
0x21: {  	s3 =	sadd.s32 s3, s9;
	s6 =	sadd.s32 @!p0 $0x88, s6;
	s7 =	simm.s32 @p2 $0x1082  }
0x22: {  	[simem:s7], [sflag:s8] =	dma.local @!p0 [hbm:s6], $0xF7A  }
0x23: {  	s9 =	sor.u32 $0xD0000000, s2;
	s6 =	simm.s32 $0x108;
	_ =	swait.ge @!p0 [sflag:s8], $0x0  }
0x24: {  	s3 =	sadd.s32 $0x88, s3;
	s6 =	simm.s32 @!p1 $0x1082;
	[sflag:s4] =	ssyncset.s32 $0xFFFFF086  }
0x25: {  	[simem:s6], [sflag:s4] =	dma.local [hbm:s3], $0xF7A  }
0x26: {  	[smem:$0x3F9F] =	sst s1;
	(tag) =	ssettag s2;
	_ =	strace s9  }
0x27: {  	s1 =	sld [smem:$0x3FAF]  }
0x28: {  	s2 =	sld [smem:$0x3FB0]  }
0x29: {  	s4 =	sld [smem:$0x3FB2]  }
0x2a: {  	p0 =	seq.s32 s5, $0x0;
	s5 =	sld [smem:$0x3FB3]  }
0x2b: {  	s6 =	sld [smem:$0x3FB4]  }
0x2c: {  	s7 =	sld [smem:$0x3FB5]  }
0x2d: {  	s3 =	simm.s32 $0x108;
	s8 =	sld [smem:$0x3FB6]  }
0x2e: {  	s3 =	simm.s32 @!p0 $0x1082;
	s9 =	sld [smem:$0x3FB7]  }
0x2f: {  	lr =	sadd.s32 s0, s3;
	s0 =	sld [smem:$0x3FAE]  }
0x30: {  	s3 =	sld [smem:$0x3FB1]  }
0x31: {  	[smem:$0x3FBA] =	sst s10  }
0x32: {  	s10 =	sld [smem:$0x3FB8];
	_ =	sdelay $0x3  }
0x33: {  	p0 =	seq.s32 s10, $0x1;
	s10 =	sld [smem:$0x3FBA];
	_ =	sdelay $0x3  }
0x34: {  	[smem:$0x3FBA] =	sst s10  }
0x35: {  	s10 =	sld [smem:$0x3FB9];
	_ =	sdelay $0x3  }
0x36: {  	p1 =	seq.s32 s10, $0x1;
	s10 =	sld [smem:$0x3FBA];
	_ =	sdelay $0x3  }
0x37: {  	[smem:$0x3FBA] =	sst s10  }
0x38: {  	s10 =	sld [smem:$0x3FBB]  }
0x39: {  	_ = 	snop;
	(pc) =	sbr.ind lr, $3  }
0x3a: {  	_ = 	snop  }
0x3b: {  	_ = 	snop  }
0x3c: {  	p2 =	seq.s32 s10, $0x1;
	s10 =	sld [smem:$0x3FBA]  }
0x3d: {  	_ =	shalt  }
0x3e: {  	_ =	shalt  }
0x3f: {  	_ =	shalt  }
0x40: {  	_ =	shalt  }
0x41: {  	_ =	shalt  }
0x42: {  	_ =	shalt  }
0x43: {  	_ =	shalt  }
0x44: {  	_ =	shalt  }
0x45: {  	_ =	shalt  }
0x46: {  	_ =	shalt  }
0x47: {  	_ =	shalt  }
0x48: {  	_ =	shalt  }
0x49: {  	_ =	shalt  }
0x4a: {  	_ =	shalt  }
0x4b: {  	_ =	shalt  }
0x4c: {  	_ =	shalt  }
0x4d: {  	_ =	shalt  }
0x4e: {  	_ =	shalt  }
0x4f: {  	_ =	shalt  }
0x50: {  	_ =	shalt  }
0x51: {  	_ =	shalt  }
0x52: {  	_ =	shalt  }
0x53: {  	_ =	shalt  }
0x54: {  	_ =	shalt  }
0x55: {  	_ =	shalt  }
0x56: {  	_ =	shalt  }
0x57: {  	_ =	shalt  }
0x58: {  	_ =	shalt  }
0x59: {  	_ =	shalt  }
0x5a: {  	_ =	shalt  }
0x5b: {  	_ =	shalt  }
0x5c: {  	_ =	shalt  }
0x5d: {  	_ =	shalt  }
0x5e: {  	_ =	shalt  }
0x5f: {  	_ =	shalt  }
0x60: {  	_ =	shalt  }
0x61: {  	_ =	shalt  }
0x62: {  	_ =	shalt  }
0x63: {  	_ =	shalt  }
0x64: {  	_ =	shalt  }
0x65: {  	_ =	shalt  }
0x66: {  	_ =	shalt  }
0x67: {  	_ =	shalt  }
0x68: {  	_ =	shalt  }
0x69: {  	_ =	shalt  }
0x6a: {  	_ =	shalt  }
0x6b: {  	_ =	shalt  }
0x6c: {  	_ =	shalt  }
0x6d: {  	_ =	shalt  }
0x6e: {  	_ =	shalt  }
0x6f: {  	_ =	shalt  }
0x70: {  	_ =	shalt  }
0x71: {  	_ =	shalt  }
0x72: {  	_ =	shalt  }
0x73: {  	_ =	shalt  }
0x74: {  	_ =	shalt  }
0x75: {  	_ =	shalt  }
0x76: {  	_ =	shalt  }
0x77: {  	_ =	shalt  }
0x78: {  	_ =	shalt  }
0x79: {  	_ =	shalt  }
0x7a: {  	_ =	shalt  }
0x7b: {  	_ =	shalt  }
0x7c: {  	_ =	shalt  }
0x7d: {  	_ =	shalt  }
0x7e: {  	_ =	shalt  }
0x7f: {  	_ =	shalt  }
0x80: {  	_ =	shalt  }
0x81: {  	_ =	shalt  }
0x82: {  	_ =	shalt  }
0x83: {  	_ =	shalt  }
0x84: {  	_ =	shalt  }
0x85: {  	_ =	shalt  }
0x86: {  	_ =	shalt  }
0x87: {  	_ =	shalt  }
.Lfunc_end0:
.L_simem_size_0:
called_computation_lowered:
.L_overlay_start_0:
0x88: {  	s2 =	sld [smem:$0x3FD9]  }
0x89: {  	s3 =	sld [smem:$0x3FFE];
	_ =	sdelay $0x1  }
0x8a: {  	s1 =	srdreg.scid  }
0x8b: {  	s0 =	sand.u32 $0x1, s1  }
0x8c: {  	s17 =	sshll.u32 s0, $0xA;
	s2 =	sadd.s32 s3, s2  }
0x8d: {  	s2 =	sadd.s32 s2, s17  }
0x8e: {  	[smem:$0x3FC6] =	sst s2  }
0x8f: {  	_ = 	snop  }
0x90: {  	s2 =	sld [smem:$0x3FC8];
	(tm) =	ssettm $0x1  }
0x91: {  	s18 =	sld [smem:$0x3FFB];
	_ =	sdelay $0x3  }
0x92: {  	_ =	strace s18  }
0x93: {  	s3 =	sld [smem:$0x3FFC];
	_ =	sdelay $0x3  }
0x94: {  	_ =	strace s3  }
0x95: {  	s3 =	sld [smem:$0x3FFD];
	_ =	sdelay $0x3  }
0x96: {  	_ =	strace s3  }
0x97: {  	_ =	strace $0x8FFFFFFF  }
0x98: {  	s19 =	sld [smem:$0x3FDB];
	_ =	sdelay $0x1  }
0x99: {  	s4 =	simm.s32 $_scs_section_size  }
0x9a: {  	s5 =	simm.s32 $_size__tile_overlayer_lowered;
	s6 =	simm.s32 $_tile_overlayer_lowered  }
0x9b: {  	s22 =	simm.s32 $0x1BFF;
	s21 =	sshll.u32 s6, $0x1;
	s3 =	sadd.s32 s4, s19  }
0x9c: {  	s7 =	simm.s32 $0x0;
	s20 =	sshll.u32 s5, $0x1;
	s5 =	sadd.s32 s21, s3  }
0x9d: {  	[timem:s7], [sflag:s22] =	dma.local [hbm:s5], s20  }
0x9e: {  	_ =	swait.ge [sflag:s22], s20  }
0x9f: {  	s4 =	ssub.s32 $0x0, s20;
	[sflag:s22] =	ssyncset.done $0x0  }
0xa0: {  	[sflag:s22] =	ssyncadd.s32 s4;
	_ =	sdelay $0x1  }
0xa1: {  	s23 =	simm.s32 $0x1B8B  }
0xa2: {  	_ =	swait.ge [sflag:s23], $0x1  }
0xa3: {  	[sflag:s23] =	ssyncset.done $0x0  }
0xa4: {  	s25 =	simm.s32 $0x1B8E;
	s24 =	sld [smem:$0x3FFE];
	[sflag:s23] =	ssyncadd.s32 $0xFFFFFFFF  }
0xa5: {  	s26 =	simm.s32 $execute0_lowered;
	[smem:$0x3FD2] =	sst s25  }
0xa6: {  	s5 =	sshll.u32 s26, $0x1;
	_ =	strace $0x80000046;
	[dreg:$0x1] =	wrdreg $0xFFFFFFFF  }
0xa7: {  	s28 =	simm.s32 $_size_execute0_lowered;
	s3 =	sadd.s32 s3, s5;
	[dreg:$0x0] =	wrdreg $0x0  }
0xa8: {  	s5 =	sshll.u32 s28, $0x1;
	[dreg:$0x2] =	wrdreg s3  }
0xa9: {  	[dreg:$0x3] =	wrdreg s5  }
0xaa: {  	[dreg:$0x4] =	wrdreg $0xC0  }
0xab: {  	_ =	task [dreg:s7], $0x5FFFF  }
0xac: {  	[dreg:$0x1] =	wrdreg $0xFFFFFFFF  }
0xad: {  	[dreg:$0x0] =	wrdreg $0x60  }
0xae: {  	[dreg:$0x2] =	wrdreg s24  }
0xaf: {  	[dreg:$0x3] =	wrdreg s2  }
0xb0: {  	[dreg:$0x4] =	wrdreg $0x9  }
0xb1: {  	_ =	task.clear_ibuf [dreg:s7], $0x5FFFF;
	_ =	strace $0x90000046  }
0xb2: {  	s29 =	simm.s32 $0x9;
	_ =	strace $0x80000048  }
0xb3: {  	_ =	swait.ge [sflag:s29], $0x1  }
0xb4: {  	[sflag:s29] =	ssyncadd.s32 $0xFFFFFFFF  }
0xb5: {  	_ =	strace $0x90000048  }
0xb6: {  	_ =	sfence  }
0xb7: {  	s30 =	sld [smem:$0x0];
	_ =	sdelay $0x2  }
0xb8: {  	s31 =	sshll.u32 s1, $0xD;
	s1 =	sshrl.u32 s1, $0x2  }
0xb9: {  	s3 =	sand.u32 $0x4000, s31;
	s1 =	sadd.s32 s1, s30  }
0xba: {  	s0 =	sor.u32 s3, s0;
	s1 =	sshll.u32 s1, $0x11  }
0xbb: {  	s0 =	sor.u32 s1, s0  }
0xbc: {  	s0 =	sadd.s32 $0x8F2B, s0  }
0xbd: {  	[sflag:s0] =	ssyncadd.remote.s32 $0x1  }
0xbe: {  	_ =	sfence.sel $0xFFFF  }
0xbf: {  	[dreg:$0x0] =	wrdreg $0xFFFFFFFF;
	(pc) =	sbr.abs _section_cstart, $3  }
0xc0: {  	[dreg:$0x1] =	wrdreg $0xFFFFFFFF  }
0xc1: {  	_ =	task.clear_ibuf [dreg:s7], $0x2FFFF;
	_ =	strace $0x9FFFFFFF  }
0xc2: {  	(tm) =	ssettm $0x7FFFFFFF  }
0xc3: {  	_ =	shalt  }
tec
execute0_lowered:
.L_overlay_start_1:
0x0: {  	(tag) =	ssettag $0x1  }
0x1: {  	s0 =	srdreg.scid  }
0x2: {  	s2 =	stileid.u32;
	s1 =	rddreg [dreg:$0x0];
	s4 =	simm.s32 $0x0  }
0x3: {  	s15 =	simm.s32 $0x10800;
	s18 =	simm.s32 $0x11400;
	s20 =	simm.s32 $0x3  }
0x4: {  	s28 =	simm.s32 $0x13800;
	s17 =	simm.s32 $0x4;
	s8 =	simm.s32 $0x15000  }
0x5: {  	s9 =	simm.s32 $0x15C00;
	s10 =	simm.s32 $0x16800;
	s16 =	simm.s32 $0x17400  }
0x6: {  	s0 =	sand.u32 $0x1, s0;
	s2 =	sshll.u32 s2, $0xA;
	[smem:$0x7FF] =	sst s4  }
0x7: {  	s5 =	sadd.s32 $0x400, s1;
	s3 =	sshll.u32 s0, $0x9;
	s0 =	ssub.s32 $0x2, s0  }
0x8: {  	s7 =	sadd.s32 $0x600400, s1;
	s3 =	sor.u32 s3, s2;
	s6 =	sshrl.u32 s0, $0x1  }
0x9: {  	s1 =	simm.s32 $0x2;
	s2 =	smul.u32 $0x180, s3;
	s0 =	ssub.s32 s0, s6  }
0xa: {  	_ =	strace $0x80000047;
	s11 =	sor.u32 $0x10, s3;
	s0 =	smax.u32 s0, $0x1  }
0xb: {  	s12 =	sor.u32 $0x14, s3;
	s2 =	sadd.s32 s5, s2;
	[dreg:$0x7] =	wrdreg s0  }
0xc: {  	s13 =	sor.u32 $0x18, s3;
	s23 =	sadd.s32 $0xC00, s2;
	[dreg:$0x3] =	wrdreg s2  }
0xd: {  	s14 =	sor.u32 $0x1C, s3;
	s24 =	sadd.s32 $0x1200, s2;
	[dreg:$0x5] =	wrdreg s23  }
0xe: {  	s6 =	simm.s32 $0x14400;
	s25 =	sadd.s32 $0x180, s2;
	[dreg:$0x6] =	wrdreg s24  }
0xf: {  	s0 =	simm.s32 $0xF000;
	s26 =	sadd.s32 $0x300, s2;
	[dreg:$0x8] =	wrdreg s25  }
.Ltmp0:
0x10: {  	s29 =	sadd.s32 $0x480, s2;
	[dreg:$0x9] =	wrdreg s26;
	(pc) =	sbr.rel .LBB2_1-.Ltmp0, $4  }
0x11: {  	s22 =	sadd.s32 $0x600, s2;
	s2 =	simm.s32 $0xFC00;
	[dreg:$0xa] =	wrdreg s29  }
0x12: {  	s30 =	sadd.s32 $0x180, s22;
	[dreg:$0x4] =	wrdreg s22;
	s31 =	sadd.s32 $0x300, s22  }
0x13: {  	s24 =	simm.s32 $0x1;
	s22 =	simm.s32 $0x12000;
	[dreg:$0xb] =	wrdreg s30  }
0x14: {  	s25 =	simm.s32 $0x12C00;
	s23 =	simm.s32 $0x0;
	[dreg:$0xc] =	wrdreg s31  }
.LBB2_12:
0x15: {  	s19 =	simm.s32 $0x5  }
0x16: {  	_ =	swait.ge [sflag:s19], $0x2800  }
0x17: {  	[sflag:s19] =	ssyncset.done $0x0  }
0x18: {  	s29 =	simm.s32 $0x6;
	[sflag:s19] =	ssyncadd.s32 $0xFFFFD800  }
0x19: {  	_ =	swait.ge [sflag:s29], $0x2800  }
0x1a: {  	[sflag:s29] =	ssyncset.done $0x0  }
0x1b: {  	s30 =	simm.s32 $0x7;
	[sflag:s29] =	ssyncadd.s32 $0xFFFFD800  }
0x1c: {  	_ =	swait.ge [sflag:s30], $0x2800  }
0x1d: {  	[sflag:s30] =	ssyncset.done $0x0  }
0x1e: {  	s21 =	simm.s32 $0x8;
	[sflag:s30] =	ssyncadd.s32 $0xFFFFD800  }
0x1f: {  	_ =	swait.ge [sflag:s21], $0x2800  }
0x20: {  	s23 =	rddreg [dreg:$0xd]  }
0x21: {  	s31 =	rddreg [dreg:$0x7];
	s23 =	sadd.s32 $0x1, s23  }
0x22: {  	p0 =	sne.s32 s23, s31  }
.Ltmp1:
0x23: {  	_ = 	snop;
	(pc) =	sbr.rel @!p0 .LBB2_13-.Ltmp1, $3  }
0x24: {  	_ =	sdelay $0x1  }
0x25: {  	[sflag:s21] =	ssyncset.done $0x0  }
0x26: {  	[sflag:s21] =	ssyncadd.s32 $0xFFFFD800  }
.LBB2_1:
0x27: {  	[dreg:$0xd] =	wrdreg s23  }
0x28: {  	s19 =	rddreg [dreg:$0x1];
	s21 =	simm.s32 $0x18000;
	s26 =	simm.s32 $0x9  }
0x29: {  	[tilespmem:s21], [sflag:$0x9] =	stream.linear.gather [hbm4b:s19+s4], $0xA00, $0x38;
	[tilespmem:$0x18C00] =	vst v63  }
0x2a: {  	_ =	swait.ge [sflag:s26], $0xA00  }
0x2b: {  	[sflag:s26] =	ssyncset.done $0x0  }
0x2c: {  	s29 =	rddreg [dreg:$0x3];
	[sflag:s26] =	ssyncadd.s32 $0xFFFFF600  }
0x2d: {  	[tilespmem:s4], [sflag:$0x1] =	stream.linear.gather [hbm4b:s29+s4], $0xA00, $0x38;
	[tilespmem:$0x18C00] =	vst v63  }
0x2e: {  	s31 =	simm.s32 $0xC00;
	s30 =	rddreg [dreg:$0x8]  }
0x2f: {  	[tilespmem:s31], [sflag:$0x1] =	stream.linear.gather [hbm4b:s30+s4], $0xA00, $0x38;
	[tilespmem:$0x18C00] =	vst v63  }
0x30: {  	s23 =	rddreg [dreg:$0x9];
	s26 =	simm.s32 $0x1800  }
0x31: {  	[tilespmem:s26], [sflag:$0x1] =	stream.linear.gather [hbm4b:s23+s4], $0xA00, $0x38;
	[tilespmem:$0x18C00] =	vst v63  }
0x32: {  	s29 =	rddreg [dreg:$0xa];
	s30 =	simm.s32 $0x2400  }
0x33: {  	[tilespmem:s30], [sflag:$0x1] =	stream.linear.gather [hbm4b:s29+s4], $0xA00, $0x38;
	[tilespmem:$0x18C00] =	vst v63  }
0x34: {  	s19 =	rddreg [dreg:$0x4];
	s31 =	simm.s32 $0x3000  }
0x35: {  	[tilespmem:s31], [sflag:$0x2] =	stream.linear.gather [hbm4b:s19+s4], $0xA00, $0x38;
	[tilespmem:$0x18C00] =	vst v63  }
0x36: {  	s23 =	rddreg [dreg:$0xb];
	s26 =	simm.s32 $0x3C00  }
0x37: {  	[tilespmem:s26], [sflag:$0x2] =	stream.linear.gather [hbm4b:s23+s4], $0xA00, $0x38;
	[tilespmem:$0x18C00] =	vst v63  }
0x38: {  	s29 =	rddreg [dreg:$0xc];
	s30 =	simm.s32 $0x4800  }
0x39: {  	[tilespmem:s30], [sflag:$0x2] =	stream.linear.gather [hbm4b:s29+s4], $0xA00, $0x38;
	[tilespmem:$0x18C00] =	vst v63  }
0x3a: {  	s19 =	sadd.s32 $0x480, s19;
	s31 =	simm.s32 $0x5400  }
0x3b: {  	[tilespmem:s31], [sflag:$0x2] =	stream.linear.gather [hbm4b:s19+s4], $0xA00, $0x38;
	[tilespmem:$0x18C00] =	vst v63  }
0x3c: {  	s21 =	rddreg [dreg:$0x5];
	s23 =	simm.s32 $0x6000  }
0x3d: {  	[tilespmem:s23], [sflag:$0x3] =	stream.linear.gather [hbm4b:s21+s4], $0xA00, $0x38;
	[tilespmem:$0x18C00] =	vst v63  }
0x3e: {  	s26 =	sadd.s32 $0x180, s21;
	s29 =	simm.s32 $0x6C00  }
0x3f: {  	[tilespmem:s29], [sflag:$0x3] =	stream.linear.gather [hbm4b:s26+s4], $0xA00, $0x38;
	[tilespmem:$0x18C00] =	vst v63  }
0x40: {  	s30 =	sadd.s32 $0x300, s21;
	s31 =	simm.s32 $0x7800  }
0x41: {  	[tilespmem:s31], [sflag:$0x3] =	stream.linear.gather [hbm4b:s30+s4], $0xA00, $0x38;
	[tilespmem:$0x18C00] =	vst v63  }
0x42: {  	s23 =	sadd.s32 $0x480, s21;
	s26 =	simm.s32 $0x8400  }
0x43: {  	[tilespmem:s26], [sflag:$0x3] =	stream.linear.gather [hbm4b:s23+s4], $0xA00, $0x38;
	[tilespmem:$0x18C00] =	vst v63  }
0x44: {  	s21 =	rddreg [dreg:$0x6];
	s29 =	simm.s32 $0x9000  }
0x45: {  	[tilespmem:s29], [sflag:$0x4] =	stream.linear.gather [hbm4b:s21+s4], $0xA00, $0x38;
	[tilespmem:$0x18C00] =	vst v63  }
0x46: {  	s30 =	sadd.s32 $0x180, s21;
	s31 =	simm.s32 $0x9C00  }
0x47: {  	[tilespmem:s31], [sflag:$0x4] =	stream.linear.gather [hbm4b:s30+s4], $0xA00, $0x38;
	[tilespmem:$0x18C00] =	vst v63  }
0x48: {  	s26 =	sadd.s32 $0x300, s21;
	s29 =	simm.s32 $0xA800  }
0x49: {  	[tilespmem:s29], [sflag:$0x4] =	stream.linear.gather [hbm4b:s26+s4], $0xA00, $0x38;
	[tilespmem:$0x18C00] =	vst v63  }
0x4a: {  	s19 =	simm.s32 $0x0;
	s30 =	sadd.s32 $0x480, s21;
	s31 =	simm.s32 $0xB400  }
0x4b: {  	[tilespmem:s31], [sflag:$0x4] =	stream.linear.gather [hbm4b:s30+s4], $0xA00, $0x38;
	[tilespmem:$0x18C00] =	vst v63  }
.LBB2_2:
0x4c: {  	_ =	swait.ge [sflag:s24], $0x2800  }
0x4d: {  	p0 =	seq.s32 s19, $0x0;
	[sflag:s24] =	ssyncset.done $0x0  }
0x4e: {  	s21 =	simm.s32 @!p0 $0x5;
	[sflag:s24] =	ssyncadd.s32 $0xFFFFD800  }
0x4f: {  	_ =	swait.ge @!p0 [sflag:s21], $0x2800  }
0x50: {  	[sflag:s21] =	ssyncset.done @!p0 $0x0  }
0x51: {  	s26 =	simm.s32 $0x0;
	[sflag:s21] =	ssyncadd.s32 @!p0 $0xFFFFD800  }
0x52: {  	v0 =	vld [tilespmem:s26+$0x18070]  }
0x53: {  	v1 =	vld [tilespmem:s26+$0x2470]  }
0x54: {  	v2 =	vld [tilespmem:s26+$0x18000]  }
0x55: {  	v3 =	vld [tilespmem:s26+$0x0]  }
0x56: {  	v4 =	vld [tilespmem:s26+$0xC00]  }
0x57: {  	v5 =	vld [tilespmem:s26+$0x1800]  }
0x58: {  	v6 =	vld [tilespmem:s26+$0x2400]  }
0x59: {  	v7 =	vld [tilespmem:s26+$0x18010]  }
0x5a: {  	v8 =	vld [tilespmem:s26+$0x10];
	v1 =	vadd.f32 v1, v0  }
0x5b: {  	v9 =	vld [tilespmem:s26+$0x2450];
	v3 =	vadd.f32 v3, v2  }
0x5c: {  	v4 =	vadd.f32 v4, v2;
	[tilespmem:s26+$0xE470] =	vst v1;
	v1 =	vld [tilespmem:s26+$0xC10]  }
0x5d: {  	v5 =	vadd.f32 v5, v2;
	[tilespmem:s26+$0xC000] =	vst v3;
	v3 =	vld [tilespmem:s26+$0x1810]  }
0x5e: {  	v2 =	vadd.f32 v6, v2;
	[tilespmem:s26+$0xCC00] =	vst v4;
	v4 =	vld [tilespmem:s26+$0x2410]  }
0x5f: {  	v6 =	vld [tilespmem:s26+$0x20];
	[tilespmem:s26+$0xD800] =	vst v5  }
0x60: {  	v5 =	vld [tilespmem:s26+$0x18020];
	[tilespmem:s26+$0xE400] =	vst v2;
	v2 =	vadd.f32 v8, v7  }
0x61: {  	v8 =	vld [tilespmem:s26+$0xC20];
	v1 =	vadd.f32 v1, v7  }
0x62: {  	[tilespmem:s26+$0xC010] =	vst v2;
	v2 =	vld [tilespmem:s26+$0x1820];
	v3 =	vadd.f32 v3, v7  }
0x63: {  	v4 =	vadd.f32 v4, v7;
	v7 =	vld [tilespmem:s26+$0xC30];
	[tilespmem:s26+$0xCC10] =	vst v1  }
0x64: {  	v1 =	vld [tilespmem:s26+$0x2420];
	[tilespmem:s26+$0xD810] =	vst v3  }
0x65: {  	v3 =	vld [tilespmem:s26+$0x18030];
	[tilespmem:s26+$0xE410] =	vst v4;
	v4 =	vadd.f32 v6, v5  }
0x66: {  	v8 =	vadd.f32 v8, v5;
	v6 =	vld [tilespmem:s26+$0x30]  }
0x67: {  	v2 =	vadd.f32 v2, v5;
	[tilespmem:s26+$0xC020] =	vst v4;
	v4 =	vld [tilespmem:s26+$0x1830]  }
0x68: {  	[tilespmem:s26+$0xCC20] =	vst v8;
	v8 =	vld [tilespmem:s26+$0x2430]  }
0x69: {  	[tilespmem:s26+$0xD820] =	vst v2;
	v2 =	vld [tilespmem:s26+$0x18040];
	v1 =	vadd.f32 v1, v5  }
0x6a: {  	v5 =	vld [tilespmem:s26+$0x40];
	v7 =	vadd.f32 v7, v3  }
0x6b: {  	[tilespmem:s26+$0xE420] =	vst v1;
	v1 =	vadd.f32 v6, v3;
	v6 =	vld [tilespmem:s26+$0xC40]  }
0x6c: {  	v4 =	vadd.f32 v4, v3;
	[tilespmem:s26+$0xCC30] =	vst v7;
	v7 =	vld [tilespmem:s26+$0x2440]  }
0x6d: {  	v3 =	vadd.f32 v8, v3;
	[tilespmem:s26+$0xC030] =	vst v1;
	v1 =	vld [tilespmem:s26+$0x1840]  }
0x6e: {  	[tilespmem:s26+$0xD830] =	vst v4;
	v4 =	vld [tilespmem:s26+$0x18050]  }
0x6f: {  	[tilespmem:s26+$0xE430] =	vst v3;
	v3 =	vadd.f32 v5, v2;
	v5 =	vld [tilespmem:s26+$0x50]  }
0x70: {  	v8 =	vld [tilespmem:s26+$0xC50];
	v6 =	vadd.f32 v6, v2  }
0x71: {  	[tilespmem:s26+$0xC040] =	vst v3;
	v3 =	vld [tilespmem:s26+$0x1850]  }
0x72: {  	v1 =	vadd.f32 v1, v2;
	[tilespmem:s26+$0xCC40] =	vst v6;
	v6 =	vadd.f32 v7, v2;
	v2 =	vld [tilespmem:s26+$0x18060]  }
0x73: {  	v7 =	vld [tilespmem:s26+$0x60]  }
0x74: {  	v10 =	vld [tilespmem:s26+$0xC60];
	[tilespmem:s26+$0xD840] =	vst v1;
	v1 =	vadd.f32 v5, v4  }
0x75: {  	[tilespmem:s26+$0xE440] =	vst v6;
	v5 =	vadd.f32 v8, v4;
	v8 =	vld [tilespmem:s26+$0x1860]  }
0x76: {  	v6 =	vld [tilespmem:s26+$0x2460];
	[tilespmem:s26+$0xC050] =	vst v1;
	v1 =	vadd.f32 v3, v4;
	v3 =	vadd.f32 v9, v4  }
0x77: {  	[tilespmem:s26+$0xCC50] =	vst v5;
	v5 =	vld [tilespmem:s26+$0x70]  }
0x78: {  	v9 =	vadd.f32 v7, v2;
	[tilespmem:s26+$0xE450] =	vst v3;
	v3 =	vld [tilespmem:s26+$0xC70]  }
0x79: {  	s29 =	simm.s32 $0x80;
	s21 =	sshll.u32 s19, $0x4;
	v4 =	vld [tilespmem:s26+$0x1870];
	v7 =	vadd.f32 v10, v2;
	[tilespmem:s26+$0xD850] =	vst v1  }
0x7a: {  	s30 =	simm.s32 $0x400;
	s23 =	sadd.s32 s3, s21;
	v1 =	vld [tilespmem:s29+$0x18070];
	[tilespmem:s26+$0xC060] =	vst v9;
	v8 =	vadd.f32 v8, v2  }
.LBB2_3:
0x7b: {  	p1 =	sne.s32 s30, $0x2600;
	v9 =	vld [tilespmem:s29+$0x2470];
	[tilespmem:s26+$0xCC60] =	vst v7;
	v2 =	vadd.f32 v6, v2  }
0x7c: {  	v6 =	vld [tilespmem:s29+$0x18000];
	[tilespmem:s26+$0xD860] =	vst v8;
	v5 =	vadd.f32 v5, v0  }
0x7d: {  	v7 =	vld [tilespmem:s29+$0x0];
	[tilespmem:s26+$0xE460] =	vst v2;
	v2 =	vadd.f32 v3, v0  }
0x7e: {  	v3 =	vld [tilespmem:s29+$0xC00];
	[tilespmem:s26+$0xC070] =	vst v5;
	v4 =	vadd.f32 v4, v0  }
0x7f: {  	v5 =	vld [tilespmem:s29+$0x1800];
	[tilespmem:s26+$0xCC70] =	vst v2;
	v0 =	vmov v1  }
0x80: {  	v1 =	vld [tilespmem:s29+$0x2400];
	v2 =	vadd.f32 v9, v0;
	[tilespmem:s26+$0xD870] =	vst v4;
	s26 =	smov.u32 s29  }
0x81: {  	v4 =	vld [tilespmem:s26+$0x18010]  }
0x82: {  	v7 =	vadd.f32 v7, v6;
	v8 =	vld [tilespmem:s26+$0x10];
	[tilespmem:s26+$0xE470] =	vst v2  }
0x83: {  	v2 =	vadd.f32 v3, v6;
	v3 =	vld [tilespmem:s26+$0xC10]  }
0x84: {  	[tilespmem:s26+$0xC000] =	vst v7;
	v5 =	vadd.f32 v5, v6;
	v7 =	vld [tilespmem:s26+$0x1810]  }
0x85: {  	[tilespmem:s26+$0xCC00] =	vst v2;
	v1 =	vadd.f32 v1, v6;
	v2 =	vld [tilespmem:s26+$0x2410]  }
0x86: {  	[tilespmem:s26+$0xD800] =	vst v5;
	v5 =	vld [tilespmem:s26+$0x18020]  }
0x87: {  	[tilespmem:s26+$0xE400] =	vst v1;
	v1 =	vadd.f32 v8, v4;
	v6 =	vld [tilespmem:s26+$0x20]  }
0x88: {  	v3 =	vadd.f32 v3, v4;
	v8 =	vld [tilespmem:s26+$0xC20]  }
0x89: {  	[tilespmem:s26+$0xC010] =	vst v1;
	v1 =	vadd.f32 v7, v4;
	v7 =	vld [tilespmem:s26+$0x1820]  }
0x8a: {  	[tilespmem:s26+$0xCC10] =	vst v3;
	v2 =	vadd.f32 v2, v4;
	v3 =	vld [tilespmem:s26+$0x2420]  }
0x8b: {  	[tilespmem:s26+$0xD810] =	vst v1;
	v1 =	vld [tilespmem:s26+$0x18030]  }
0x8c: {  	[tilespmem:s26+$0xE410] =	vst v2;
	v2 =	vadd.f32 v6, v5;
	v4 =	vld [tilespmem:s26+$0x30]  }
0x8d: {  	v6 =	vadd.f32 v8, v5;
	v8 =	vld [tilespmem:s26+$0xC30]  }
0x8e: {  	[tilespmem:s26+$0xC020] =	vst v2;
	v2 =	vadd.f32 v7, v5;
	v7 =	vld [tilespmem:s26+$0x1830]  }
0x8f: {  	[tilespmem:s26+$0xCC20] =	vst v6;
	v3 =	vadd.f32 v3, v5;
	v5 =	vld [tilespmem:s26+$0x2430]  }
0x90: {  	[tilespmem:s26+$0xD820] =	vst v2;
	v2 =	vld [tilespmem:s26+$0x18040]  }
0x91: {  	[tilespmem:s26+$0xE420] =	vst v3;
	v3 =	vadd.f32 v4, v1;
	v4 =	vld [tilespmem:s26+$0x40]  }
0x92: {  	v6 =	vadd.f32 v8, v1;
	v8 =	vld [tilespmem:s26+$0xC40]  }
0x93: {  	[tilespmem:s26+$0xC030] =	vst v3;
	v3 =	vadd.f32 v7, v1;
	v7 =	vld [tilespmem:s26+$0x1840]  }
0x94: {  	[tilespmem:s26+$0xCC30] =	vst v6;
	v1 =	vadd.f32 v5, v1;
	v5 =	vld [tilespmem:s26+$0x2440]  }
0x95: {  	[tilespmem:s26+$0xD830] =	vst v3;
	v3 =	vld [tilespmem:s26+$0x18050]  }
0x96: {  	[tilespmem:s26+$0xE430] =	vst v1;
	v1 =	vadd.f32 v4, v2;
	v4 =	vld [tilespmem:s26+$0x50]  }
0x97: {  	v6 =	vadd.f32 v8, v2;
	v8 =	vld [tilespmem:s26+$0xC50]  }
0x98: {  	[tilespmem:s26+$0xC040] =	vst v1;
	v1 =	vadd.f32 v7, v2;
	v7 =	vld [tilespmem:s26+$0x1850]  }
0x99: {  	[tilespmem:s26+$0xCC40] =	vst v6;
	v5 =	vadd.f32 v5, v2;
	v6 =	vld [tilespmem:s26+$0x2450]  }
0x9a: {  	[tilespmem:s26+$0xD840] =	vst v1;
	v2 =	vld [tilespmem:s26+$0x18060]  }
0x9b: {  	[tilespmem:s26+$0xE440] =	vst v5;
	v1 =	vadd.f32 v4, v3;
	v4 =	vld [tilespmem:s26+$0x60]  }
0x9c: {  	v5 =	vadd.f32 v8, v3;
	v8 =	vld [tilespmem:s26+$0xC60]  }
0x9d: {  	[tilespmem:s26+$0xC050] =	vst v1;
	v1 =	vadd.f32 v7, v3;
	v9 =	vld [tilespmem:s26+$0x1860]  }
.Ltmp2:
0x9e: {  	[tilespmem:s26+$0xCC50] =	vst v5;
	v3 =	vadd.f32 v6, v3;
	v6 =	vld [tilespmem:s26+$0x2460];
	(pc) =	sbr.rel @p1 .LBB2_3-.Ltmp2, $4  }
0x9f: {  	[tilespmem:s26+$0xD850] =	vst v1;
	v5 =	vld [tilespmem:s26+$0x70]  }
0xa0: {  	[tilespmem:s26+$0xE450] =	vst v3;
	v10 =	vadd.f32 v4, v2;
	v3 =	vld [tilespmem:s26+$0xC70]  }
0xa1: {  	s29 =	sshra.s32 s30, $0x2;
	v7 =	vadd.f32 v8, v2;
	v4 =	vld [tilespmem:s26+$0x1870]  }
0xa2: {  	s30 =	sadd.s32 $0x200, s30;
	v1 =	vld [tilespmem:s29+$0x18070];
	[tilespmem:s26+$0xC060] =	vst v10;
	v8 =	vadd.f32 v9, v2  }
0xa3: {  	v9 =	vld [tilespmem:s29+$0x2470];
	[tilespmem:s26+$0xCC60] =	vst v7;
	v2 =	vadd.f32 v6, v2  }
0xa4: {  	v7 =	vld [tilespmem:s29+$0x18000];
	[tilespmem:s26+$0xD860] =	vst v8;
	v5 =	vadd.f32 v5, v0  }
0xa5: {  	v6 =	vld [tilespmem:s29+$0x0];
	[tilespmem:s26+$0xE460] =	vst v2;
	v3 =	vadd.f32 v3, v0  }
0xa6: {  	v2 =	vld [tilespmem:s29+$0xC00];
	[tilespmem:s26+$0xC070] =	vst v5;
	v0 =	vadd.f32 v4, v0  }
0xa7: {  	v5 =	vld [tilespmem:s29+$0x1800];
	[tilespmem:s26+$0xCC70] =	vst v3  }
0xa8: {  	v3 =	vld [tilespmem:s29+$0x2400];
	[tilespmem:s26+$0xD870] =	vst v0  }
0xa9: {  	v0 =	vadd.f32 v9, v1;
	v4 =	vld [tilespmem:s29+$0x18010]  }
0xaa: {  	v8 =	vld [tilespmem:s29+$0x10];
	v6 =	vadd.f32 v6, v7  }
0xab: {  	[tilespmem:s29+$0xE470] =	vst v0;
	v0 =	vld [tilespmem:s29+$0xC10];
	v2 =	vadd.f32 v2, v7  }
0xac: {  	[tilespmem:s29+$0xC000] =	vst v6;
	v6 =	vld [tilespmem:s29+$0x1810];
	v5 =	vadd.f32 v5, v7  }
0xad: {  	[tilespmem:s29+$0xCC00] =	vst v2;
	v2 =	vld [tilespmem:s29+$0x2410];
	v3 =	vadd.f32 v3, v7  }
0xae: {  	v7 =	vld [tilespmem:s29+$0x20];
	[tilespmem:s29+$0xD800] =	vst v5  }
0xaf: {  	v5 =	vld [tilespmem:s29+$0x18020];
	[tilespmem:s29+$0xE400] =	vst v3;
	v3 =	vadd.f32 v8, v4  }
0xb0: {  	v8 =	vld [tilespmem:s29+$0xC20];
	v0 =	vadd.f32 v0, v4  }
0xb1: {  	[tilespmem:s29+$0xC010] =	vst v3;
	v3 =	vld [tilespmem:s29+$0x1820];
	v6 =	vadd.f32 v6, v4  }
0xb2: {  	[tilespmem:s29+$0xCC10] =	vst v0;
	v0 =	vld [tilespmem:s29+$0x2420];
	v2 =	vadd.f32 v2, v4  }
0xb3: {  	v4 =	vld [tilespmem:s29+$0x18030];
	[tilespmem:s29+$0xD810] =	vst v6  }
0xb4: {  	v6 =	vld [tilespmem:s29+$0x30];
	[tilespmem:s29+$0xE410] =	vst v2;
	v2 =	vadd.f32 v7, v5  }
0xb5: {  	v7 =	vld [tilespmem:s29+$0xC30];
	v8 =	vadd.f32 v8, v5  }
0xb6: {  	[tilespmem:s29+$0xC020] =	vst v2;
	v2 =	vld [tilespmem:s29+$0x1830];
	v3 =	vadd.f32 v3, v5  }
0xb7: {  	[tilespmem:s29+$0xCC20] =	vst v8;
	v8 =	vld [tilespmem:s29+$0x2430];
	v0 =	vadd.f32 v0, v5  }
0xb8: {  	v5 =	vld [tilespmem:s29+$0x40];
	[tilespmem:s29+$0xD820] =	vst v3  }
0xb9: {  	v3 =	vld [tilespmem:s29+$0x18040];
	[tilespmem:s29+$0xE420] =	vst v0;
	v0 =	vadd.f32 v6, v4  }
0xba: {  	v6 =	vld [tilespmem:s29+$0xC40];
	v7 =	vadd.f32 v7, v4  }
0xbb: {  	[tilespmem:s29+$0xC030] =	vst v0;
	v0 =	vld [tilespmem:s29+$0x1840];
	v2 =	vadd.f32 v2, v4  }
0xbc: {  	[tilespmem:s29+$0xCC30] =	vst v7;
	v7 =	vld [tilespmem:s29+$0x2440];
	v4 =	vadd.f32 v8, v4  }
0xbd: {  	[tilespmem:s29+$0xD830] =	vst v2;
	v2 =	vld [tilespmem:s29+$0x18050]  }
0xbe: {  	[tilespmem:s29+$0xE430] =	vst v4;
	v4 =	vadd.f32 v5, v3;
	v5 =	vld [tilespmem:s29+$0x50]  }
0xbf: {  	v8 =	vld [tilespmem:s29+$0xC50];
	v6 =	vadd.f32 v6, v3  }
0xc0: {  	[tilespmem:s29+$0xC040] =	vst v4;
	v4 =	vld [tilespmem:s29+$0x1850];
	v0 =	vadd.f32 v0, v3  }
0xc1: {  	[tilespmem:s29+$0xCC40] =	vst v6;
	v6 =	vld [tilespmem:s29+$0x2450];
	v3 =	vadd.f32 v7, v3  }
0xc2: {  	[tilespmem:s29+$0xD840] =	vst v0;
	v0 =	vld [tilespmem:s29+$0x18060]  }
0xc3: {  	[tilespmem:s29+$0xE440] =	vst v3;
	v3 =	vadd.f32 v5, v2;
	v5 =	vld [tilespmem:s29+$0x60]  }
0xc4: {  	v7 =	vld [tilespmem:s29+$0xC60];
	v8 =	vadd.f32 v8, v2  }
0xc5: {  	[tilespmem:s29+$0xC050] =	vst v3;
	v3 =	vld [tilespmem:s29+$0x1860];
	v4 =	vadd.f32 v4, v2  }
0xc6: {  	[tilespmem:s29+$0xCC50] =	vst v8;
	v8 =	vld [tilespmem:s29+$0x2460];
	v2 =	vadd.f32 v6, v2  }
0xc7: {  	[tilespmem:s29+$0xD850] =	vst v4;
	v4 =	vld [tilespmem:s29+$0x70]  }
0xc8: {  	[tilespmem:s29+$0xE450] =	vst v2;
	v2 =	vadd.f32 v5, v0;
	v5 =	vld [tilespmem:s29+$0xC70]  }
0xc9: {  	v6 =	vadd.f32 v7, v0;
	v7 =	vld [tilespmem:s29+$0x1870]  }
0xca: {  	[tilespmem:s29+$0xC060] =	vst v2;
	v2 =	vadd.f32 v3, v0  }
0xcb: {  	[tilespmem:s29+$0xCC60] =	vst v6;
	v0 =	vadd.f32 v8, v0  }
0xcc: {  	[tilespmem:s29+$0xD860] =	vst v2;
	v2 =	vadd.f32 v4, v1  }
0xcd: {  	[tilespmem:s29+$0xE460] =	vst v0;
	v0 =	vadd.f32 v5, v1  }
0xce: {  	s23 =	smul.u32 $0x180, s23;
	v1 =	vadd.f32 v7, v1;
	[tilespmem:s29+$0xC070] =	vst v2  }
0xcf: {  	[tilespmem:s29+$0xCC70] =	vst v0  }
0xd0: {  	s23 =	sadd.s32 s7, s23;
	s26 =	simm.s32 $0xC000;
	[tilespmem:s29+$0xD870] =	vst v1  }
0xd1: {  	[hbm4b:s23+s4] =	stream.linear.scatter [tilespmem:s26], [sflag:$0x5], $0xA00, $0x38;
	[tilespmem:$0x18C00] =	vst v63  }
0xd2: {  	s29 =	simm.s32 $0xCC00;
	s26 =	sadd.s32 $0x180, s23  }
0xd3: {  	[hbm4b:s26+s4] =	stream.linear.scatter [tilespmem:s29], [sflag:$0x5], $0xA00, $0x38;
	[tilespmem:$0x18C00] =	vst v63  }
0xd4: {  	p1 =	seq.s32 s19, $0x1F;
	s26 =	sadd.s32 $0x300, s23;
	s29 =	simm.s32 $0xD800  }
0xd5: {  	[hbm4b:s26+s4] =	stream.linear.scatter [tilespmem:s29], [sflag:$0x5], $0xA00, $0x38;
	[tilespmem:$0x18C00] =	vst v63  }
0xd6: {  	s26 =	sadd.s32 @!p1 s21, s11  }
0xd7: {  	s23 =	sadd.s32 $0x480, s23;
	s29 =	simm.s32 $0xE400;
	s26 =	smul.u32 @!p1 $0x180, s26  }
0xd8: {  	[hbm4b:s23+s4] =	stream.linear.scatter [tilespmem:s29], [sflag:$0x5], $0xA00, $0x38;
	[tilespmem:$0x18C00] =	vst v63  }
0xd9: {  	s23 =	sadd.s32 @!p1 s5, s26;
	s26 =	simm.s32 @!p1 $0x0  }
0xda: {  	[tilespmem:s26], [sflag:$0x1] =	stream.linear.gather @!p1 [hbm4b:s23+s26], $0xA00, $0x38;
	[tilespmem:$0x18C00] =	vst v63  }
0xdb: {  	s30 =	simm.s32 @!p1 $0xC00;
	s29 =	sadd.s32 @!p1 $0x180, s23  }
0xdc: {  	[tilespmem:s30], [sflag:$0x1] =	stream.linear.gather @!p1 [hbm4b:s29+s26], $0xA00, $0x38;
	[tilespmem:$0x18C00] =	vst v63  }
0xdd: {  	s29 =	sadd.s32 @!p1 $0x300, s23;
	s30 =	simm.s32 @!p1 $0x1800  }
0xde: {  	[tilespmem:s30], [sflag:$0x1] =	stream.linear.gather @!p1 [hbm4b:s29+s26], $0xA00, $0x38;
	[tilespmem:$0x18C00] =	vst v63  }
0xdf: {  	s23 =	sadd.s32 @!p1 $0x480, s23;
	s29 =	simm.s32 @!p1 $0x2400  }
0xe0: {  	[tilespmem:s29], [sflag:$0x1] =	stream.linear.gather @!p1 [hbm4b:s23+s26], $0xA00, $0x38;
	[tilespmem:$0x18C00] =	vst v63  }
0xe1: {  	_ =	swait.ge [sflag:s1], $0x2800  }
0xe2: {  	[sflag:s1] =	ssyncset.done $0x0  }
0xe3: {  	s23 =	simm.s32 @!p0 $0x6;
	[sflag:s1] =	ssyncadd.s32 $0xFFFFD800  }
0xe4: {  	_ =	swait.ge @!p0 [sflag:s23], $0x2800  }
0xe5: {  	[sflag:s23] =	ssyncset.done @!p0 $0x0  }
0xe6: {  	s29 =	simm.s32 $0x0;
	[sflag:s23] =	ssyncadd.s32 @!p0 $0xFFFFD800  }
0xe7: {  	v0 =	vld [tilespmem:s29+$0x18070]  }
0xe8: {  	v1 =	vld [tilespmem:s29+$0x5470]  }
0xe9: {  	v2 =	vld [tilespmem:s29+$0x18000]  }
0xea: {  	v3 =	vld [tilespmem:s29+$0x3000]  }
0xeb: {  	v4 =	vld [tilespmem:s29+$0x3C00]  }
0xec: {  	v5 =	vld [tilespmem:s29+$0x4800]  }
0xed: {  	v6 =	vld [tilespmem:s29+$0x5400]  }
0xee: {  	v7 =	vld [tilespmem:s29+$0x18010]  }
0xef: {  	v8 =	vld [tilespmem:s29+$0x3010];
	v1 =	vadd.f32 v1, v0  }
0xf0: {  	v9 =	vld [tilespmem:s29+$0x5450];
	v3 =	vadd.f32 v3, v2  }
0xf1: {  	v4 =	vadd.f32 v4, v2;
	[tilespmem:s29+$0x11470] =	vst v1;
	v1 =	vld [tilespmem:s29+$0x3C10]  }
0xf2: {  	v5 =	vadd.f32 v5, v2;
	[tilespmem:s29+$0xF000] =	vst v3;
	v3 =	vld [tilespmem:s29+$0x4810]  }
0xf3: {  	v2 =	vadd.f32 v6, v2;
	[tilespmem:s29+$0xFC00] =	vst v4;
	v4 =	vld [tilespmem:s29+$0x5410]  }
0xf4: {  	v6 =	vld [tilespmem:s29+$0x3020];
	[tilespmem:s29+$0x10800] =	vst v5  }
0xf5: {  	v5 =	vld [tilespmem:s29+$0x18020];
	[tilespmem:s29+$0x11400] =	vst v2;
	v2 =	vadd.f32 v8, v7  }
0xf6: {  	v8 =	vld [tilespmem:s29+$0x3C20];
	v1 =	vadd.f32 v1, v7  }
0xf7: {  	[tilespmem:s29+$0xF010] =	vst v2;
	v2 =	vld [tilespmem:s29+$0x4820];
	v3 =	vadd.f32 v3, v7  }
0xf8: {  	v4 =	vadd.f32 v4, v7;
	v7 =	vld [tilespmem:s29+$0x3C30];
	[tilespmem:s29+$0xFC10] =	vst v1  }
0xf9: {  	v1 =	vld [tilespmem:s29+$0x5420];
	[tilespmem:s29+$0x10810] =	vst v3  }
0xfa: {  	v3 =	vld [tilespmem:s29+$0x18030];
	[tilespmem:s29+$0x11410] =	vst v4;
	v4 =	vadd.f32 v6, v5  }
0xfb: {  	v8 =	vadd.f32 v8, v5;
	v6 =	vld [tilespmem:s29+$0x3030]  }
0xfc: {  	v2 =	vadd.f32 v2, v5;
	[tilespmem:s29+$0xF020] =	vst v4;
	v4 =	vld [tilespmem:s29+$0x4830]  }
0xfd: {  	[tilespmem:s29+$0xFC20] =	vst v8;
	v8 =	vld [tilespmem:s29+$0x5430]  }
0xfe: {  	[tilespmem:s29+$0x10820] =	vst v2;
	v2 =	vld [tilespmem:s29+$0x18040];
	v1 =	vadd.f32 v1, v5  }
0xff: {  	v5 =	vld [tilespmem:s29+$0x3040];
	v7 =	vadd.f32 v7, v3  }
0x100: {  	[tilespmem:s29+$0x11420] =	vst v1;
	v1 =	vadd.f32 v6, v3;
	v6 =	vld [tilespmem:s29+$0x3C40]  }
0x101: {  	v4 =	vadd.f32 v4, v3;
	[tilespmem:s29+$0xFC30] =	vst v7;
	v7 =	vld [tilespmem:s29+$0x5440]  }
0x102: {  	v3 =	vadd.f32 v8, v3;
	[tilespmem:s29+$0xF030] =	vst v1;
	v1 =	vld [tilespmem:s29+$0x4840]  }
0x103: {  	[tilespmem:s29+$0x10830] =	vst v4;
	v4 =	vld [tilespmem:s29+$0x18050]  }
0x104: {  	[tilespmem:s29+$0x11430] =	vst v3;
	v3 =	vadd.f32 v5, v2;
	v5 =	vld [tilespmem:s29+$0x3050]  }
0x105: {  	v8 =	vld [tilespmem:s29+$0x3C50];
	v6 =	vadd.f32 v6, v2  }
0x106: {  	[tilespmem:s29+$0xF040] =	vst v3;
	v3 =	vld [tilespmem:s29+$0x4850]  }
0x107: {  	v1 =	vadd.f32 v1, v2;
	[tilespmem:s29+$0xFC40] =	vst v6;
	v6 =	vadd.f32 v7, v2;
	v2 =	vld [tilespmem:s29+$0x18060]  }
0x108: {  	v7 =	vld [tilespmem:s29+$0x3060]  }
0x109: {  	v10 =	vld [tilespmem:s29+$0x3C60];
	[tilespmem:s29+$0x10840] =	vst v1;
	v1 =	vadd.f32 v5, v4  }
0x10a: {  	[tilespmem:s29+$0x11440] =	vst v6;
	v5 =	vadd.f32 v8, v4;
	v8 =	vld [tilespmem:s29+$0x4860]  }
0x10b: {  	v6 =	vld [tilespmem:s29+$0x5460];
	[tilespmem:s29+$0xF050] =	vst v1;
	v1 =	vadd.f32 v3, v4;
	v3 =	vadd.f32 v9, v4  }
0x10c: {  	[tilespmem:s29+$0xFC50] =	vst v5;
	v5 =	vld [tilespmem:s29+$0x3070]  }
0x10d: {  	v9 =	vadd.f32 v7, v2;
	[tilespmem:s29+$0x11450] =	vst v3;
	v3 =	vld [tilespmem:s29+$0x3C70]  }
0x10e: {  	s30 =	simm.s32 $0x80;
	s23 =	sadd.s32 s21, s3;
	v4 =	vld [tilespmem:s29+$0x4870];
	v7 =	vadd.f32 v10, v2;
	[tilespmem:s29+$0x10850] =	vst v1  }
0x10f: {  	s31 =	simm.s32 $0x400;
	s26 =	sadd.s32 $0x4, s23;
	v1 =	vld [tilespmem:s30+$0x18070];
	[tilespmem:s29+$0xF060] =	vst v9;
	v8 =	vadd.f32 v8, v2  }
.LBB2_5:
0x110: {  	p2 =	sne.s32 s31, $0x2600;
	v9 =	vld [tilespmem:s30+$0x5470];
	[tilespmem:s29+$0xFC60] =	vst v7;
	v2 =	vadd.f32 v6, v2  }
0x111: {  	v6 =	vld [tilespmem:s30+$0x18000];
	[tilespmem:s29+$0x10860] =	vst v8;
	v5 =	vadd.f32 v5, v0  }
0x112: {  	v7 =	vld [tilespmem:s30+$0x3000];
	[tilespmem:s29+$0x11460] =	vst v2;
	v2 =	vadd.f32 v3, v0  }
0x113: {  	v3 =	vld [tilespmem:s30+$0x3C00];
	[tilespmem:s29+$0xF070] =	vst v5;
	v4 =	vadd.f32 v4, v0  }
0x114: {  	v5 =	vld [tilespmem:s30+$0x4800];
	[tilespmem:s29+$0xFC70] =	vst v2;
	v0 =	vmov v1  }
0x115: {  	v1 =	vld [tilespmem:s30+$0x5400];
	v2 =	vadd.f32 v9, v0;
	[tilespmem:s29+$0x10870] =	vst v4;
	s29 =	smov.u32 s30  }
0x116: {  	v4 =	vld [tilespmem:s29+$0x18010]  }
0x117: {  	v7 =	vadd.f32 v7, v6;
	v8 =	vld [tilespmem:s29+$0x3010];
	[tilespmem:s29+$0x11470] =	vst v2  }
0x118: {  	v2 =	vadd.f32 v3, v6;
	v3 =	vld [tilespmem:s29+$0x3C10]  }
0x119: {  	[tilespmem:s29+$0xF000] =	vst v7;
	v5 =	vadd.f32 v5, v6;
	v7 =	vld [tilespmem:s29+$0x4810]  }
0x11a: {  	[tilespmem:s29+$0xFC00] =	vst v2;
	v1 =	vadd.f32 v1, v6;
	v2 =	vld [tilespmem:s29+$0x5410]  }
0x11b: {  	[tilespmem:s29+$0x10800] =	vst v5;
	v5 =	vld [tilespmem:s29+$0x18020]  }
0x11c: {  	[tilespmem:s29+$0x11400] =	vst v1;
	v1 =	vadd.f32 v8, v4;
	v6 =	vld [tilespmem:s29+$0x3020]  }
0x11d: {  	v3 =	vadd.f32 v3, v4;
	v8 =	vld [tilespmem:s29+$0x3C20]  }
0x11e: {  	[tilespmem:s29+$0xF010] =	vst v1;
	v1 =	vadd.f32 v7, v4;
	v7 =	vld [tilespmem:s29+$0x4820]  }
0x11f: {  	[tilespmem:s29+$0xFC10] =	vst v3;
	v2 =	vadd.f32 v2, v4;
	v3 =	vld [tilespmem:s29+$0x5420]  }
0x120: {  	[tilespmem:s29+$0x10810] =	vst v1;
	v1 =	vld [tilespmem:s29+$0x18030]  }
0x121: {  	[tilespmem:s29+$0x11410] =	vst v2;
	v2 =	vadd.f32 v6, v5;
	v4 =	vld [tilespmem:s29+$0x3030]  }
0x122: {  	v6 =	vadd.f32 v8, v5;
	v8 =	vld [tilespmem:s29+$0x3C30]  }
0x123: {  	[tilespmem:s29+$0xF020] =	vst v2;
	v2 =	vadd.f32 v7, v5;
	v7 =	vld [tilespmem:s29+$0x4830]  }
0x124: {  	[tilespmem:s29+$0xFC20] =	vst v6;
	v3 =	vadd.f32 v3, v5;
	v5 =	vld [tilespmem:s29+$0x5430]  }
0x125: {  	[tilespmem:s29+$0x10820] =	vst v2;
	v2 =	vld [tilespmem:s29+$0x18040]  }
0x126: {  	[tilespmem:s29+$0x11420] =	vst v3;
	v3 =	vadd.f32 v4, v1;
	v4 =	vld [tilespmem:s29+$0x3040]  }
0x127: {  	v6 =	vadd.f32 v8, v1;
	v8 =	vld [tilespmem:s29+$0x3C40]  }
0x128: {  	[tilespmem:s29+$0xF030] =	vst v3;
	v3 =	vadd.f32 v7, v1;
	v7 =	vld [tilespmem:s29+$0x4840]  }
0x129: {  	[tilespmem:s29+$0xFC30] =	vst v6;
	v1 =	vadd.f32 v5, v1;
	v5 =	vld [tilespmem:s29+$0x5440]  }
0x12a: {  	[tilespmem:s29+$0x10830] =	vst v3;
	v3 =	vld [tilespmem:s29+$0x18050]  }
0x12b: {  	[tilespmem:s29+$0x11430] =	vst v1;
	v1 =	vadd.f32 v4, v2;
	v4 =	vld [tilespmem:s29+$0x3050]  }
0x12c: {  	v6 =	vadd.f32 v8, v2;
	v8 =	vld [tilespmem:s29+$0x3C50]  }
0x12d: {  	[tilespmem:s29+$0xF040] =	vst v1;
	v1 =	vadd.f32 v7, v2;
	v7 =	vld [tilespmem:s29+$0x4850]  }
0x12e: {  	[tilespmem:s29+$0xFC40] =	vst v6;
	v5 =	vadd.f32 v5, v2;
	v6 =	vld [tilespmem:s29+$0x5450]  }
0x12f: {  	[tilespmem:s29+$0x10840] =	vst v1;
	v2 =	vld [tilespmem:s29+$0x18060]  }
0x130: {  	[tilespmem:s29+$0x11440] =	vst v5;
	v1 =	vadd.f32 v4, v3;
	v4 =	vld [tilespmem:s29+$0x3060]  }
0x131: {  	v5 =	vadd.f32 v8, v3;
	v8 =	vld [tilespmem:s29+$0x3C60]  }
0x132: {  	[tilespmem:s29+$0xF050] =	vst v1;
	v1 =	vadd.f32 v7, v3;
	v9 =	vld [tilespmem:s29+$0x4860]  }
.Ltmp3:
0x133: {  	[tilespmem:s29+$0xFC50] =	vst v5;
	v3 =	vadd.f32 v6, v3;
	v6 =	vld [tilespmem:s29+$0x5460];
	(pc) =	sbr.rel @p2 .LBB2_5-.Ltmp3, $4  }
0x134: {  	[tilespmem:s29+$0x10850] =	vst v1;
	v5 =	vld [tilespmem:s29+$0x3070]  }
0x135: {  	[tilespmem:s29+$0x11450] =	vst v3;
	v10 =	vadd.f32 v4, v2;
	v3 =	vld [tilespmem:s29+$0x3C70]  }
0x136: {  	s30 =	sshra.s32 s31, $0x2;
	v7 =	vadd.f32 v8, v2;
	v4 =	vld [tilespmem:s29+$0x4870]  }
0x137: {  	s31 =	sadd.s32 $0x200, s31;
	v1 =	vld [tilespmem:s30+$0x18070];
	[tilespmem:s29+$0xF060] =	vst v10;
	v8 =	vadd.f32 v9, v2  }
0x138: {  	v9 =	vld [tilespmem:s30+$0x5470];
	[tilespmem:s29+$0xFC60] =	vst v7;
	v2 =	vadd.f32 v6, v2  }
0x139: {  	v7 =	vld [tilespmem:s30+$0x18000];
	[tilespmem:s29+$0x10860] =	vst v8;
	v5 =	vadd.f32 v5, v0  }
0x13a: {  	v6 =	vld [tilespmem:s30+$0x3000];
	[tilespmem:s29+$0x11460] =	vst v2;
	v3 =	vadd.f32 v3, v0  }
0x13b: {  	v2 =	vld [tilespmem:s30+$0x3C00];
	[tilespmem:s29+$0xF070] =	vst v5;
	v0 =	vadd.f32 v4, v0  }
0x13c: {  	v5 =	vld [tilespmem:s30+$0x4800];
	[tilespmem:s29+$0xFC70] =	vst v3  }
0x13d: {  	v3 =	vld [tilespmem:s30+$0x5400];
	[tilespmem:s29+$0x10870] =	vst v0  }
0x13e: {  	v0 =	vadd.f32 v9, v1;
	v4 =	vld [tilespmem:s30+$0x18010]  }
0x13f: {  	v8 =	vld [tilespmem:s30+$0x3010];
	v6 =	vadd.f32 v6, v7  }
0x140: {  	[tilespmem:s30+$0x11470] =	vst v0;
	v0 =	vld [tilespmem:s30+$0x3C10];
	v2 =	vadd.f32 v2, v7  }
0x141: {  	[tilespmem:s30+$0xF000] =	vst v6;
	v6 =	vld [tilespmem:s30+$0x4810];
	v5 =	vadd.f32 v5, v7  }
0x142: {  	[tilespmem:s30+$0xFC00] =	vst v2;
	v2 =	vld [tilespmem:s30+$0x5410];
	v3 =	vadd.f32 v3, v7  }
0x143: {  	v7 =	vld [tilespmem:s30+$0x3020];
	[tilespmem:s30+$0x10800] =	vst v5  }
0x144: {  	v5 =	vld [tilespmem:s30+$0x18020];
	[tilespmem:s30+$0x11400] =	vst v3;
	v3 =	vadd.f32 v8, v4  }
0x145: {  	v8 =	vld [tilespmem:s30+$0x3C20];
	v0 =	vadd.f32 v0, v4  }
0x146: {  	[tilespmem:s30+$0xF010] =	vst v3;
	v3 =	vld [tilespmem:s30+$0x4820];
	v6 =	vadd.f32 v6, v4  }
0x147: {  	[tilespmem:s30+$0xFC10] =	vst v0;
	v0 =	vld [tilespmem:s30+$0x5420];
	v2 =	vadd.f32 v2, v4  }
0x148: {  	v4 =	vld [tilespmem:s30+$0x18030];
	[tilespmem:s30+$0x10810] =	vst v6  }
0x149: {  	v6 =	vld [tilespmem:s30+$0x3030];
	[tilespmem:s30+$0x11410] =	vst v2;
	v2 =	vadd.f32 v7, v5  }
0x14a: {  	v7 =	vld [tilespmem:s30+$0x3C30];
	v8 =	vadd.f32 v8, v5  }
0x14b: {  	[tilespmem:s30+$0xF020] =	vst v2;
	v2 =	vld [tilespmem:s30+$0x4830];
	v3 =	vadd.f32 v3, v5  }
0x14c: {  	[tilespmem:s30+$0xFC20] =	vst v8;
	v8 =	vld [tilespmem:s30+$0x5430];
	v0 =	vadd.f32 v0, v5  }
0x14d: {  	v5 =	vld [tilespmem:s30+$0x3040];
	[tilespmem:s30+$0x10820] =	vst v3  }
0x14e: {  	v3 =	vld [tilespmem:s30+$0x18040];
	[tilespmem:s30+$0x11420] =	vst v0;
	v0 =	vadd.f32 v6, v4  }
0x14f: {  	v6 =	vld [tilespmem:s30+$0x3C40];
	v7 =	vadd.f32 v7, v4  }
0x150: {  	[tilespmem:s30+$0xF030] =	vst v0;
	v0 =	vld [tilespmem:s30+$0x4840];
	v2 =	vadd.f32 v2, v4  }
0x151: {  	[tilespmem:s30+$0xFC30] =	vst v7;
	v7 =	vld [tilespmem:s30+$0x5440];
	v4 =	vadd.f32 v8, v4  }
0x152: {  	[tilespmem:s30+$0x10830] =	vst v2;
	v2 =	vld [tilespmem:s30+$0x18050]  }
0x153: {  	[tilespmem:s30+$0x11430] =	vst v4;
	v4 =	vadd.f32 v5, v3;
	v5 =	vld [tilespmem:s30+$0x3050]  }
0x154: {  	v8 =	vld [tilespmem:s30+$0x3C50];
	v6 =	vadd.f32 v6, v3  }
0x155: {  	[tilespmem:s30+$0xF040] =	vst v4;
	v4 =	vld [tilespmem:s30+$0x4850];
	v0 =	vadd.f32 v0, v3  }
0x156: {  	[tilespmem:s30+$0xFC40] =	vst v6;
	v6 =	vld [tilespmem:s30+$0x5450];
	v3 =	vadd.f32 v7, v3  }
0x157: {  	[tilespmem:s30+$0x10840] =	vst v0;
	v0 =	vld [tilespmem:s30+$0x18060]  }
0x158: {  	[tilespmem:s30+$0x11440] =	vst v3;
	v3 =	vadd.f32 v5, v2;
	v5 =	vld [tilespmem:s30+$0x3060]  }
0x159: {  	v7 =	vld [tilespmem:s30+$0x3C60];
	v8 =	vadd.f32 v8, v2  }
0x15a: {  	[tilespmem:s30+$0xF050] =	vst v3;
	v3 =	vld [tilespmem:s30+$0x4860];
	v4 =	vadd.f32 v4, v2  }
0x15b: {  	[tilespmem:s30+$0xFC50] =	vst v8;
	v8 =	vld [tilespmem:s30+$0x5460];
	v2 =	vadd.f32 v6, v2  }
0x15c: {  	[tilespmem:s30+$0x10850] =	vst v4;
	v4 =	vld [tilespmem:s30+$0x3070]  }
0x15d: {  	[tilespmem:s30+$0x11450] =	vst v2;
	v2 =	vadd.f32 v5, v0;
	v5 =	vld [tilespmem:s30+$0x3C70]  }
0x15e: {  	v6 =	vadd.f32 v7, v0;
	v7 =	vld [tilespmem:s30+$0x4870]  }
0x15f: {  	[tilespmem:s30+$0xF060] =	vst v2;
	v2 =	vadd.f32 v3, v0  }
0x160: {  	[tilespmem:s30+$0xFC60] =	vst v6;
	v0 =	vadd.f32 v8, v0  }
0x161: {  	[tilespmem:s30+$0x10860] =	vst v2;
	v2 =	vadd.f32 v4, v1  }
0x162: {  	[tilespmem:s30+$0x11460] =	vst v0;
	v0 =	vadd.f32 v5, v1  }
0x163: {  	s26 =	smul.u32 $0x180, s26;
	v1 =	vadd.f32 v7, v1;
	[tilespmem:s30+$0xF070] =	vst v2  }
0x164: {  	[tilespmem:s30+$0xFC70] =	vst v0  }
0x165: {  	s26 =	sadd.s32 s7, s26;
	[tilespmem:s30+$0x10870] =	vst v1  }
0x166: {  	[hbm4b:s26+s4] =	stream.linear.scatter [tilespmem:s0], [sflag:$0x6], $0xA00, $0x38;
	[tilespmem:$0x18C00] =	vst v63  }
0x167: {  	s29 =	sadd.s32 $0x180, s26  }
0x168: {  	[hbm4b:s29+s4] =	stream.linear.scatter [tilespmem:s2], [sflag:$0x6], $0xA00, $0x38;
	[tilespmem:$0x18C00] =	vst v63  }
0x169: {  	s29 =	sadd.s32 $0x300, s26  }
0x16a: {  	[hbm4b:s29+s4] =	stream.linear.scatter [tilespmem:s15], [sflag:$0x6], $0xA00, $0x38;
	[tilespmem:$0x18C00] =	vst v63  }
0x16b: {  	s29 =	sadd.s32 @!p1 s21, s12  }
0x16c: {  	s26 =	sadd.s32 $0x480, s26;
	s29 =	smul.u32 @!p1 $0x180, s29  }
0x16d: {  	[hbm4b:s26+s4] =	stream.linear.scatter [tilespmem:s18], [sflag:$0x6], $0xA00, $0x38;
	[tilespmem:$0x18C00] =	vst v63  }
0x16e: {  	s30 =	simm.s32 @!p1 $0x3000;
	s26 =	sadd.s32 @!p1 s5, s29;
	s29 =	simm.s32 @!p1 $0x0  }
0x16f: {  	[tilespmem:s30], [sflag:$0x2] =	stream.linear.gather @!p1 [hbm4b:s26+s29], $0xA00, $0x38;
	[tilespmem:$0x18C00] =	vst v63  }
0x170: {  	s31 =	simm.s32 @!p1 $0x3C00;
	s30 =	sadd.s32 @!p1 $0x180, s26  }
0x171: {  	[tilespmem:s31], [sflag:$0x2] =	stream.linear.gather @!p1 [hbm4b:s30+s29], $0xA00, $0x38;
	[tilespmem:$0x18C00] =	vst v63  }
0x172: {  	s30 =	sadd.s32 @!p1 $0x300, s26;
	s31 =	simm.s32 @!p1 $0x4800  }
0x173: {  	[tilespmem:s31], [sflag:$0x2] =	stream.linear.gather @!p1 [hbm4b:s30+s29], $0xA00, $0x38;
	[tilespmem:$0x18C00] =	vst v63  }
0x174: {  	s26 =	sadd.s32 @!p1 $0x480, s26;
	s30 =	simm.s32 @!p1 $0x5400  }
0x175: {  	[tilespmem:s30], [sflag:$0x2] =	stream.linear.gather @!p1 [hbm4b:s26+s29], $0xA00, $0x38;
	[tilespmem:$0x18C00] =	vst v63  }
0x176: {  	_ =	swait.ge [sflag:s20], $0x2800  }
0x177: {  	[sflag:s20] =	ssyncset.done $0x0  }
0x178: {  	s26 =	simm.s32 @!p0 $0x7;
	[sflag:s20] =	ssyncadd.s32 $0xFFFFD800  }
0x179: {  	_ =	swait.ge @!p0 [sflag:s26], $0x2800  }
0x17a: {  	[sflag:s26] =	ssyncset.done @!p0 $0x0  }
0x17b: {  	s29 =	simm.s32 $0x0;
	[sflag:s26] =	ssyncadd.s32 @!p0 $0xFFFFD800  }
0x17c: {  	v0 =	vld [tilespmem:s29+$0x18070]  }
0x17d: {  	v1 =	vld [tilespmem:s29+$0x8470]  }
0x17e: {  	v2 =	vld [tilespmem:s29+$0x18000]  }
0x17f: {  	v3 =	vld [tilespmem:s29+$0x6000]  }
0x180: {  	v4 =	vld [tilespmem:s29+$0x6C00]  }
0x181: {  	v5 =	vld [tilespmem:s29+$0x7800]  }
0x182: {  	v6 =	vld [tilespmem:s29+$0x8400]  }
0x183: {  	v7 =	vld [tilespmem:s29+$0x18010]  }
0x184: {  	v8 =	vld [tilespmem:s29+$0x6010];
	v1 =	vadd.f32 v1, v0  }
0x185: {  	v9 =	vld [tilespmem:s29+$0x8450];
	v3 =	vadd.f32 v3, v2  }
0x186: {  	v4 =	vadd.f32 v4, v2;
	[tilespmem:s29+$0x14470] =	vst v1;
	v1 =	vld [tilespmem:s29+$0x6C10]  }
0x187: {  	v5 =	vadd.f32 v5, v2;
	[tilespmem:s29+$0x12000] =	vst v3;
	v3 =	vld [tilespmem:s29+$0x7810]  }
0x188: {  	v2 =	vadd.f32 v6, v2;
	[tilespmem:s29+$0x12C00] =	vst v4;
	v4 =	vld [tilespmem:s29+$0x8410]  }
0x189: {  	v6 =	vld [tilespmem:s29+$0x6020];
	[tilespmem:s29+$0x13800] =	vst v5  }
0x18a: {  	v5 =	vld [tilespmem:s29+$0x18020];
	[tilespmem:s29+$0x14400] =	vst v2;
	v2 =	vadd.f32 v8, v7  }
0x18b: {  	v8 =	vld [tilespmem:s29+$0x6C20];
	v1 =	vadd.f32 v1, v7  }
0x18c: {  	[tilespmem:s29+$0x12010] =	vst v2;
	v2 =	vld [tilespmem:s29+$0x7820];
	v3 =	vadd.f32 v3, v7  }
0x18d: {  	v4 =	vadd.f32 v4, v7;
	v7 =	vld [tilespmem:s29+$0x6C30];
	[tilespmem:s29+$0x12C10] =	vst v1  }
0x18e: {  	v1 =	vld [tilespmem:s29+$0x8420];
	[tilespmem:s29+$0x13810] =	vst v3  }
0x18f: {  	v3 =	vld [tilespmem:s29+$0x18030];
	[tilespmem:s29+$0x14410] =	vst v4;
	v4 =	vadd.f32 v6, v5  }
0x190: {  	v8 =	vadd.f32 v8, v5;
	v6 =	vld [tilespmem:s29+$0x6030]  }
0x191: {  	v2 =	vadd.f32 v2, v5;
	[tilespmem:s29+$0x12020] =	vst v4;
	v4 =	vld [tilespmem:s29+$0x7830]  }
0x192: {  	[tilespmem:s29+$0x12C20] =	vst v8;
	v8 =	vld [tilespmem:s29+$0x8430]  }
0x193: {  	[tilespmem:s29+$0x13820] =	vst v2;
	v2 =	vld [tilespmem:s29+$0x18040];
	v1 =	vadd.f32 v1, v5  }
0x194: {  	v5 =	vld [tilespmem:s29+$0x6040];
	v7 =	vadd.f32 v7, v3  }
0x195: {  	[tilespmem:s29+$0x14420] =	vst v1;
	v1 =	vadd.f32 v6, v3;
	v6 =	vld [tilespmem:s29+$0x6C40]  }
0x196: {  	v4 =	vadd.f32 v4, v3;
	[tilespmem:s29+$0x12C30] =	vst v7;
	v7 =	vld [tilespmem:s29+$0x8440]  }
0x197: {  	v3 =	vadd.f32 v8, v3;
	[tilespmem:s29+$0x12030] =	vst v1;
	v1 =	vld [tilespmem:s29+$0x7840]  }
0x198: {  	[tilespmem:s29+$0x13830] =	vst v4;
	v4 =	vld [tilespmem:s29+$0x18050]  }
0x199: {  	[tilespmem:s29+$0x14430] =	vst v3;
	v3 =	vadd.f32 v5, v2;
	v5 =	vld [tilespmem:s29+$0x6050]  }
0x19a: {  	v8 =	vld [tilespmem:s29+$0x6C50];
	v6 =	vadd.f32 v6, v2  }
0x19b: {  	[tilespmem:s29+$0x12040] =	vst v3;
	v3 =	vld [tilespmem:s29+$0x7850]  }
0x19c: {  	v1 =	vadd.f32 v1, v2;
	[tilespmem:s29+$0x12C40] =	vst v6;
	v6 =	vadd.f32 v7, v2;
	v2 =	vld [tilespmem:s29+$0x18060]  }
0x19d: {  	v7 =	vld [tilespmem:s29+$0x6060]  }
0x19e: {  	v10 =	vld [tilespmem:s29+$0x6C60];
	[tilespmem:s29+$0x13840] =	vst v1;
	v1 =	vadd.f32 v5, v4  }
0x19f: {  	[tilespmem:s29+$0x14440] =	vst v6;
	v5 =	vadd.f32 v8, v4;
	v8 =	vld [tilespmem:s29+$0x7860]  }
0x1a0: {  	v6 =	vld [tilespmem:s29+$0x8460];
	[tilespmem:s29+$0x12050] =	vst v1;
	v1 =	vadd.f32 v3, v4;
	v3 =	vadd.f32 v9, v4  }
0x1a1: {  	[tilespmem:s29+$0x12C50] =	vst v5;
	v5 =	vld [tilespmem:s29+$0x6070]  }
0x1a2: {  	v9 =	vadd.f32 v7, v2;
	[tilespmem:s29+$0x14450] =	vst v3;
	v3 =	vld [tilespmem:s29+$0x6C70]  }
0x1a3: {  	s30 =	simm.s32 $0x80;
	v4 =	vld [tilespmem:s29+$0x7870];
	v7 =	vadd.f32 v10, v2;
	[tilespmem:s29+$0x13850] =	vst v1  }
0x1a4: {  	s31 =	simm.s32 $0x400;
	s26 =	sadd.s32 $0x8, s23;
	v1 =	vld [tilespmem:s30+$0x18070];
	[tilespmem:s29+$0x12060] =	vst v9;
	v8 =	vadd.f32 v8, v2  }
.LBB2_7:
0x1a5: {  	p2 =	sne.s32 s31, $0x2600;
	v9 =	vld [tilespmem:s30+$0x8470];
	[tilespmem:s29+$0x12C60] =	vst v7;
	v2 =	vadd.f32 v6, v2  }
0x1a6: {  	v6 =	vld [tilespmem:s30+$0x18000];
	[tilespmem:s29+$0x13860] =	vst v8;
	v5 =	vadd.f32 v5, v0  }
0x1a7: {  	v7 =	vld [tilespmem:s30+$0x6000];
	[tilespmem:s29+$0x14460] =	vst v2;
	v2 =	vadd.f32 v3, v0  }
0x1a8: {  	v3 =	vld [tilespmem:s30+$0x6C00];
	[tilespmem:s29+$0x12070] =	vst v5;
	v4 =	vadd.f32 v4, v0  }
0x1a9: {  	v5 =	vld [tilespmem:s30+$0x7800];
	[tilespmem:s29+$0x12C70] =	vst v2;
	v0 =	vmov v1  }
0x1aa: {  	v1 =	vld [tilespmem:s30+$0x8400];
	v2 =	vadd.f32 v9, v0;
	[tilespmem:s29+$0x13870] =	vst v4;
	s29 =	smov.u32 s30  }
0x1ab: {  	v4 =	vld [tilespmem:s29+$0x18010]  }
0x1ac: {  	v7 =	vadd.f32 v7, v6;
	v8 =	vld [tilespmem:s29+$0x6010];
	[tilespmem:s29+$0x14470] =	vst v2  }
0x1ad: {  	v2 =	vadd.f32 v3, v6;
	v3 =	vld [tilespmem:s29+$0x6C10]  }
0x1ae: {  	[tilespmem:s29+$0x12000] =	vst v7;
	v5 =	vadd.f32 v5, v6;
	v7 =	vld [tilespmem:s29+$0x7810]  }
0x1af: {  	[tilespmem:s29+$0x12C00] =	vst v2;
	v1 =	vadd.f32 v1, v6;
	v2 =	vld [tilespmem:s29+$0x8410]  }
0x1b0: {  	[tilespmem:s29+$0x13800] =	vst v5;
	v5 =	vld [tilespmem:s29+$0x18020]  }
0x1b1: {  	[tilespmem:s29+$0x14400] =	vst v1;
	v1 =	vadd.f32 v8, v4;
	v6 =	vld [tilespmem:s29+$0x6020]  }
0x1b2: {  	v3 =	vadd.f32 v3, v4;
	v8 =	vld [tilespmem:s29+$0x6C20]  }
0x1b3: {  	[tilespmem:s29+$0x12010] =	vst v1;
	v1 =	vadd.f32 v7, v4;
	v7 =	vld [tilespmem:s29+$0x7820]  }
0x1b4: {  	[tilespmem:s29+$0x12C10] =	vst v3;
	v2 =	vadd.f32 v2, v4;
	v3 =	vld [tilespmem:s29+$0x8420]  }
0x1b5: {  	[tilespmem:s29+$0x13810] =	vst v1;
	v1 =	vld [tilespmem:s29+$0x18030]  }
0x1b6: {  	[tilespmem:s29+$0x14410] =	vst v2;
	v2 =	vadd.f32 v6, v5;
	v4 =	vld [tilespmem:s29+$0x6030]  }
0x1b7: {  	v6 =	vadd.f32 v8, v5;
	v8 =	vld [tilespmem:s29+$0x6C30]  }
0x1b8: {  	[tilespmem:s29+$0x12020] =	vst v2;
	v2 =	vadd.f32 v7, v5;
	v7 =	vld [tilespmem:s29+$0x7830]  }
0x1b9: {  	[tilespmem:s29+$0x12C20] =	vst v6;
	v3 =	vadd.f32 v3, v5;
	v5 =	vld [tilespmem:s29+$0x8430]  }
0x1ba: {  	[tilespmem:s29+$0x13820] =	vst v2;
	v2 =	vld [tilespmem:s29+$0x18040]  }
0x1bb: {  	[tilespmem:s29+$0x14420] =	vst v3;
	v3 =	vadd.f32 v4, v1;
	v4 =	vld [tilespmem:s29+$0x6040]  }
0x1bc: {  	v6 =	vadd.f32 v8, v1;
	v8 =	vld [tilespmem:s29+$0x6C40]  }
0x1bd: {  	[tilespmem:s29+$0x12030] =	vst v3;
	v3 =	vadd.f32 v7, v1;
	v7 =	vld [tilespmem:s29+$0x7840]  }
0x1be: {  	[tilespmem:s29+$0x12C30] =	vst v6;
	v1 =	vadd.f32 v5, v1;
	v5 =	vld [tilespmem:s29+$0x8440]  }
0x1bf: {  	[tilespmem:s29+$0x13830] =	vst v3;
	v3 =	vld [tilespmem:s29+$0x18050]  }
0x1c0: {  	[tilespmem:s29+$0x14430] =	vst v1;
	v1 =	vadd.f32 v4, v2;
	v4 =	vld [tilespmem:s29+$0x6050]  }
0x1c1: {  	v6 =	vadd.f32 v8, v2;
	v8 =	vld [tilespmem:s29+$0x6C50]  }
0x1c2: {  	[tilespmem:s29+$0x12040] =	vst v1;
	v1 =	vadd.f32 v7, v2;
	v7 =	vld [tilespmem:s29+$0x7850]  }
0x1c3: {  	[tilespmem:s29+$0x12C40] =	vst v6;
	v5 =	vadd.f32 v5, v2;
	v6 =	vld [tilespmem:s29+$0x8450]  }
0x1c4: {  	[tilespmem:s29+$0x13840] =	vst v1;
	v2 =	vld [tilespmem:s29+$0x18060]  }
0x1c5: {  	[tilespmem:s29+$0x14440] =	vst v5;
	v1 =	vadd.f32 v4, v3;
	v4 =	vld [tilespmem:s29+$0x6060]  }
0x1c6: {  	v5 =	vadd.f32 v8, v3;
	v8 =	vld [tilespmem:s29+$0x6C60]  }
0x1c7: {  	[tilespmem:s29+$0x12050] =	vst v1;
	v1 =	vadd.f32 v7, v3;
	v9 =	vld [tilespmem:s29+$0x7860]  }
.Ltmp4:
0x1c8: {  	[tilespmem:s29+$0x12C50] =	vst v5;
	v3 =	vadd.f32 v6, v3;
	v6 =	vld [tilespmem:s29+$0x8460];
	(pc) =	sbr.rel @p2 .LBB2_7-.Ltmp4, $4  }
0x1c9: {  	[tilespmem:s29+$0x13850] =	vst v1;
	v5 =	vld [tilespmem:s29+$0x6070]  }
0x1ca: {  	[tilespmem:s29+$0x14450] =	vst v3;
	v10 =	vadd.f32 v4, v2;
	v3 =	vld [tilespmem:s29+$0x6C70]  }
0x1cb: {  	s30 =	sshra.s32 s31, $0x2;
	v7 =	vadd.f32 v8, v2;
	v4 =	vld [tilespmem:s29+$0x7870]  }
0x1cc: {  	s31 =	sadd.s32 $0x200, s31;
	v1 =	vld [tilespmem:s30+$0x18070];
	[tilespmem:s29+$0x12060] =	vst v10;
	v8 =	vadd.f32 v9, v2  }
0x1cd: {  	v9 =	vld [tilespmem:s30+$0x8470];
	[tilespmem:s29+$0x12C60] =	vst v7;
	v2 =	vadd.f32 v6, v2  }
0x1ce: {  	v7 =	vld [tilespmem:s30+$0x18000];
	[tilespmem:s29+$0x13860] =	vst v8;
	v5 =	vadd.f32 v5, v0  }
0x1cf: {  	v6 =	vld [tilespmem:s30+$0x6000];
	[tilespmem:s29+$0x14460] =	vst v2;
	v3 =	vadd.f32 v3, v0  }
0x1d0: {  	v2 =	vld [tilespmem:s30+$0x6C00];
	[tilespmem:s29+$0x12070] =	vst v5;
	v0 =	vadd.f32 v4, v0  }
0x1d1: {  	v5 =	vld [tilespmem:s30+$0x7800];
	[tilespmem:s29+$0x12C70] =	vst v3  }
0x1d2: {  	v3 =	vld [tilespmem:s30+$0x8400];
	[tilespmem:s29+$0x13870] =	vst v0  }
0x1d3: {  	v0 =	vadd.f32 v9, v1;
	v4 =	vld [tilespmem:s30+$0x18010]  }
0x1d4: {  	v8 =	vld [tilespmem:s30+$0x6010];
	v6 =	vadd.f32 v6, v7  }
0x1d5: {  	[tilespmem:s30+$0x14470] =	vst v0;
	v0 =	vld [tilespmem:s30+$0x6C10];
	v2 =	vadd.f32 v2, v7  }
0x1d6: {  	[tilespmem:s30+$0x12000] =	vst v6;
	v6 =	vld [tilespmem:s30+$0x7810];
	v5 =	vadd.f32 v5, v7  }
0x1d7: {  	[tilespmem:s30+$0x12C00] =	vst v2;
	v2 =	vld [tilespmem:s30+$0x8410];
	v3 =	vadd.f32 v3, v7  }
0x1d8: {  	v7 =	vld [tilespmem:s30+$0x6020];
	[tilespmem:s30+$0x13800] =	vst v5  }
0x1d9: {  	v5 =	vld [tilespmem:s30+$0x18020];
	[tilespmem:s30+$0x14400] =	vst v3;
	v3 =	vadd.f32 v8, v4  }
0x1da: {  	v8 =	vld [tilespmem:s30+$0x6C20];
	v0 =	vadd.f32 v0, v4  }
0x1db: {  	[tilespmem:s30+$0x12010] =	vst v3;
	v3 =	vld [tilespmem:s30+$0x7820];
	v6 =	vadd.f32 v6, v4  }
0x1dc: {  	[tilespmem:s30+$0x12C10] =	vst v0;
	v0 =	vld [tilespmem:s30+$0x8420];
	v2 =	vadd.f32 v2, v4  }
0x1dd: {  	v4 =	vld [tilespmem:s30+$0x18030];
	[tilespmem:s30+$0x13810] =	vst v6  }
0x1de: {  	v6 =	vld [tilespmem:s30+$0x6030];
	[tilespmem:s30+$0x14410] =	vst v2;
	v2 =	vadd.f32 v7, v5  }
0x1df: {  	v7 =	vld [tilespmem:s30+$0x6C30];
	v8 =	vadd.f32 v8, v5  }
0x1e0: {  	[tilespmem:s30+$0x12020] =	vst v2;
	v2 =	vld [tilespmem:s30+$0x7830];
	v3 =	vadd.f32 v3, v5  }
0x1e1: {  	[tilespmem:s30+$0x12C20] =	vst v8;
	v8 =	vld [tilespmem:s30+$0x8430];
	v0 =	vadd.f32 v0, v5  }
0x1e2: {  	v5 =	vld [tilespmem:s30+$0x6040];
	[tilespmem:s30+$0x13820] =	vst v3  }
0x1e3: {  	v3 =	vld [tilespmem:s30+$0x18040];
	[tilespmem:s30+$0x14420] =	vst v0;
	v0 =	vadd.f32 v6, v4  }
0x1e4: {  	v6 =	vld [tilespmem:s30+$0x6C40];
	v7 =	vadd.f32 v7, v4  }
0x1e5: {  	[tilespmem:s30+$0x12030] =	vst v0;
	v0 =	vld [tilespmem:s30+$0x7840];
	v2 =	vadd.f32 v2, v4  }
0x1e6: {  	[tilespmem:s30+$0x12C30] =	vst v7;
	v7 =	vld [tilespmem:s30+$0x8440];
	v4 =	vadd.f32 v8, v4  }
0x1e7: {  	[tilespmem:s30+$0x13830] =	vst v2;
	v2 =	vld [tilespmem:s30+$0x18050]  }
0x1e8: {  	[tilespmem:s30+$0x14430] =	vst v4;
	v4 =	vadd.f32 v5, v3;
	v5 =	vld [tilespmem:s30+$0x6050]  }
0x1e9: {  	v8 =	vld [tilespmem:s30+$0x6C50];
	v6 =	vadd.f32 v6, v3  }
0x1ea: {  	[tilespmem:s30+$0x12040] =	vst v4;
	v4 =	vld [tilespmem:s30+$0x7850];
	v0 =	vadd.f32 v0, v3  }
0x1eb: {  	[tilespmem:s30+$0x12C40] =	vst v6;
	v6 =	vld [tilespmem:s30+$0x8450];
	v3 =	vadd.f32 v7, v3  }
0x1ec: {  	[tilespmem:s30+$0x13840] =	vst v0;
	v0 =	vld [tilespmem:s30+$0x18060]  }
0x1ed: {  	[tilespmem:s30+$0x14440] =	vst v3;
	v3 =	vadd.f32 v5, v2;
	v5 =	vld [tilespmem:s30+$0x6060]  }
0x1ee: {  	v7 =	vld [tilespmem:s30+$0x6C60];
	v8 =	vadd.f32 v8, v2  }
0x1ef: {  	[tilespmem:s30+$0x12050] =	vst v3;
	v3 =	vld [tilespmem:s30+$0x7860];
	v4 =	vadd.f32 v4, v2  }
0x1f0: {  	[tilespmem:s30+$0x12C50] =	vst v8;
	v8 =	vld [tilespmem:s30+$0x8460];
	v2 =	vadd.f32 v6, v2  }
0x1f1: {  	[tilespmem:s30+$0x13850] =	vst v4;
	v4 =	vld [tilespmem:s30+$0x6070]  }
0x1f2: {  	[tilespmem:s30+$0x14450] =	vst v2;
	v2 =	vadd.f32 v5, v0;
	v5 =	vld [tilespmem:s30+$0x6C70]  }
0x1f3: {  	v6 =	vadd.f32 v7, v0;
	v7 =	vld [tilespmem:s30+$0x7870]  }
0x1f4: {  	[tilespmem:s30+$0x12060] =	vst v2;
	v2 =	vadd.f32 v3, v0  }
0x1f5: {  	[tilespmem:s30+$0x12C60] =	vst v6;
	v0 =	vadd.f32 v8, v0  }
0x1f6: {  	[tilespmem:s30+$0x13860] =	vst v2;
	v2 =	vadd.f32 v4, v1  }
0x1f7: {  	[tilespmem:s30+$0x14460] =	vst v0;
	v0 =	vadd.f32 v5, v1  }
0x1f8: {  	s26 =	smul.u32 $0x180, s26;
	v1 =	vadd.f32 v7, v1;
	[tilespmem:s30+$0x12070] =	vst v2  }
0x1f9: {  	[tilespmem:s30+$0x12C70] =	vst v0  }
0x1fa: {  	s26 =	sadd.s32 s7, s26;
	[tilespmem:s30+$0x13870] =	vst v1  }
0x1fb: {  	[hbm4b:s26+s4] =	stream.linear.scatter [tilespmem:s22], [sflag:$0x7], $0xA00, $0x38;
	[tilespmem:$0x18C00] =	vst v63  }
0x1fc: {  	s29 =	sadd.s32 $0x180, s26  }
0x1fd: {  	[hbm4b:s29+s4] =	stream.linear.scatter [tilespmem:s25], [sflag:$0x7], $0xA00, $0x38;
	[tilespmem:$0x18C00] =	vst v63  }
0x1fe: {  	s29 =	sadd.s32 $0x300, s26  }
0x1ff: {  	[hbm4b:s29+s4] =	stream.linear.scatter [tilespmem:s28], [sflag:$0x7], $0xA00, $0x38;
	[tilespmem:$0x18C00] =	vst v63  }
0x200: {  	s29 =	sadd.s32 @!p1 s21, s13  }
0x201: {  	s26 =	sadd.s32 $0x480, s26;
	s29 =	smul.u32 @!p1 $0x180, s29  }
0x202: {  	[hbm4b:s26+s4] =	stream.linear.scatter [tilespmem:s6], [sflag:$0x7], $0xA00, $0x38;
	[tilespmem:$0x18C00] =	vst v63  }
0x203: {  	s30 =	simm.s32 @!p1 $0x6000;
	s26 =	sadd.s32 @!p1 s5, s29;
	s29 =	simm.s32 @!p1 $0x0  }
0x204: {  	[tilespmem:s30], [sflag:$0x3] =	stream.linear.gather @!p1 [hbm4b:s26+s29], $0xA00, $0x38;
	[tilespmem:$0x18C00] =	vst v63  }
0x205: {  	s31 =	simm.s32 @!p1 $0x6C00;
	s30 =	sadd.s32 @!p1 $0x180, s26  }
0x206: {  	[tilespmem:s31], [sflag:$0x3] =	stream.linear.gather @!p1 [hbm4b:s30+s29], $0xA00, $0x38;
	[tilespmem:$0x18C00] =	vst v63  }
0x207: {  	s30 =	sadd.s32 @!p1 $0x300, s26;
	s31 =	simm.s32 @!p1 $0x7800  }
0x208: {  	[tilespmem:s31], [sflag:$0x3] =	stream.linear.gather @!p1 [hbm4b:s30+s29], $0xA00, $0x38;
	[tilespmem:$0x18C00] =	vst v63  }
0x209: {  	s26 =	sadd.s32 @!p1 $0x480, s26;
	s30 =	simm.s32 @!p1 $0x8400  }
0x20a: {  	[tilespmem:s30], [sflag:$0x3] =	stream.linear.gather @!p1 [hbm4b:s26+s29], $0xA00, $0x38;
	[tilespmem:$0x18C00] =	vst v63  }
0x20b: {  	_ =	swait.ge [sflag:s17], $0x2800  }
0x20c: {  	[sflag:s17] =	ssyncset.done $0x0  }
0x20d: {  	s26 =	simm.s32 @!p0 $0x8;
	[sflag:s17] =	ssyncadd.s32 $0xFFFFD800  }
0x20e: {  	_ =	swait.ge @!p0 [sflag:s26], $0x2800  }
0x20f: {  	[sflag:s26] =	ssyncset.done @!p0 $0x0  }
0x210: {  	[sflag:s26] =	ssyncadd.s32 @!p0 $0xFFFFD800;
	s26 =	simm.s32 $0x0  }
0x211: {  	v0 =	vld [tilespmem:s26+$0x18070]  }
0x212: {  	v1 =	vld [tilespmem:s26+$0xB470]  }
0x213: {  	v2 =	vld [tilespmem:s26+$0x18000]  }
0x214: {  	v3 =	vld [tilespmem:s26+$0x9000]  }
0x215: {  	v4 =	vld [tilespmem:s26+$0x9C00]  }
0x216: {  	v5 =	vld [tilespmem:s26+$0xA800]  }
0x217: {  	v6 =	vld [tilespmem:s26+$0xB400]  }
0x218: {  	v7 =	vld [tilespmem:s26+$0x18010]  }
0x219: {  	v8 =	vld [tilespmem:s26+$0x9010];
	v1 =	vadd.f32 v1, v0  }
0x21a: {  	v9 =	vld [tilespmem:s26+$0xB450];
	v3 =	vadd.f32 v3, v2  }
0x21b: {  	v4 =	vadd.f32 v4, v2;
	[tilespmem:s26+$0x17470] =	vst v1;
	v1 =	vld [tilespmem:s26+$0x9C10]  }
0x21c: {  	v5 =	vadd.f32 v5, v2;
	[tilespmem:s26+$0x15000] =	vst v3;
	v3 =	vld [tilespmem:s26+$0xA810]  }
0x21d: {  	v2 =	vadd.f32 v6, v2;
	[tilespmem:s26+$0x15C00] =	vst v4;
	v4 =	vld [tilespmem:s26+$0xB410]  }
0x21e: {  	v6 =	vld [tilespmem:s26+$0x9020];
	[tilespmem:s26+$0x16800] =	vst v5  }
0x21f: {  	v5 =	vld [tilespmem:s26+$0x18020];
	[tilespmem:s26+$0x17400] =	vst v2;
	v2 =	vadd.f32 v8, v7  }
0x220: {  	v8 =	vld [tilespmem:s26+$0x9C20];
	v1 =	vadd.f32 v1, v7  }
0x221: {  	[tilespmem:s26+$0x15010] =	vst v2;
	v2 =	vld [tilespmem:s26+$0xA820];
	v3 =	vadd.f32 v3, v7  }
0x222: {  	v4 =	vadd.f32 v4, v7;
	v7 =	vld [tilespmem:s26+$0x9C30];
	[tilespmem:s26+$0x15C10] =	vst v1  }
0x223: {  	v1 =	vld [tilespmem:s26+$0xB420];
	[tilespmem:s26+$0x16810] =	vst v3  }
0x224: {  	v3 =	vld [tilespmem:s26+$0x18030];
	[tilespmem:s26+$0x17410] =	vst v4;
	v4 =	vadd.f32 v6, v5  }
0x225: {  	v8 =	vadd.f32 v8, v5;
	v6 =	vld [tilespmem:s26+$0x9030]  }
0x226: {  	v2 =	vadd.f32 v2, v5;
	[tilespmem:s26+$0x15020] =	vst v4;
	v4 =	vld [tilespmem:s26+$0xA830]  }
0x227: {  	[tilespmem:s26+$0x15C20] =	vst v8;
	v8 =	vld [tilespmem:s26+$0xB430]  }
0x228: {  	[tilespmem:s26+$0x16820] =	vst v2;
	v2 =	vld [tilespmem:s26+$0x18040];
	v1 =	vadd.f32 v1, v5  }
0x229: {  	v5 =	vld [tilespmem:s26+$0x9040];
	v7 =	vadd.f32 v7, v3  }
0x22a: {  	[tilespmem:s26+$0x17420] =	vst v1;
	v1 =	vadd.f32 v6, v3;
	v6 =	vld [tilespmem:s26+$0x9C40]  }
0x22b: {  	v4 =	vadd.f32 v4, v3;
	[tilespmem:s26+$0x15C30] =	vst v7;
	v7 =	vld [tilespmem:s26+$0xB440]  }
0x22c: {  	v3 =	vadd.f32 v8, v3;
	[tilespmem:s26+$0x15030] =	vst v1;
	v1 =	vld [tilespmem:s26+$0xA840]  }
0x22d: {  	[tilespmem:s26+$0x16830] =	vst v4;
	v4 =	vld [tilespmem:s26+$0x18050]  }
0x22e: {  	[tilespmem:s26+$0x17430] =	vst v3;
	v3 =	vadd.f32 v5, v2;
	v5 =	vld [tilespmem:s26+$0x9050]  }
0x22f: {  	v8 =	vld [tilespmem:s26+$0x9C50];
	v6 =	vadd.f32 v6, v2  }
0x230: {  	[tilespmem:s26+$0x15040] =	vst v3;
	v3 =	vld [tilespmem:s26+$0xA850]  }
0x231: {  	v1 =	vadd.f32 v1, v2;
	[tilespmem:s26+$0x15C40] =	vst v6;
	v6 =	vadd.f32 v7, v2;
	v2 =	vld [tilespmem:s26+$0x18060]  }
0x232: {  	v7 =	vld [tilespmem:s26+$0x9060]  }
0x233: {  	v10 =	vld [tilespmem:s26+$0x9C60];
	[tilespmem:s26+$0x16840] =	vst v1;
	v1 =	vadd.f32 v5, v4  }
0x234: {  	[tilespmem:s26+$0x17440] =	vst v6;
	v5 =	vadd.f32 v8, v4;
	v8 =	vld [tilespmem:s26+$0xA860]  }
0x235: {  	v6 =	vld [tilespmem:s26+$0xB460];
	[tilespmem:s26+$0x15050] =	vst v1;
	v1 =	vadd.f32 v3, v4;
	v3 =	vadd.f32 v9, v4  }
0x236: {  	[tilespmem:s26+$0x15C50] =	vst v5;
	v5 =	vld [tilespmem:s26+$0x9070]  }
0x237: {  	v9 =	vadd.f32 v7, v2;
	[tilespmem:s26+$0x17450] =	vst v3;
	v3 =	vld [tilespmem:s26+$0x9C70]  }
0x238: {  	s29 =	simm.s32 $0x80;
	v4 =	vld [tilespmem:s26+$0xA870];
	v7 =	vadd.f32 v10, v2;
	[tilespmem:s26+$0x16850] =	vst v1  }
0x239: {  	s23 =	sadd.s32 $0xC, s23;
	s30 =	simm.s32 $0x400;
	v1 =	vld [tilespmem:s29+$0x18070];
	[tilespmem:s26+$0x15060] =	vst v9;
	v8 =	vadd.f32 v8, v2  }
.LBB2_9:
0x23a: {  	p0 =	sne.s32 s30, $0x2600;
	v9 =	vld [tilespmem:s29+$0xB470];
	[tilespmem:s26+$0x15C60] =	vst v7;
	v2 =	vadd.f32 v6, v2  }
0x23b: {  	v6 =	vld [tilespmem:s29+$0x18000];
	[tilespmem:s26+$0x16860] =	vst v8;
	v5 =	vadd.f32 v5, v0  }
0x23c: {  	v7 =	vld [tilespmem:s29+$0x9000];
	[tilespmem:s26+$0x17460] =	vst v2;
	v2 =	vadd.f32 v3, v0  }
0x23d: {  	v3 =	vld [tilespmem:s29+$0x9C00];
	[tilespmem:s26+$0x15070] =	vst v5;
	v4 =	vadd.f32 v4, v0  }
0x23e: {  	v5 =	vld [tilespmem:s29+$0xA800];
	[tilespmem:s26+$0x15C70] =	vst v2;
	v0 =	vmov v1  }
0x23f: {  	v1 =	vld [tilespmem:s29+$0xB400];
	v2 =	vadd.f32 v9, v0;
	[tilespmem:s26+$0x16870] =	vst v4;
	s26 =	smov.u32 s29  }
0x240: {  	v4 =	vld [tilespmem:s26+$0x18010]  }
0x241: {  	v7 =	vadd.f32 v7, v6;
	v8 =	vld [tilespmem:s26+$0x9010];
	[tilespmem:s26+$0x17470] =	vst v2  }
0x242: {  	v2 =	vadd.f32 v3, v6;
	v3 =	vld [tilespmem:s26+$0x9C10]  }
0x243: {  	[tilespmem:s26+$0x15000] =	vst v7;
	v5 =	vadd.f32 v5, v6;
	v7 =	vld [tilespmem:s26+$0xA810]  }
0x244: {  	[tilespmem:s26+$0x15C00] =	vst v2;
	v1 =	vadd.f32 v1, v6;
	v2 =	vld [tilespmem:s26+$0xB410]  }
0x245: {  	[tilespmem:s26+$0x16800] =	vst v5;
	v5 =	vld [tilespmem:s26+$0x18020]  }
0x246: {  	[tilespmem:s26+$0x17400] =	vst v1;
	v1 =	vadd.f32 v8, v4;
	v6 =	vld [tilespmem:s26+$0x9020]  }
0x247: {  	v3 =	vadd.f32 v3, v4;
	v8 =	vld [tilespmem:s26+$0x9C20]  }
0x248: {  	[tilespmem:s26+$0x15010] =	vst v1;
	v1 =	vadd.f32 v7, v4;
	v7 =	vld [tilespmem:s26+$0xA820]  }
0x249: {  	[tilespmem:s26+$0x15C10] =	vst v3;
	v2 =	vadd.f32 v2, v4;
	v3 =	vld [tilespmem:s26+$0xB420]  }
0x24a: {  	[tilespmem:s26+$0x16810] =	vst v1;
	v1 =	vld [tilespmem:s26+$0x18030]  }
0x24b: {  	[tilespmem:s26+$0x17410] =	vst v2;
	v2 =	vadd.f32 v6, v5;
	v4 =	vld [tilespmem:s26+$0x9030]  }
0x24c: {  	v6 =	vadd.f32 v8, v5;
	v8 =	vld [tilespmem:s26+$0x9C30]  }
0x24d: {  	[tilespmem:s26+$0x15020] =	vst v2;
	v2 =	vadd.f32 v7, v5;
	v7 =	vld [tilespmem:s26+$0xA830]  }
0x24e: {  	[tilespmem:s26+$0x15C20] =	vst v6;
	v3 =	vadd.f32 v3, v5;
	v5 =	vld [tilespmem:s26+$0xB430]  }
0x24f: {  	[tilespmem:s26+$0x16820] =	vst v2;
	v2 =	vld [tilespmem:s26+$0x18040]  }
0x250: {  	[tilespmem:s26+$0x17420] =	vst v3;
	v3 =	vadd.f32 v4, v1;
	v4 =	vld [tilespmem:s26+$0x9040]  }
0x251: {  	v6 =	vadd.f32 v8, v1;
	v8 =	vld [tilespmem:s26+$0x9C40]  }
0x252: {  	[tilespmem:s26+$0x15030] =	vst v3;
	v3 =	vadd.f32 v7, v1;
	v7 =	vld [tilespmem:s26+$0xA840]  }
0x253: {  	[tilespmem:s26+$0x15C30] =	vst v6;
	v1 =	vadd.f32 v5, v1;
	v5 =	vld [tilespmem:s26+$0xB440]  }
0x254: {  	[tilespmem:s26+$0x16830] =	vst v3;
	v3 =	vld [tilespmem:s26+$0x18050]  }
0x255: {  	[tilespmem:s26+$0x17430] =	vst v1;
	v1 =	vadd.f32 v4, v2;
	v4 =	vld [tilespmem:s26+$0x9050]  }
0x256: {  	v6 =	vadd.f32 v8, v2;
	v8 =	vld [tilespmem:s26+$0x9C50]  }
0x257: {  	[tilespmem:s26+$0x15040] =	vst v1;
	v1 =	vadd.f32 v7, v2;
	v7 =	vld [tilespmem:s26+$0xA850]  }
0x258: {  	[tilespmem:s26+$0x15C40] =	vst v6;
	v5 =	vadd.f32 v5, v2;
	v6 =	vld [tilespmem:s26+$0xB450]  }
0x259: {  	[tilespmem:s26+$0x16840] =	vst v1;
	v2 =	vld [tilespmem:s26+$0x18060]  }
0x25a: {  	[tilespmem:s26+$0x17440] =	vst v5;
	v1 =	vadd.f32 v4, v3;
	v4 =	vld [tilespmem:s26+$0x9060]  }
0x25b: {  	v5 =	vadd.f32 v8, v3;
	v8 =	vld [tilespmem:s26+$0x9C60]  }
0x25c: {  	[tilespmem:s26+$0x15050] =	vst v1;
	v1 =	vadd.f32 v7, v3;
	v9 =	vld [tilespmem:s26+$0xA860]  }
.Ltmp5:
0x25d: {  	[tilespmem:s26+$0x15C50] =	vst v5;
	v3 =	vadd.f32 v6, v3;
	v6 =	vld [tilespmem:s26+$0xB460];
	(pc) =	sbr.rel @p0 .LBB2_9-.Ltmp5, $4  }
0x25e: {  	[tilespmem:s26+$0x16850] =	vst v1;
	v5 =	vld [tilespmem:s26+$0x9070]  }
0x25f: {  	[tilespmem:s26+$0x17450] =	vst v3;
	v10 =	vadd.f32 v4, v2;
	v3 =	vld [tilespmem:s26+$0x9C70]  }
0x260: {  	s29 =	sshra.s32 s30, $0x2;
	v7 =	vadd.f32 v8, v2;
	v4 =	vld [tilespmem:s26+$0xA870]  }
0x261: {  	s30 =	sadd.s32 $0x200, s30;
	v1 =	vld [tilespmem:s29+$0x18070];
	[tilespmem:s26+$0x15060] =	vst v10;
	v8 =	vadd.f32 v9, v2  }
0x262: {  	v9 =	vld [tilespmem:s29+$0xB470];
	[tilespmem:s26+$0x15C60] =	vst v7;
	v2 =	vadd.f32 v6, v2  }
0x263: {  	v7 =	vld [tilespmem:s29+$0x18000];
	[tilespmem:s26+$0x16860] =	vst v8;
	v5 =	vadd.f32 v5, v0  }
0x264: {  	v18 =	vld [tilespmem:s29+$0x9000];
	[tilespmem:s26+$0x17460] =	vst v2;
	v3 =	vadd.f32 v3, v0  }
0x265: {  	v2 =	vld [tilespmem:s29+$0x9C00];
	[tilespmem:s26+$0x15070] =	vst v5;
	v19 =	vadd.f32 v4, v0  }
0x266: {  	v5 =	vld [tilespmem:s29+$0xA800];
	[tilespmem:s26+$0x15C70] =	vst v3  }
0x267: {  	v3 =	vld [tilespmem:s29+$0xB400];
	[tilespmem:s26+$0x16870] =	vst v19  }
0x268: {  	v21 =	vld [tilespmem:s29+$0x18010]  }
0x269: {  	v8 =	vld [tilespmem:s29+$0x9010]  }
0x26a: {  	v22 =	vld [tilespmem:s29+$0x9C10]  }
0x26b: {  	v23 =	vld [tilespmem:s29+$0xA810]  }
0x26c: {  	v24 =	vld [tilespmem:s29+$0xB410]  }
0x26d: {  	v25 =	vld [tilespmem:s29+$0x18020]  }
0x26e: {  	v20 =	vadd.f32 v9, v1;
	v27 =	vld [tilespmem:s29+$0x9020]  }
0x26f: {  	v28 =	vld [tilespmem:s29+$0x9C20];
	v6 =	vadd.f32 v18, v7  }
0x270: {  	v31 =	vld [tilespmem:s29+$0x18030];
	[tilespmem:s29+$0x17470] =	vst v20;
	v2 =	vadd.f32 v2, v7  }
0x271: {  	v33 =	vld [tilespmem:s29+$0x9030];
	[tilespmem:s29+$0x15000] =	vst v6;
	v5 =	vadd.f32 v5, v7  }
0x272: {  	v34 =	vld [tilespmem:s29+$0x9C30];
	[tilespmem:s29+$0x15C00] =	vst v2;
	v3 =	vadd.f32 v3, v7  }
0x273: {  	v36 =	vld [tilespmem:s29+$0xB430];
	[tilespmem:s29+$0x16800] =	vst v5;
	v26 =	vadd.f32 v8, v21  }
0x274: {  	v37 =	vld [tilespmem:s29+$0x18040];
	v0 =	vadd.f32 v22, v21;
	[tilespmem:s29+$0x17400] =	vst v3  }
0x275: {  	v39 =	vld [tilespmem:s29+$0x9040];
	v6 =	vadd.f32 v23, v21;
	[tilespmem:s29+$0x15010] =	vst v26  }
0x276: {  	v43 =	vld [tilespmem:s29+$0x18050];
	v2 =	vadd.f32 v24, v21;
	[tilespmem:s29+$0x15C10] =	vst v0  }
0x277: {  	v45 =	vld [tilespmem:s29+$0x9050];
	v32 =	vadd.f32 v27, v25;
	[tilespmem:s29+$0x16810] =	vst v6  }
0x278: {  	v49 =	vld [tilespmem:s29+$0x18060];
	v8 =	vadd.f32 v28, v25;
	[tilespmem:s29+$0x17410] =	vst v2  }
0x279: {  	v51 =	vld [tilespmem:s29+$0x9060];
	v38 =	vadd.f32 v33, v31;
	[tilespmem:s29+$0x15020] =	vst v32  }
0x27a: {  	v52 =	vld [tilespmem:s29+$0x9C60];
	v7 =	vadd.f32 v34, v31;
	[tilespmem:s29+$0x15C20] =	vst v8  }
0x27b: {  	v53 =	vld [tilespmem:s29+$0xA860];
	v4 =	vadd.f32 v36, v31;
	[tilespmem:s29+$0x15030] =	vst v38  }
0x27c: {  	v55 =	vld [tilespmem:s29+$0x9070];
	v44 =	vadd.f32 v39, v37;
	[tilespmem:s29+$0x15C30] =	vst v7  }
0x27d: {  	v57 =	vld [tilespmem:s29+$0x9C70];
	v50 =	vadd.f32 v45, v43;
	[tilespmem:s29+$0x17430] =	vst v4  }
0x27e: {  	v59 =	vld [tilespmem:s29+$0xA870];
	v56 =	vadd.f32 v51, v49;
	[tilespmem:s29+$0x15040] =	vst v44  }
0x27f: {  	v29 =	vld [tilespmem:s29+$0xA820];
	v58 =	vadd.f32 v52, v49;
	[tilespmem:s29+$0x15050] =	vst v50  }
0x280: {  	v30 =	vld [tilespmem:s29+$0xB420];
	v60 =	vadd.f32 v53, v49;
	[tilespmem:s29+$0x15060] =	vst v56  }
0x281: {  	v35 =	vld [tilespmem:s29+$0xA830];
	v61 =	vadd.f32 v55, v1;
	[tilespmem:s29+$0x15C60] =	vst v58  }
0x282: {  	v40 =	vld [tilespmem:s29+$0x9C40];
	v62 =	vadd.f32 v57, v1;
	[tilespmem:s29+$0x16860] =	vst v60  }
0x283: {  	v46 =	vld [tilespmem:s29+$0x9C50];
	v63 =	vadd.f32 v59, v1;
	[tilespmem:s29+$0x15070] =	vst v61  }
0x284: {  	v47 =	vld [tilespmem:s29+$0xA850];
	v3 =	vadd.f32 v29, v25;
	[tilespmem:s29+$0x15C70] =	vst v62  }
0x285: {  	v42 =	vld [tilespmem:s29+$0xB440];
	v0 =	vadd.f32 v30, v25;
	[tilespmem:s29+$0x16870] =	vst v63  }
0x286: {  	v41 =	vld [tilespmem:s29+$0xA840];
	v2 =	vadd.f32 v35, v31;
	[tilespmem:s29+$0x16820] =	vst v3  }
0x287: {  	v48 =	vld [tilespmem:s29+$0xB450];
	v6 =	vadd.f32 v40, v37;
	[tilespmem:s29+$0x17420] =	vst v0  }
0x288: {  	v54 =	vld [tilespmem:s29+$0xB460];
	v8 =	vadd.f32 v46, v43;
	[tilespmem:s29+$0x16830] =	vst v2  }
0x289: {  	v4 =	vadd.f32 v47, v43;
	[tilespmem:s29+$0x15C40] =	vst v6  }
0x28a: {  	v3 =	vadd.f32 v42, v37;
	[tilespmem:s29+$0x15C50] =	vst v8  }
0x28b: {  	v0 =	vadd.f32 v41, v37;
	[tilespmem:s29+$0x16850] =	vst v4  }
0x28c: {  	v2 =	vadd.f32 v48, v43;
	[tilespmem:s29+$0x17440] =	vst v3  }
0x28d: {  	s23 =	smul.u32 $0x180, s23;
	[tilespmem:s29+$0x16840] =	vst v0;
	v0 =	vadd.f32 v54, v49  }
0x28e: {  	[tilespmem:s29+$0x17450] =	vst v2  }
0x28f: {  	s23 =	sadd.s32 s7, s23;
	[tilespmem:s29+$0x17460] =	vst v0  }
0x290: {  	[hbm4b:s23+s4] =	stream.linear.scatter [tilespmem:s8], [sflag:$0x8], $0xA00, $0x38;
	[tilespmem:$0x18C00] =	vst v63  }
0x291: {  	s30 =	sadd.s32 $0x180, s23  }
0x292: {  	[hbm4b:s30+s4] =	stream.linear.scatter [tilespmem:s9], [sflag:$0x8], $0xA00, $0x38;
	[tilespmem:$0x18C00] =	vst v63  }
.Ltmp6:
0x293: {  	_ = 	snop;
	(pc) =	sbr.rel @p1 .LBB2_12-.Ltmp6, $4  }
0x294: {  	s31 =	sadd.s32 $0x300, s23  }
0x295: {  	[hbm4b:s31+s4] =	stream.linear.scatter [tilespmem:s10], [sflag:$0x8], $0xA00, $0x38;
	[tilespmem:$0x18C00] =	vst v63  }
0x296: {  	s23 =	sadd.s32 $0x480, s23  }
0x297: {  	[hbm4b:s23+s4] =	stream.linear.scatter [tilespmem:s16], [sflag:$0x8], $0xA00, $0x38;
	[tilespmem:$0x18C00] =	vst v63  }
0x298: {  	s21 =	sadd.s32 s21, s14  }
0x299: {  	s21 =	smul.u32 $0x180, s21;
	_ =	sdelay $0x1  }
0x29a: {  	s23 =	simm.s32 $0x9000;
	s21 =	sadd.s32 s5, s21  }
0x29b: {  	[tilespmem:s23], [sflag:$0x4] =	stream.linear.gather [hbm4b:s21+s4], $0xA00, $0x38;
	[tilespmem:$0x18C00] =	vst v63  }
0x29c: {  	s26 =	simm.s32 $0x9C00;
	s31 =	sadd.s32 $0x180, s21  }
0x29d: {  	[tilespmem:s26], [sflag:$0x4] =	stream.linear.gather [hbm4b:s31+s4], $0xA00, $0x38;
	[tilespmem:$0x18C00] =	vst v63  }
.Ltmp7:
0x29e: {  	_ = 	snop;
	(pc) =	sbr.rel .LBB2_2-.Ltmp7, $4  }
0x29f: {  	s30 =	simm.s32 $0xA800;
	s29 =	sadd.s32 $0x300, s21  }
0x2a0: {  	[tilespmem:s30], [sflag:$0x4] =	stream.linear.gather [hbm4b:s29+s4], $0xA00, $0x38;
	[tilespmem:$0x18C00] =	vst v63  }
0x2a1: {  	s19 =	sadd.s32 $0x1, s19;
	s21 =	sadd.s32 $0x480, s21;
	s31 =	simm.s32 $0xB400  }
0x2a2: {  	[tilespmem:s31], [sflag:$0x4] =	stream.linear.gather [hbm4b:s21+s4], $0xA00, $0x38;
	[tilespmem:$0x18C00] =	vst v63  }
.LBB2_13:
0x2a3: {  	_ =	sfence.sel $0x180000  }
0x2a4: {  	[bflag:$0x0] =	sbarrier.arrive $0xFFFF  }
0x2a5: {  	_ =	strace $0x90000047  }
0x2a6: {  	s0 =	stileid.u32;
	[bflag:$0x2] =	sbarrier.arrive $0xFFFF  }
0x2a7: {  	p0 =	sne.s32 s0, $0x0;
	s0 =	rddreg [dreg:$0x2]  }
0x2a8: {  	s0 =	sadd.s32 @!p0 $0x100000, s0  }
0x2a9: {  	[sflag:s0] =	ssyncadd.tile.s32 @!p0 $0x1;
	_ =	shalt  }
.Lfunc_end2:
_tile_overlayer_lowered:
.L_overlay_start_2:
0x2aa: {  	(tag) =	ssettag $0x2  }
0x2ab: {  	s0 =	rddreg [dreg:$0x0];
	s2 =	stileid.u32  }
0x2ac: {  	s1 =	rddreg [dreg:$0x1];
	p0 =	sne.s32 s2, $0x0  }
0x2ad: {  	s3 =	rddreg [dreg:$0x2];
	[bflag:$0x3] =	sbarrier.arrive $0xFFFF;
	s2 =	simm.s32 @!p0 $0x1C09  }
0x2ae: {  	[timem:s3], [sflag:s2] =	dma.local @!p0 [hbm:s0], s1  }
0x2af: {  	s0 =	simm.s32 @!p0 $0x9  }
0x2b0: {  	_ =	swait.ge @!p0 [sflag:s0], s1  }
0x2b1: {  	s1 =	ssub.s32 @!p0 $0x0, s1;
	[sflag:s0] =	ssyncset.done @!p0 $0x0  }
0x2b2: {  	[sflag:s0] =	ssyncadd.s32 @!p0 s1  }
0x2b3: {  	[bflag:$0x3] =	sbarrier.arrive $0xFFFF  }
0x2b4: {  	_ =	shalt  }

</sc_bundles>
